<compile_context>
chip_gen: v7x
topology: tpu7x:2x2x1
jax: 0.10.2.dev20260603
libtpu: 0.0.44.dev20260713+nightly
codegen_flags: <defaults>
</compile_context>

<pallas_src>
import jax
import jax.numpy as jnp
from jax import lax
from jax.experimental import pallas as pl
from jax.experimental.pallas import tpu as pltpu
from jax.experimental.pallas import tpu_sc as plsc

B = 16384
D = 128

_info = plsc.get_sparse_core_info()
NC = _info.num_cores
NS = _info.num_subcores
L = _info.num_lanes
NW = NC * NS
BPW = B // NW
CH = 128
NCHUNK = BPW // CH


NBUF = 2


def _body(ut, itab, us, its, out, uidx, iidx, ub, ib, outv, stage,
          sem0, sem1, isem, osem):
    wid = lax.axis_index("s") * NC + lax.axis_index("c")
    base = wid * BPW
    idx_cp = [
        (pltpu.async_copy(us.at[pl.ds(base + c * CH, CH)],
                          uidx.at[pl.ds(c * CH, CH)], isem),
         pltpu.async_copy(its.at[pl.ds(base + c * CH, CH)],
                          iidx.at[pl.ds(c * CH, CH)], isem))
        for c in range(NCHUNK)
    ]
    sems = (sem0, sem1)

    def start(c):
        slot = c % NBUF
        cu, ci = idx_cp[c]
        cu.wait()
        ci.wait()
        du = pltpu.async_copy(ut.at[uidx.at[pl.ds(c * CH, CH)]], ub.at[slot],
                              sems[slot])
        di = pltpu.async_copy(itab.at[iidx.at[pl.ds(c * CH, CH)]], ib.at[slot],
                              sems[slot])
        return du, di

    lane17 = lax.iota(jnp.int32, L) * 17
    pend = [start(0)]
    out_cp = []
    for c in range(NCHUNK):
        slot = c % NBUF
        du, di = pend.pop(0)
        du.wait()
        di.wait()
        if c + 1 < NCHUNK:
            pend.append(start(c + 1))
        ubs = ub.at[slot]
        ibs = ib.at[slot]

        @plsc.parallel_loop(0, CH, 1, unroll=1)
        def _row(r, ubs=ubs, ibs=ibs):
            ps = []
            for k in range(D // L):
                uvk = ubs[r, pl.ds(k * L, L)]
                ivk = ibs[r, pl.ds(k * L, L)]
                ps.append(uvk * ivk)
            while len(ps) > 1:
                ps = [a + b for a, b in zip(ps[::2], ps[1::2])]
            idx = lane17 + (r & (L - 1)) + ((r >> 4) * (L * 17))
            plsc.store_scatter(stage, [idx], ps[0])

        @plsc.parallel_loop(0, CH // L, 1, unroll=1)
        def _comb(g, c=c):
            tot = [stage[pl.ds(g * (L * 17) + j * 17, L)] for j in range(L)]
            while len(tot) > 1:
                tot = [a + b for a, b in zip(tot[::2], tot[1::2])]
            sig = 1.0 / (1.0 + jnp.exp(-tot[0]))
            outv[pl.ds(c * CH + g * L, L)] = sig

        out_cp.append(pltpu.async_copy(outv.at[pl.ds(c * CH, CH)],
                                       out.at[pl.ds(base + c * CH, CH)], osem))
    for cp in out_cp:
        cp.wait()


def kernel(users, items, user_table, item_table):
    k = pl.kernel(
        _body,
        out_type=jax.ShapeDtypeStruct((B,), jnp.float32),
        mesh=plsc.VectorSubcoreMesh(core_axis_name="c", subcore_axis_name="s"),
        compiler_params=pltpu.CompilerParams(needs_layout_passes=False),
        scratch_types=[
            pltpu.VMEM((BPW,), jnp.int32),
            pltpu.VMEM((BPW,), jnp.int32),
            pltpu.VMEM((NBUF, CH, D), jnp.float32),
            pltpu.VMEM((NBUF, CH, D), jnp.float32),
            pltpu.VMEM((BPW,), jnp.float32),
            pltpu.VMEM(((CH // L) * L * 17,), jnp.float32),
            pltpu.SemaphoreType.DMA,
            pltpu.SemaphoreType.DMA,
            pltpu.SemaphoreType.DMA,
            pltpu.SemaphoreType.DMA,
        ],
    )
    return k(user_table, item_table, users, items)

# --- scband reference (transcript-rebuilt; emitter-appended) ---
"""Pipeline reference for scband-pure-mf-50397146251918 (READ-ONLY COPY).

The authoritative reference and input builder live on the scoring server;
editing this copy changes nothing except your own understanding.
"""

import jax, jax.numpy as jnp
import numpy as np

NUM_USERS = 100000
NUM_ITEMS = 100000
LATENT_DIM = 128
BATCH = 16384

def setup_inputs(seed: int = 0) -> dict:
    key = jax.random.key(seed)
    k1, k2, k3, k4 = jax.random.split(key, 4)
    users = jax.random.randint(k1, (BATCH,), 0, NUM_USERS, dtype=jnp.int64 if jax.config.jax_enable_x64 else jnp.int32).astype(jnp.int32)
    items = jax.random.randint(k2, (BATCH,), 0, NUM_ITEMS, dtype=jnp.int32)
    # trunc_normal(std=0.03) approximated by clipped normal
    user_table = jnp.clip(jax.random.normal(k3, (NUM_USERS, LATENT_DIM), dtype=jnp.float32) * 0.03, -0.06, 0.06)
    item_table = jnp.clip(jax.random.normal(k4, (NUM_ITEMS, LATENT_DIM), dtype=jnp.float32) * 0.03, -0.06, 0.06)
    return {"users": users, "items": items, "user_table": user_table, "item_table": item_table}

def reference(users, items, user_table, item_table):
    users_emb = jnp.take(user_table, users, axis=0)   # [B, D] gather
    items_emb = jnp.take(item_table, items, axis=0)   # [B, D] gather
    scores = jnp.sum(users_emb * items_emb, axis=1)   # [B]
    return jax.nn.sigmoid(scores)

if __name__ == "__main__":
    import jax
    _d = setup_inputs()
    print(jax.jit(kernel)(*tuple(_d.values())))

</pallas_src>

<mosaic_0001>
#map = affine_map<(d0, d1) -> (0, 0)>
#map1 = affine_map<(d0, d1) -> (0)>
module attributes {stable_mosaic.version = 14 : i64} {
  func.func @_body(%arg0: i32, %arg1: i32, %arg2: memref<100000x128xf32, #tpu.memory_space<hbm>>, %arg3: memref<100000x128xf32, #tpu.memory_space<hbm>>, %arg4: memref<16384xi32, #tpu.memory_space<hbm>>, %arg5: memref<16384xi32, #tpu.memory_space<hbm>>, %arg6: memref<16384xf32, #tpu.memory_space<hbm>>, %arg7: memref<512xi32, #tpu.memory_space<vmem>>, %arg8: memref<512xi32, #tpu.memory_space<vmem>>, %arg9: memref<2x128x128xf32, #tpu.memory_space<vmem>>, %arg10: memref<2x128x128xf32, #tpu.memory_space<vmem>>, %arg11: memref<512xf32, #tpu.memory_space<vmem>>, %arg12: memref<2176xf32, #tpu.memory_space<vmem>>, %arg13: memref<!tpu.dma_semaphore, #tpu.memory_space<semaphore_mem>>, %arg14: memref<!tpu.dma_semaphore, #tpu.memory_space<semaphore_mem>>, %arg15: memref<!tpu.dma_semaphore, #tpu.memory_space<semaphore_mem>>, %arg16: memref<!tpu.dma_semaphore, #tpu.memory_space<semaphore_mem>>) attributes {dimension_semantics = [#tpu.dimension_semantics<core_parallel>, #tpu.dimension_semantics<subcore_parallel>], iteration_bounds = array<i64: 2, 16>, scalar_prefetch = 0 : i64, scratch_operands = 10 : i64, tpu.core_type = #tpu.core_type<sc_vector_subcore>, window_params = [{transform_indices = #map}, {transform_indices = #map}, {transform_indices = #map1}, {transform_indices = #map1}, {transform_indices = #map1}]} {
    %mul3A = arith.constant 2 : i32
    %mul3A_0 = arith.muli %arg1, %mul3A : i32
    %add3A = arith.addi %mul3A_0, %arg0 : i32
    %mul3A_1 = arith.constant 512 : i32
    %mul3A_2 = arith.muli %add3A, %mul3A_1 : i32
    %add3A_3 = arith.constant 0 : i32
    %add3A_4 = arith.addi %mul3A_2, %add3A_3 : i32
    %dma_start3A = arith.constant 0 : i32
    %dma_start3A_5 = tpu.memref_slice %arg7[%dma_start3A] : memref<512xi32, #tpu.memory_space<vmem>> -> memref<128xi32, #tpu.memory_space<vmem>>
    %dma_start3A_6 = tpu.memref_slice %arg4[%add3A_4] : memref<16384xi32, #tpu.memory_space<hbm>> -> memref<128xi32, #tpu.memory_space<hbm>>
    %dma_start3A_7 = arith.constant 0 : i32
    %dma_start3A_8 = tpu.memref_slice %arg7[%dma_start3A_7] : memref<512xi32, #tpu.memory_space<vmem>> -> memref<128xi32, #tpu.memory_space<vmem>>
    %dma_start3A_9 = tpu.memref_slice %arg4[%add3A_4] : memref<16384xi32, #tpu.memory_space<hbm>> -> memref<128xi32, #tpu.memory_space<hbm>>
    tpu.enqueue_dma source(%dma_start3A_9 : memref<128xi32, #tpu.memory_space<hbm>>) target(%dma_start3A_8 : memref<128xi32, #tpu.memory_space<vmem>>) target_semaphore(%arg15 : memref<!tpu.dma_semaphore, #tpu.memory_space<semaphore_mem>>)
    %add3A_10 = arith.constant 0 : i32
    %add3A_11 = arith.addi %mul3A_2, %add3A_10 : i32
    %dma_start3A_12 = arith.constant 0 : i32
    %dma_start3A_13 = tpu.memref_slice %arg8[%dma_start3A_12] : memref<512xi32, #tpu.memory_space<vmem>> -> memref<128xi32, #tpu.memory_space<vmem>>
    %dma_start3A_14 = tpu.memref_slice %arg5[%add3A_11] : memref<16384xi32, #tpu.memory_space<hbm>> -> memref<128xi32, #tpu.memory_space<hbm>>
    %dma_start3A_15 = arith.constant 0 : i32
    %dma_start3A_16 = tpu.memref_slice %arg8[%dma_start3A_15] : memref<512xi32, #tpu.memory_space<vmem>> -> memref<128xi32, #tpu.memory_space<vmem>>
    %dma_start3A_17 = tpu.memref_slice %arg5[%add3A_11] : memref<16384xi32, #tpu.memory_space<hbm>> -> memref<128xi32, #tpu.memory_space<hbm>>
    tpu.enqueue_dma source(%dma_start3A_17 : memref<128xi32, #tpu.memory_space<hbm>>) target(%dma_start3A_16 : memref<128xi32, #tpu.memory_space<vmem>>) target_semaphore(%arg15 : memref<!tpu.dma_semaphore, #tpu.memory_space<semaphore_mem>>)
    %add3A_18 = arith.constant 128 : i32
    %add3A_19 = arith.addi %mul3A_2, %add3A_18 : i32
    %dma_start3A_20 = arith.constant 128 : i32
    %dma_start3A_21 = tpu.memref_slice %arg7[%dma_start3A_20] : memref<512xi32, #tpu.memory_space<vmem>> -> memref<128xi32, #tpu.memory_space<vmem>>
    %dma_start3A_22 = tpu.memref_slice %arg4[%add3A_19] : memref<16384xi32, #tpu.memory_space<hbm>> -> memref<128xi32, #tpu.memory_space<hbm>>
    %dma_start3A_23 = arith.constant 128 : i32
    %dma_start3A_24 = tpu.memref_slice %arg7[%dma_start3A_23] : memref<512xi32, #tpu.memory_space<vmem>> -> memref<128xi32, #tpu.memory_space<vmem>>
    %dma_start3A_25 = tpu.memref_slice %arg4[%add3A_19] : memref<16384xi32, #tpu.memory_space<hbm>> -> memref<128xi32, #tpu.memory_space<hbm>>
    tpu.enqueue_dma source(%dma_start3A_25 : memref<128xi32, #tpu.memory_space<hbm>>) target(%dma_start3A_24 : memref<128xi32, #tpu.memory_space<vmem>>) target_semaphore(%arg15 : memref<!tpu.dma_semaphore, #tpu.memory_space<semaphore_mem>>)
    %add3A_26 = arith.constant 128 : i32
    %add3A_27 = arith.addi %mul3A_2, %add3A_26 : i32
    %dma_start3A_28 = arith.constant 128 : i32
    %dma_start3A_29 = tpu.memref_slice %arg8[%dma_start3A_28] : memref<512xi32, #tpu.memory_space<vmem>> -> memref<128xi32, #tpu.memory_space<vmem>>
    %dma_start3A_30 = tpu.memref_slice %arg5[%add3A_27] : memref<16384xi32, #tpu.memory_space<hbm>> -> memref<128xi32, #tpu.memory_space<hbm>>
    %dma_start3A_31 = arith.constant 128 : i32
    %dma_start3A_32 = tpu.memref_slice %arg8[%dma_start3A_31] : memref<512xi32, #tpu.memory_space<vmem>> -> memref<128xi32, #tpu.memory_space<vmem>>
    %dma_start3A_33 = tpu.memref_slice %arg5[%add3A_27] : memref<16384xi32, #tpu.memory_space<hbm>> -> memref<128xi32, #tpu.memory_space<hbm>>
    tpu.enqueue_dma source(%dma_start3A_33 : memref<128xi32, #tpu.memory_space<hbm>>) target(%dma_start3A_32 : memref<128xi32, #tpu.memory_space<vmem>>) target_semaphore(%arg15 : memref<!tpu.dma_semaphore, #tpu.memory_space<semaphore_mem>>)
    %add3A_34 = arith.constant 256 : i32
    %add3A_35 = arith.addi %mul3A_2, %add3A_34 : i32
    %dma_start3A_36 = arith.constant 256 : i32
    %dma_start3A_37 = tpu.memref_slice %arg7[%dma_start3A_36] : memref<512xi32, #tpu.memory_space<vmem>> -> memref<128xi32, #tpu.memory_space<vmem>>
    %dma_start3A_38 = tpu.memref_slice %arg4[%add3A_35] : memref<16384xi32, #tpu.memory_space<hbm>> -> memref<128xi32, #tpu.memory_space<hbm>>
    %dma_start3A_39 = arith.constant 256 : i32
    %dma_start3A_40 = tpu.memref_slice %arg7[%dma_start3A_39] : memref<512xi32, #tpu.memory_space<vmem>> -> memref<128xi32, #tpu.memory_space<vmem>>
    %dma_start3A_41 = tpu.memref_slice %arg4[%add3A_35] : memref<16384xi32, #tpu.memory_space<hbm>> -> memref<128xi32, #tpu.memory_space<hbm>>
    tpu.enqueue_dma source(%dma_start3A_41 : memref<128xi32, #tpu.memory_space<hbm>>) target(%dma_start3A_40 : memref<128xi32, #tpu.memory_space<vmem>>) target_semaphore(%arg15 : memref<!tpu.dma_semaphore, #tpu.memory_space<semaphore_mem>>)
    %add3A_42 = arith.constant 256 : i32
    %add3A_43 = arith.addi %mul3A_2, %add3A_42 : i32
    %dma_start3A_44 = arith.constant 256 : i32
    %dma_start3A_45 = tpu.memref_slice %arg8[%dma_start3A_44] : memref<512xi32, #tpu.memory_space<vmem>> -> memref<128xi32, #tpu.memory_space<vmem>>
    %dma_start3A_46 = tpu.memref_slice %arg5[%add3A_43] : memref<16384xi32, #tpu.memory_space<hbm>> -> memref<128xi32, #tpu.memory_space<hbm>>
    %dma_start3A_47 = arith.constant 256 : i32
    %dma_start3A_48 = tpu.memref_slice %arg8[%dma_start3A_47] : memref<512xi32, #tpu.memory_space<vmem>> -> memref<128xi32, #tpu.memory_space<vmem>>
    %dma_start3A_49 = tpu.memref_slice %arg5[%add3A_43] : memref<16384xi32, #tpu.memory_space<hbm>> -> memref<128xi32, #tpu.memory_space<hbm>>
    tpu.enqueue_dma source(%dma_start3A_49 : memref<128xi32, #tpu.memory_space<hbm>>) target(%dma_start3A_48 : memref<128xi32, #tpu.memory_space<vmem>>) target_semaphore(%arg15 : memref<!tpu.dma_semaphore, #tpu.memory_space<semaphore_mem>>)
    %add3A_50 = arith.constant 384 : i32
    %add3A_51 = arith.addi %mul3A_2, %add3A_50 : i32
    %dma_start3A_52 = arith.constant 384 : i32
    %dma_start3A_53 = tpu.memref_slice %arg7[%dma_start3A_52] : memref<512xi32, #tpu.memory_space<vmem>> -> memref<128xi32, #tpu.memory_space<vmem>>
    %dma_start3A_54 = tpu.memref_slice %arg4[%add3A_51] : memref<16384xi32, #tpu.memory_space<hbm>> -> memref<128xi32, #tpu.memory_space<hbm>>
    %dma_start3A_55 = arith.constant 384 : i32
    %dma_start3A_56 = tpu.memref_slice %arg7[%dma_start3A_55] : memref<512xi32, #tpu.memory_space<vmem>> -> memref<128xi32, #tpu.memory_space<vmem>>
    %dma_start3A_57 = tpu.memref_slice %arg4[%add3A_51] : memref<16384xi32, #tpu.memory_space<hbm>> -> memref<128xi32, #tpu.memory_space<hbm>>
    tpu.enqueue_dma source(%dma_start3A_57 : memref<128xi32, #tpu.memory_space<hbm>>) target(%dma_start3A_56 : memref<128xi32, #tpu.memory_space<vmem>>) target_semaphore(%arg15 : memref<!tpu.dma_semaphore, #tpu.memory_space<semaphore_mem>>)
    %add3A_58 = arith.constant 384 : i32
    %add3A_59 = arith.addi %mul3A_2, %add3A_58 : i32
    %dma_start3A_60 = arith.constant 384 : i32
    %dma_start3A_61 = tpu.memref_slice %arg8[%dma_start3A_60] : memref<512xi32, #tpu.memory_space<vmem>> -> memref<128xi32, #tpu.memory_space<vmem>>
    %dma_start3A_62 = tpu.memref_slice %arg5[%add3A_59] : memref<16384xi32, #tpu.memory_space<hbm>> -> memref<128xi32, #tpu.memory_space<hbm>>
    %dma_start3A_63 = arith.constant 384 : i32
    %dma_start3A_64 = tpu.memref_slice %arg8[%dma_start3A_63] : memref<512xi32, #tpu.memory_space<vmem>> -> memref<128xi32, #tpu.memory_space<vmem>>
    %dma_start3A_65 = tpu.memref_slice %arg5[%add3A_59] : memref<16384xi32, #tpu.memory_space<hbm>> -> memref<128xi32, #tpu.memory_space<hbm>>
    tpu.enqueue_dma source(%dma_start3A_65 : memref<128xi32, #tpu.memory_space<hbm>>) target(%dma_start3A_64 : memref<128xi32, #tpu.memory_space<vmem>>) target_semaphore(%arg15 : memref<!tpu.dma_semaphore, #tpu.memory_space<semaphore_mem>>)
    %iota3A = tpu.iota {dimensions = array<i32: 0>} : vector<16xi32>
    %mul3A_66 = arith.constant 17 : i32
    %mul3A_67 = vector.broadcast %mul3A_66 : i32 to vector<16xi32>
    %mul3A_68 = arith.muli %iota3A, %mul3A_67 : vector<16xi32>
    %dma_wait3A = arith.constant 0 : i32
    %dma_wait3A_69 = tpu.memref_slice %arg7[%dma_wait3A] : memref<512xi32, #tpu.memory_space<vmem>> -> memref<128xi32, #tpu.memory_space<vmem>>
    %dma_wait3A_70 = tpu.memref_slice %arg4[%add3A_4] : memref<16384xi32, #tpu.memory_space<hbm>> -> memref<128xi32, #tpu.memory_space<hbm>>
    %dma_wait3A_71 = arith.constant 0 : i32
    %dma_wait3A_72 = tpu.memref_slice %arg7[%dma_wait3A_71] : memref<512xi32, #tpu.memory_space<vmem>> -> memref<128xi32, #tpu.memory_space<vmem>>
    %dma_wait3A_73 = tpu.memref_slice %arg4[%add3A_4] : memref<16384xi32, #tpu.memory_space<hbm>> -> memref<128xi32, #tpu.memory_space<hbm>>
    tpu.wait_dma2 semaphore(%arg15 : memref<!tpu.dma_semaphore, #tpu.memory_space<semaphore_mem>>) src(%dma_wait3A_73 : memref<128xi32, #tpu.memory_space<hbm>>) dst(%dma_wait3A_72 : memref<128xi32, #tpu.memory_space<vmem>>)
    %dma_wait3A_74 = arith.constant 0 : i32
    %dma_wait3A_75 = tpu.memref_slice %arg8[%dma_wait3A_74] : memref<512xi32, #tpu.memory_space<vmem>> -> memref<128xi32, #tpu.memory_space<vmem>>
    %dma_wait3A_76 = tpu.memref_slice %arg5[%add3A_11] : memref<16384xi32, #tpu.memory_space<hbm>> -> memref<128xi32, #tpu.memory_space<hbm>>
    %dma_wait3A_77 = arith.constant 0 : i32
    %dma_wait3A_78 = tpu.memref_slice %arg8[%dma_wait3A_77] : memref<512xi32, #tpu.memory_space<vmem>> -> memref<128xi32, #tpu.memory_space<vmem>>
    %dma_wait3A_79 = tpu.memref_slice %arg5[%add3A_11] : memref<16384xi32, #tpu.memory_space<hbm>> -> memref<128xi32, #tpu.memory_space<hbm>>
    tpu.wait_dma2 semaphore(%arg15 : memref<!tpu.dma_semaphore, #tpu.memory_space<semaphore_mem>>) src(%dma_wait3A_79 : memref<128xi32, #tpu.memory_space<hbm>>) dst(%dma_wait3A_78 : memref<128xi32, #tpu.memory_space<vmem>>)
    %dma_start3A_80 = arith.constant 0 : i32
    %dma_start3A_81 = arith.constant 0 : i32
    %dma_start3A_82 = arith.constant 0 : i32
    %dma_start3A_83 = tpu.memref_slice %arg9[%dma_start3A_80, %dma_start3A_81, %dma_start3A_82] : memref<2x128x128xf32, #tpu.memory_space<vmem>> -> memref<1x128x128xf32, #tpu.memory_space<vmem>>
    %dma_start3A_84 = tpu.memref_squeeze %dma_start3A_83 : memref<1x128x128xf32, #tpu.memory_space<vmem>> -> memref<128x128xf32, #tpu.memory_space<vmem>>
    %dma_start3A_85 = arith.constant 0 : i32
    %dma_start3A_86 = tpu.memref_slice %arg7[%dma_start3A_85] : memref<512xi32, #tpu.memory_space<vmem>> -> memref<128xi32, #tpu.memory_space<vmem>>
    %dma_start3A_87 = arith.constant 0 : i32
    %dma_start3A_88 = arith.constant 0 : i32
    %dma_start3A_89 = tpu.memref_slice %arg2[%dma_start3A_87, %dma_start3A_88] : memref<100000x128xf32, #tpu.memory_space<hbm>> -> memref<100000x128xf32, #tpu.memory_space<hbm>>
    tpu.enqueue_indirect_dma source(%dma_start3A_89 : memref<100000x128xf32, #tpu.memory_space<hbm>>) target(%dma_start3A_84 : memref<128x128xf32, #tpu.memory_space<vmem>>) offsets(%dma_start3A_86 : memref<128xi32, #tpu.memory_space<vmem>>) semaphore(%arg13 : memref<!tpu.dma_semaphore, #tpu.memory_space<semaphore_mem>>)
    %dma_start3A_90 = arith.constant 0 : i32
    %dma_start3A_91 = arith.constant 0 : i32
    %dma_start3A_92 = arith.constant 0 : i32
    %dma_start3A_93 = tpu.memref_slice %arg10[%dma_start3A_90, %dma_start3A_91, %dma_start3A_92] : memref<2x128x128xf32, #tpu.memory_space<vmem>> -> memref<1x128x128xf32, #tpu.memory_space<vmem>>
    %dma_start3A_94 = tpu.memref_squeeze %dma_start3A_93 : memref<1x128x128xf32, #tpu.memory_space<vmem>> -> memref<128x128xf32, #tpu.memory_space<vmem>>
    %dma_start3A_95 = arith.constant 0 : i32
    %dma_start3A_96 = tpu.memref_slice %arg8[%dma_start3A_95] : memref<512xi32, #tpu.memory_space<vmem>> -> memref<128xi32, #tpu.memory_space<vmem>>
    %dma_start3A_97 = arith.constant 0 : i32
    %dma_start3A_98 = arith.constant 0 : i32
    %dma_start3A_99 = tpu.memref_slice %arg3[%dma_start3A_97, %dma_start3A_98] : memref<100000x128xf32, #tpu.memory_space<hbm>> -> memref<100000x128xf32, #tpu.memory_space<hbm>>
    tpu.enqueue_indirect_dma source(%dma_start3A_99 : memref<100000x128xf32, #tpu.memory_space<hbm>>) target(%dma_start3A_94 : memref<128x128xf32, #tpu.memory_space<vmem>>) offsets(%dma_start3A_96 : memref<128xi32, #tpu.memory_space<vmem>>) semaphore(%arg13 : memref<!tpu.dma_semaphore, #tpu.memory_space<semaphore_mem>>)
    %dma_wait3A_100 = arith.constant 0 : i32
    %dma_wait3A_101 = arith.constant 0 : i32
    %dma_wait3A_102 = arith.constant 0 : i32
    %dma_wait3A_103 = tpu.memref_slice %arg9[%dma_wait3A_100, %dma_wait3A_101, %dma_wait3A_102] : memref<2x128x128xf32, #tpu.memory_space<vmem>> -> memref<1x128x128xf32, #tpu.memory_space<vmem>>
    %dma_wait3A_104 = tpu.memref_squeeze %dma_wait3A_103 : memref<1x128x128xf32, #tpu.memory_space<vmem>> -> memref<128x128xf32, #tpu.memory_space<vmem>>
    %dma_wait3A_105 = arith.constant 0 : i32
    %dma_wait3A_106 = tpu.memref_slice %arg7[%dma_wait3A_105] : memref<512xi32, #tpu.memory_space<vmem>> -> memref<128xi32, #tpu.memory_space<vmem>>
    %dma_wait3A_107 = arith.constant 0 : i32
    %dma_wait3A_108 = arith.constant 0 : i32
    %dma_wait3A_109 = tpu.memref_slice %arg2[%dma_wait3A_107, %dma_wait3A_108] : memref<100000x128xf32, #tpu.memory_space<hbm>> -> memref<100000x128xf32, #tpu.memory_space<hbm>>
    tpu.wait_indirect_dma semaphore(%arg13 : memref<!tpu.dma_semaphore, #tpu.memory_space<semaphore_mem>>) src(%dma_wait3A_109 : memref<100000x128xf32, #tpu.memory_space<hbm>>) dst(%dma_wait3A_104 : memref<128x128xf32, #tpu.memory_space<vmem>>)
    %dma_wait3A_110 = arith.constant 0 : i32
    %dma_wait3A_111 = arith.constant 0 : i32
    %dma_wait3A_112 = arith.constant 0 : i32
    %dma_wait3A_113 = tpu.memref_slice %arg10[%dma_wait3A_110, %dma_wait3A_111, %dma_wait3A_112] : memref<2x128x128xf32, #tpu.memory_space<vmem>> -> memref<1x128x128xf32, #tpu.memory_space<vmem>>
    %dma_wait3A_114 = tpu.memref_squeeze %dma_wait3A_113 : memref<1x128x128xf32, #tpu.memory_space<vmem>> -> memref<128x128xf32, #tpu.memory_space<vmem>>
    %dma_wait3A_115 = arith.constant 0 : i32
    %dma_wait3A_116 = tpu.memref_slice %arg8[%dma_wait3A_115] : memref<512xi32, #tpu.memory_space<vmem>> -> memref<128xi32, #tpu.memory_space<vmem>>
    %dma_wait3A_117 = arith.constant 0 : i32
    %dma_wait3A_118 = arith.constant 0 : i32
    %dma_wait3A_119 = tpu.memref_slice %arg3[%dma_wait3A_117, %dma_wait3A_118] : memref<100000x128xf32, #tpu.memory_space<hbm>> -> memref<100000x128xf32, #tpu.memory_space<hbm>>
    tpu.wait_indirect_dma semaphore(%arg13 : memref<!tpu.dma_semaphore, #tpu.memory_space<semaphore_mem>>) src(%dma_wait3A_119 : memref<100000x128xf32, #tpu.memory_space<hbm>>) dst(%dma_wait3A_114 : memref<128x128xf32, #tpu.memory_space<vmem>>)
    %dma_wait3A_120 = arith.constant 128 : i32
    %dma_wait3A_121 = tpu.memref_slice %arg7[%dma_wait3A_120] : memref<512xi32, #tpu.memory_space<vmem>> -> memref<128xi32, #tpu.memory_space<vmem>>
    %dma_wait3A_122 = tpu.memref_slice %arg4[%add3A_19] : memref<16384xi32, #tpu.memory_space<hbm>> -> memref<128xi32, #tpu.memory_space<hbm>>
    %dma_wait3A_123 = arith.constant 128 : i32
    %dma_wait3A_124 = tpu.memref_slice %arg7[%dma_wait3A_123] : memref<512xi32, #tpu.memory_space<vmem>> -> memref<128xi32, #tpu.memory_space<vmem>>
    %dma_wait3A_125 = tpu.memref_slice %arg4[%add3A_19] : memref<16384xi32, #tpu.memory_space<hbm>> -> memref<128xi32, #tpu.memory_space<hbm>>
    tpu.wait_dma2 semaphore(%arg15 : memref<!tpu.dma_semaphore, #tpu.memory_space<semaphore_mem>>) src(%dma_wait3A_125 : memref<128xi32, #tpu.memory_space<hbm>>) dst(%dma_wait3A_124 : memref<128xi32, #tpu.memory_space<vmem>>)
    %dma_wait3A_126 = arith.constant 128 : i32
    %dma_wait3A_127 = tpu.memref_slice %arg8[%dma_wait3A_126] : memref<512xi32, #tpu.memory_space<vmem>> -> memref<128xi32, #tpu.memory_space<vmem>>
    %dma_wait3A_128 = tpu.memref_slice %arg5[%add3A_27] : memref<16384xi32, #tpu.memory_space<hbm>> -> memref<128xi32, #tpu.memory_space<hbm>>
    %dma_wait3A_129 = arith.constant 128 : i32
    %dma_wait3A_130 = tpu.memref_slice %arg8[%dma_wait3A_129] : memref<512xi32, #tpu.memory_space<vmem>> -> memref<128xi32, #tpu.memory_space<vmem>>
    %dma_wait3A_131 = tpu.memref_slice %arg5[%add3A_27] : memref<16384xi32, #tpu.memory_space<hbm>> -> memref<128xi32, #tpu.memory_space<hbm>>
    tpu.wait_dma2 semaphore(%arg15 : memref<!tpu.dma_semaphore, #tpu.memory_space<semaphore_mem>>) src(%dma_wait3A_131 : memref<128xi32, #tpu.memory_space<hbm>>) dst(%dma_wait3A_130 : memref<128xi32, #tpu.memory_space<vmem>>)
    %dma_start3A_132 = arith.constant 1 : i32
    %dma_start3A_133 = arith.constant 0 : i32
    %dma_start3A_134 = arith.constant 0 : i32
    %dma_start3A_135 = tpu.memref_slice %arg9[%dma_start3A_132, %dma_start3A_133, %dma_start3A_134] : memref<2x128x128xf32, #tpu.memory_space<vmem>> -> memref<1x128x128xf32, #tpu.memory_space<vmem>>
    %dma_start3A_136 = tpu.memref_squeeze %dma_start3A_135 : memref<1x128x128xf32, #tpu.memory_space<vmem>> -> memref<128x128xf32, #tpu.memory_space<vmem>>
    %dma_start3A_137 = arith.constant 128 : i32
    %dma_start3A_138 = tpu.memref_slice %arg7[%dma_start3A_137] : memref<512xi32, #tpu.memory_space<vmem>> -> memref<128xi32, #tpu.memory_space<vmem>>
    %dma_start3A_139 = arith.constant 0 : i32
    %dma_start3A_140 = arith.constant 0 : i32
    %dma_start3A_141 = tpu.memref_slice %arg2[%dma_start3A_139, %dma_start3A_140] : memref<100000x128xf32, #tpu.memory_space<hbm>> -> memref<100000x128xf32, #tpu.memory_space<hbm>>
    tpu.enqueue_indirect_dma source(%dma_start3A_141 : memref<100000x128xf32, #tpu.memory_space<hbm>>) target(%dma_start3A_136 : memref<128x128xf32, #tpu.memory_space<vmem>>) offsets(%dma_start3A_138 : memref<128xi32, #tpu.memory_space<vmem>>) semaphore(%arg14 : memref<!tpu.dma_semaphore, #tpu.memory_space<semaphore_mem>>)
    %dma_start3A_142 = arith.constant 1 : i32
    %dma_start3A_143 = arith.constant 0 : i32
    %dma_start3A_144 = arith.constant 0 : i32
    %dma_start3A_145 = tpu.memref_slice %arg10[%dma_start3A_142, %dma_start3A_143, %dma_start3A_144] : memref<2x128x128xf32, #tpu.memory_space<vmem>> -> memref<1x128x128xf32, #tpu.memory_space<vmem>>
    %dma_start3A_146 = tpu.memref_squeeze %dma_start3A_145 : memref<1x128x128xf32, #tpu.memory_space<vmem>> -> memref<128x128xf32, #tpu.memory_space<vmem>>
    %dma_start3A_147 = arith.constant 128 : i32
    %dma_start3A_148 = tpu.memref_slice %arg8[%dma_start3A_147] : memref<512xi32, #tpu.memory_space<vmem>> -> memref<128xi32, #tpu.memory_space<vmem>>
    %dma_start3A_149 = arith.constant 0 : i32
    %dma_start3A_150 = arith.constant 0 : i32
    %dma_start3A_151 = tpu.memref_slice %arg3[%dma_start3A_149, %dma_start3A_150] : memref<100000x128xf32, #tpu.memory_space<hbm>> -> memref<100000x128xf32, #tpu.memory_space<hbm>>
    tpu.enqueue_indirect_dma source(%dma_start3A_151 : memref<100000x128xf32, #tpu.memory_space<hbm>>) target(%dma_start3A_146 : memref<128x128xf32, #tpu.memory_space<vmem>>) offsets(%dma_start3A_148 : memref<128xi32, #tpu.memory_space<vmem>>) semaphore(%arg14 : memref<!tpu.dma_semaphore, #tpu.memory_space<semaphore_mem>>)
    %parallel_loop3A = arith.constant 0 : i32
    %parallel_loop3A_152 = arith.constant 128 : i32
    %parallel_loop3A_153 = arith.constant 1 : i32
    %parallel_loop3A_154 = arith.constant 0 : i32
    %parallel_loop3A_155 = arith.constant 0 : i32
    scf.for %parallel_loop3A_363 = %parallel_loop3A to %parallel_loop3A_152 step %parallel_loop3A_153  : i32 {
      %parallel_loop3A_364 = arith.constant 0 : i32
      %parallel_loop3A_365 = arith.constant 0 : i32
      %parallel_loop3A_366 = tpu.memref_slice %arg9[%parallel_loop3A_154, %parallel_loop3A_364, %parallel_loop3A_365] : memref<2x128x128xf32, #tpu.memory_space<vmem>> -> memref<1x128x128xf32, #tpu.memory_space<vmem>>
      %parallel_loop3A_367 = tpu.memref_squeeze %parallel_loop3A_366 : memref<1x128x128xf32, #tpu.memory_space<vmem>> -> memref<128x128xf32, #tpu.memory_space<vmem>>
      %parallel_loop3A_368 = arith.index_cast %parallel_loop3A_363 : i32 to index
      %parallel_loop3A_369 = arith.constant 0 : index
      %parallel_loop3A_370 = tpu.vector_load %parallel_loop3A_367[%parallel_loop3A_368, %parallel_loop3A_369] {strides = array<i32>} : memref<128x128xf32, #tpu.memory_space<vmem>>, vector<16xf32>,
      %parallel_loop3A_371 = arith.constant 0 : i32
      %parallel_loop3A_372 = arith.constant 0 : i32
      %parallel_loop3A_373 = tpu.memref_slice %arg10[%parallel_loop3A_155, %parallel_loop3A_371, %parallel_loop3A_372] : memref<2x128x128xf32, #tpu.memory_space<vmem>> -> memref<1x128x128xf32, #tpu.memory_space<vmem>>
      %parallel_loop3A_374 = tpu.memref_squeeze %parallel_loop3A_373 : memref<1x128x128xf32, #tpu.memory_space<vmem>> -> memref<128x128xf32, #tpu.memory_space<vmem>>
      %parallel_loop3A_375 = arith.index_cast %parallel_loop3A_363 : i32 to index
      %parallel_loop3A_376 = arith.constant 0 : index
      %parallel_loop3A_377 = tpu.vector_load %parallel_loop3A_374[%parallel_loop3A_375, %parallel_loop3A_376] {strides = array<i32>} : memref<128x128xf32, #tpu.memory_space<vmem>>, vector<16xf32>,
      %parallel_loop3A_378 = arith.mulf %parallel_loop3A_370, %parallel_loop3A_377 : vector<16xf32>
      %parallel_loop3A_379 = arith.constant 0 : i32
      %parallel_loop3A_380 = arith.constant 0 : i32
      %parallel_loop3A_381 = tpu.memref_slice %arg9[%parallel_loop3A_154, %parallel_loop3A_379, %parallel_loop3A_380] : memref<2x128x128xf32, #tpu.memory_space<vmem>> -> memref<1x128x128xf32, #tpu.memory_space<vmem>>
      %parallel_loop3A_382 = tpu.memref_squeeze %parallel_loop3A_381 : memref<1x128x128xf32, #tpu.memory_space<vmem>> -> memref<128x128xf32, #tpu.memory_space<vmem>>
      %parallel_loop3A_383 = arith.index_cast %parallel_loop3A_363 : i32 to index
      %parallel_loop3A_384 = arith.constant 16 : index
      %parallel_loop3A_385 = tpu.vector_load %parallel_loop3A_382[%parallel_loop3A_383, %parallel_loop3A_384] {strides = array<i32>} : memref<128x128xf32, #tpu.memory_space<vmem>>, vector<16xf32>,
      %parallel_loop3A_386 = arith.constant 0 : i32
      %parallel_loop3A_387 = arith.constant 0 : i32
      %parallel_loop3A_388 = tpu.memref_slice %arg10[%parallel_loop3A_155, %parallel_loop3A_386, %parallel_loop3A_387] : memref<2x128x128xf32, #tpu.memory_space<vmem>> -> memref<1x128x128xf32, #tpu.memory_space<vmem>>
      %parallel_loop3A_389 = tpu.memref_squeeze %parallel_loop3A_388 : memref<1x128x128xf32, #tpu.memory_space<vmem>> -> memref<128x128xf32, #tpu.memory_space<vmem>>
      %parallel_loop3A_390 = arith.index_cast %parallel_loop3A_363 : i32 to index
      %parallel_loop3A_391 = arith.constant 16 : index
      %parallel_loop3A_392 = tpu.vector_load %parallel_loop3A_389[%parallel_loop3A_390, %parallel_loop3A_391] {strides = array<i32>} : memref<128x128xf32, #tpu.memory_space<vmem>>, vector<16xf32>,
      %parallel_loop3A_393 = arith.mulf %parallel_loop3A_385, %parallel_loop3A_392 : vector<16xf32>
      %parallel_loop3A_394 = arith.constant 0 : i32
      %parallel_loop3A_395 = arith.constant 0 : i32
      %parallel_loop3A_396 = tpu.memref_slice %arg9[%parallel_loop3A_154, %parallel_loop3A_394, %parallel_loop3A_395] : memref<2x128x128xf32, #tpu.memory_space<vmem>> -> memref<1x128x128xf32, #tpu.memory_space<vmem>>
      %parallel_loop3A_397 = tpu.memref_squeeze %parallel_loop3A_396 : memref<1x128x128xf32, #tpu.memory_space<vmem>> -> memref<128x128xf32, #tpu.memory_space<vmem>>
      %parallel_loop3A_398 = arith.index_cast %parallel_loop3A_363 : i32 to index
      %parallel_loop3A_399 = arith.constant 32 : index
      %parallel_loop3A_400 = tpu.vector_load %parallel_loop3A_397[%parallel_loop3A_398, %parallel_loop3A_399] {strides = array<i32>} : memref<128x128xf32, #tpu.memory_space<vmem>>, vector<16xf32>,
      %parallel_loop3A_401 = arith.constant 0 : i32
      %parallel_loop3A_402 = arith.constant 0 : i32
      %parallel_loop3A_403 = tpu.memref_slice %arg10[%parallel_loop3A_155, %parallel_loop3A_401, %parallel_loop3A_402] : memref<2x128x128xf32, #tpu.memory_space<vmem>> -> memref<1x128x128xf32, #tpu.memory_space<vmem>>
      %parallel_loop3A_404 = tpu.memref_squeeze %parallel_loop3A_403 : memref<1x128x128xf32, #tpu.memory_space<vmem>> -> memref<128x128xf32, #tpu.memory_space<vmem>>
      %parallel_loop3A_405 = arith.index_cast %parallel_loop3A_363 : i32 to index
      %parallel_loop3A_406 = arith.constant 32 : index
      %parallel_loop3A_407 = tpu.vector_load %parallel_loop3A_404[%parallel_loop3A_405, %parallel_loop3A_406] {strides = array<i32>} : memref<128x128xf32, #tpu.memory_space<vmem>>, vector<16xf32>,
      %parallel_loop3A_408 = arith.mulf %parallel_loop3A_400, %parallel_loop3A_407 : vector<16xf32>
      %parallel_loop3A_409 = arith.constant 0 : i32
      %parallel_loop3A_410 = arith.constant 0 : i32
      %parallel_loop3A_411 = tpu.memref_slice %arg9[%parallel_loop3A_154, %parallel_loop3A_409, %parallel_loop3A_410] : memref<2x128x128xf32, #tpu.memory_space<vmem>> -> memref<1x128x128xf32, #tpu.memory_space<vmem>>
      %parallel_loop3A_412 = tpu.memref_squeeze %parallel_loop3A_411 : memref<1x128x128xf32, #tpu.memory_space<vmem>> -> memref<128x128xf32, #tpu.memory_space<vmem>>
      %parallel_loop3A_413 = arith.index_cast %parallel_loop3A_363 : i32 to index
      %parallel_loop3A_414 = arith.constant 48 : index
      %parallel_loop3A_415 = tpu.vector_load %parallel_loop3A_412[%parallel_loop3A_413, %parallel_loop3A_414] {strides = array<i32>} : memref<128x128xf32, #tpu.memory_space<vmem>>, vector<16xf32>,
      %parallel_loop3A_416 = arith.constant 0 : i32
      %parallel_loop3A_417 = arith.constant 0 : i32
      %parallel_loop3A_418 = tpu.memref_slice %arg10[%parallel_loop3A_155, %parallel_loop3A_416, %parallel_loop3A_417] : memref<2x128x128xf32, #tpu.memory_space<vmem>> -> memref<1x128x128xf32, #tpu.memory_space<vmem>>
      %parallel_loop3A_419 = tpu.memref_squeeze %parallel_loop3A_418 : memref<1x128x128xf32, #tpu.memory_space<vmem>> -> memref<128x128xf32, #tpu.memory_space<vmem>>
      %parallel_loop3A_420 = arith.index_cast %parallel_loop3A_363 : i32 to index
      %parallel_loop3A_421 = arith.constant 48 : index
      %parallel_loop3A_422 = tpu.vector_load %parallel_loop3A_419[%parallel_loop3A_420, %parallel_loop3A_421] {strides = array<i32>} : memref<128x128xf32, #tpu.memory_space<vmem>>, vector<16xf32>,
      %parallel_loop3A_423 = arith.mulf %parallel_loop3A_415, %parallel_loop3A_422 : vector<16xf32>
      %parallel_loop3A_424 = arith.constant 0 : i32
      %parallel_loop3A_425 = arith.constant 0 : i32
      %parallel_loop3A_426 = tpu.memref_slice %arg9[%parallel_loop3A_154, %parallel_loop3A_424, %parallel_loop3A_425] : memref<2x128x128xf32, #tpu.memory_space<vmem>> -> memref<1x128x128xf32, #tpu.memory_space<vmem>>
      %parallel_loop3A_427 = tpu.memref_squeeze %parallel_loop3A_426 : memref<1x128x128xf32, #tpu.memory_space<vmem>> -> memref<128x128xf32, #tpu.memory_space<vmem>>
      %parallel_loop3A_428 = arith.index_cast %parallel_loop3A_363 : i32 to index
      %parallel_loop3A_429 = arith.constant 64 : index
      %parallel_loop3A_430 = tpu.vector_load %parallel_loop3A_427[%parallel_loop3A_428, %parallel_loop3A_429] {strides = array<i32>} : memref<128x128xf32, #tpu.memory_space<vmem>>, vector<16xf32>,
      %parallel_loop3A_431 = arith.constant 0 : i32
      %parallel_loop3A_432 = arith.constant 0 : i32
      %parallel_loop3A_433 = tpu.memref_slice %arg10[%parallel_loop3A_155, %parallel_loop3A_431, %parallel_loop3A_432] : memref<2x128x128xf32, #tpu.memory_space<vmem>> -> memref<1x128x128xf32, #tpu.memory_space<vmem>>
      %parallel_loop3A_434 = tpu.memref_squeeze %parallel_loop3A_433 : memref<1x128x128xf32, #tpu.memory_space<vmem>> -> memref<128x128xf32, #tpu.memory_space<vmem>>
      %parallel_loop3A_435 = arith.index_cast %parallel_loop3A_363 : i32 to index
      %parallel_loop3A_436 = arith.constant 64 : index
      %parallel_loop3A_437 = tpu.vector_load %parallel_loop3A_434[%parallel_loop3A_435, %parallel_loop3A_436] {strides = array<i32>} : memref<128x128xf32, #tpu.memory_space<vmem>>, vector<16xf32>,
      %parallel_loop3A_438 = arith.mulf %parallel_loop3A_430, %parallel_loop3A_437 : vector<16xf32>
      %parallel_loop3A_439 = arith.constant 0 : i32
      %parallel_loop3A_440 = arith.constant 0 : i32
      %parallel_loop3A_441 = tpu.memref_slice %arg9[%parallel_loop3A_154, %parallel_loop3A_439, %parallel_loop3A_440] : memref<2x128x128xf32, #tpu.memory_space<vmem>> -> memref<1x128x128xf32, #tpu.memory_space<vmem>>
      %parallel_loop3A_442 = tpu.memref_squeeze %parallel_loop3A_441 : memref<1x128x128xf32, #tpu.memory_space<vmem>> -> memref<128x128xf32, #tpu.memory_space<vmem>>
      %parallel_loop3A_443 = arith.index_cast %parallel_loop3A_363 : i32 to index
      %parallel_loop3A_444 = arith.constant 80 : index
      %parallel_loop3A_445 = tpu.vector_load %parallel_loop3A_442[%parallel_loop3A_443, %parallel_loop3A_444] {strides = array<i32>} : memref<128x128xf32, #tpu.memory_space<vmem>>, vector<16xf32>,
      %parallel_loop3A_446 = arith.constant 0 : i32
      %parallel_loop3A_447 = arith.constant 0 : i32
      %parallel_loop3A_448 = tpu.memref_slice %arg10[%parallel_loop3A_155, %parallel_loop3A_446, %parallel_loop3A_447] : memref<2x128x128xf32, #tpu.memory_space<vmem>> -> memref<1x128x128xf32, #tpu.memory_space<vmem>>
      %parallel_loop3A_449 = tpu.memref_squeeze %parallel_loop3A_448 : memref<1x128x128xf32, #tpu.memory_space<vmem>> -> memref<128x128xf32, #tpu.memory_space<vmem>>
      %parallel_loop3A_450 = arith.index_cast %parallel_loop3A_363 : i32 to index
      %parallel_loop3A_451 = arith.constant 80 : index
      %parallel_loop3A_452 = tpu.vector_load %parallel_loop3A_449[%parallel_loop3A_450, %parallel_loop3A_451] {strides = array<i32>} : memref<128x128xf32, #tpu.memory_space<vmem>>, vector<16xf32>,
      %parallel_loop3A_453 = arith.mulf %parallel_loop3A_445, %parallel_loop3A_452 : vector<16xf32>
      %parallel_loop3A_454 = arith.constant 0 : i32
      %parallel_loop3A_455 = arith.constant 0 : i32
      %parallel_loop3A_456 = tpu.memref_slice %arg9[%parallel_loop3A_154, %parallel_loop3A_454, %parallel_loop3A_455] : memref<2x128x128xf32, #tpu.memory_space<vmem>> -> memref<1x128x128xf32, #tpu.memory_space<vmem>>
      %parallel_loop3A_457 = tpu.memref_squeeze %parallel_loop3A_456 : memref<1x128x128xf32, #tpu.memory_space<vmem>> -> memref<128x128xf32, #tpu.memory_space<vmem>>
      %parallel_loop3A_458 = arith.index_cast %parallel_loop3A_363 : i32 to index
      %parallel_loop3A_459 = arith.constant 96 : index
      %parallel_loop3A_460 = tpu.vector_load %parallel_loop3A_457[%parallel_loop3A_458, %parallel_loop3A_459] {strides = array<i32>} : memref<128x128xf32, #tpu.memory_space<vmem>>, vector<16xf32>,
      %parallel_loop3A_461 = arith.constant 0 : i32
      %parallel_loop3A_462 = arith.constant 0 : i32
      %parallel_loop3A_463 = tpu.memref_slice %arg10[%parallel_loop3A_155, %parallel_loop3A_461, %parallel_loop3A_462] : memref<2x128x128xf32, #tpu.memory_space<vmem>> -> memref<1x128x128xf32, #tpu.memory_space<vmem>>
      %parallel_loop3A_464 = tpu.memref_squeeze %parallel_loop3A_463 : memref<1x128x128xf32, #tpu.memory_space<vmem>> -> memref<128x128xf32, #tpu.memory_space<vmem>>
      %parallel_loop3A_465 = arith.index_cast %parallel_loop3A_363 : i32 to index
      %parallel_loop3A_466 = arith.constant 96 : index
      %parallel_loop3A_467 = tpu.vector_load %parallel_loop3A_464[%parallel_loop3A_465, %parallel_loop3A_466] {strides = array<i32>} : memref<128x128xf32, #tpu.memory_space<vmem>>, vector<16xf32>,
      %parallel_loop3A_468 = arith.mulf %parallel_loop3A_460, %parallel_loop3A_467 : vector<16xf32>
      %parallel_loop3A_469 = arith.constant 0 : i32
      %parallel_loop3A_470 = arith.constant 0 : i32
      %parallel_loop3A_471 = tpu.memref_slice %arg9[%parallel_loop3A_154, %parallel_loop3A_469, %parallel_loop3A_470] : memref<2x128x128xf32, #tpu.memory_space<vmem>> -> memref<1x128x128xf32, #tpu.memory_space<vmem>>
      %parallel_loop3A_472 = tpu.memref_squeeze %parallel_loop3A_471 : memref<1x128x128xf32, #tpu.memory_space<vmem>> -> memref<128x128xf32, #tpu.memory_space<vmem>>
      %parallel_loop3A_473 = arith.index_cast %parallel_loop3A_363 : i32 to index
      %parallel_loop3A_474 = arith.constant 112 : index
      %parallel_loop3A_475 = tpu.vector_load %parallel_loop3A_472[%parallel_loop3A_473, %parallel_loop3A_474] {strides = array<i32>} : memref<128x128xf32, #tpu.memory_space<vmem>>, vector<16xf32>,
      %parallel_loop3A_476 = arith.constant 0 : i32
      %parallel_loop3A_477 = arith.constant 0 : i32
      %parallel_loop3A_478 = tpu.memref_slice %arg10[%parallel_loop3A_155, %parallel_loop3A_476, %parallel_loop3A_477] : memref<2x128x128xf32, #tpu.memory_space<vmem>> -> memref<1x128x128xf32, #tpu.memory_space<vmem>>
      %parallel_loop3A_479 = tpu.memref_squeeze %parallel_loop3A_478 : memref<1x128x128xf32, #tpu.memory_space<vmem>> -> memref<128x128xf32, #tpu.memory_space<vmem>>
      %parallel_loop3A_480 = arith.index_cast %parallel_loop3A_363 : i32 to index
      %parallel_loop3A_481 = arith.constant 112 : index
      %parallel_loop3A_482 = tpu.vector_load %parallel_loop3A_479[%parallel_loop3A_480, %parallel_loop3A_481] {strides = array<i32>} : memref<128x128xf32, #tpu.memory_space<vmem>>, vector<16xf32>,
      %parallel_loop3A_483 = arith.mulf %parallel_loop3A_475, %parallel_loop3A_482 : vector<16xf32>
      %parallel_loop3A_484 = arith.addf %parallel_loop3A_378, %parallel_loop3A_393 : vector<16xf32>
      %parallel_loop3A_485 = arith.addf %parallel_loop3A_408, %parallel_loop3A_423 : vector<16xf32>
      %parallel_loop3A_486 = arith.addf %parallel_loop3A_438, %parallel_loop3A_453 : vector<16xf32>
      %parallel_loop3A_487 = arith.addf %parallel_loop3A_468, %parallel_loop3A_483 : vector<16xf32>
      %parallel_loop3A_488 = arith.addf %parallel_loop3A_484, %parallel_loop3A_485 : vector<16xf32>
      %parallel_loop3A_489 = arith.addf %parallel_loop3A_486, %parallel_loop3A_487 : vector<16xf32>
      %parallel_loop3A_490 = arith.addf %parallel_loop3A_488, %parallel_loop3A_489 : vector<16xf32>
      %parallel_loop3A_491 = arith.constant 15 : i32
      %parallel_loop3A_492 = arith.andi %parallel_loop3A_363, %parallel_loop3A_491 : i32
      %parallel_loop3A_493 = vector.broadcast %parallel_loop3A_492 : i32 to vector<16xi32>
      %parallel_loop3A_494 = arith.addi %mul3A_68, %parallel_loop3A_493 : vector<16xi32>
      %parallel_loop3A_495 = arith.constant 4 : i32
      %parallel_loop3A_496 = arith.shrsi %parallel_loop3A_363, %parallel_loop3A_495 : i32
      %parallel_loop3A_497 = arith.constant 272 : i32
      %parallel_loop3A_498 = arith.muli %parallel_loop3A_496, %parallel_loop3A_497 : i32
      %parallel_loop3A_499 = vector.broadcast %parallel_loop3A_498 : i32 to vector<16xi32>
      %parallel_loop3A_500 = arith.addi %parallel_loop3A_494, %parallel_loop3A_499 : vector<16xi32>
      tpu.vector_store_idx %arg12[%parallel_loop3A_500], %parallel_loop3A_490 : memref<2176xf32, #tpu.memory_space<vmem>>[vector<16xi32>], vector<16xf32>,
    } {sc.loop_unroll_factor = 1 : i64, sc.parallel_access}
    %parallel_loop3A_156 = arith.constant 0 : i32
    %parallel_loop3A_157 = arith.constant 8 : i32
    %parallel_loop3A_158 = arith.constant 1 : i32
    scf.for %parallel_loop3A_363 = %parallel_loop3A_156 to %parallel_loop3A_157 step %parallel_loop3A_158  : i32 {
      %parallel_loop3A_364 = arith.constant 272 : i32
      %parallel_loop3A_365 = arith.muli %parallel_loop3A_363, %parallel_loop3A_364 : i32
      %parallel_loop3A_366 = arith.constant 0 : i32
      %parallel_loop3A_367 = arith.addi %parallel_loop3A_365, %parallel_loop3A_366 : i32
      %parallel_loop3A_368 = arith.index_cast %parallel_loop3A_367 : i32 to index
      %parallel_loop3A_369 = tpu.vector_load %arg12[%parallel_loop3A_368] {strides = array<i32>} : memref<2176xf32, #tpu.memory_space<vmem>>, vector<16xf32>,
      %parallel_loop3A_370 = arith.constant 272 : i32
      %parallel_loop3A_371 = arith.muli %parallel_loop3A_363, %parallel_loop3A_370 : i32
      %parallel_loop3A_372 = arith.constant 17 : i32
      %parallel_loop3A_373 = arith.addi %parallel_loop3A_371, %parallel_loop3A_372 : i32
      %parallel_loop3A_374 = arith.index_cast %parallel_loop3A_373 : i32 to index
      %parallel_loop3A_375 = tpu.vector_load %arg12[%parallel_loop3A_374] {strides = array<i32>} : memref<2176xf32, #tpu.memory_space<vmem>>, vector<16xf32>,
      %parallel_loop3A_376 = arith.constant 272 : i32
      %parallel_loop3A_377 = arith.muli %parallel_loop3A_363, %parallel_loop3A_376 : i32
      %parallel_loop3A_378 = arith.constant 34 : i32
      %parallel_loop3A_379 = arith.addi %parallel_loop3A_377, %parallel_loop3A_378 : i32
      %parallel_loop3A_380 = arith.index_cast %parallel_loop3A_379 : i32 to index
      %parallel_loop3A_381 = tpu.vector_load %arg12[%parallel_loop3A_380] {strides = array<i32>} : memref<2176xf32, #tpu.memory_space<vmem>>, vector<16xf32>,
      %parallel_loop3A_382 = arith.constant 272 : i32
      %parallel_loop3A_383 = arith.muli %parallel_loop3A_363, %parallel_loop3A_382 : i32
      %parallel_loop3A_384 = arith.constant 51 : i32
      %parallel_loop3A_385 = arith.addi %parallel_loop3A_383, %parallel_loop3A_384 : i32
      %parallel_loop3A_386 = arith.index_cast %parallel_loop3A_385 : i32 to index
      %parallel_loop3A_387 = tpu.vector_load %arg12[%parallel_loop3A_386] {strides = array<i32>} : memref<2176xf32, #tpu.memory_space<vmem>>, vector<16xf32>,
      %parallel_loop3A_388 = arith.constant 272 : i32
      %parallel_loop3A_389 = arith.muli %parallel_loop3A_363, %parallel_loop3A_388 : i32
      %parallel_loop3A_390 = arith.constant 68 : i32
      %parallel_loop3A_391 = arith.addi %parallel_loop3A_389, %parallel_loop3A_390 : i32
      %parallel_loop3A_392 = arith.index_cast %parallel_loop3A_391 : i32 to index
      %parallel_loop3A_393 = tpu.vector_load %arg12[%parallel_loop3A_392] {strides = array<i32>} : memref<2176xf32, #tpu.memory_space<vmem>>, vector<16xf32>,
      %parallel_loop3A_394 = arith.constant 272 : i32
      %parallel_loop3A_395 = arith.muli %parallel_loop3A_363, %parallel_loop3A_394 : i32
      %parallel_loop3A_396 = arith.constant 85 : i32
      %parallel_loop3A_397 = arith.addi %parallel_loop3A_395, %parallel_loop3A_396 : i32
      %parallel_loop3A_398 = arith.index_cast %parallel_loop3A_397 : i32 to index
      %parallel_loop3A_399 = tpu.vector_load %arg12[%parallel_loop3A_398] {strides = array<i32>} : memref<2176xf32, #tpu.memory_space<vmem>>, vector<16xf32>,
      %parallel_loop3A_400 = arith.constant 272 : i32
      %parallel_loop3A_401 = arith.muli %parallel_loop3A_363, %parallel_loop3A_400 : i32
      %parallel_loop3A_402 = arith.constant 102 : i32
      %parallel_loop3A_403 = arith.addi %parallel_loop3A_401, %parallel_loop3A_402 : i32
      %parallel_loop3A_404 = arith.index_cast %parallel_loop3A_403 : i32 to index
      %parallel_loop3A_405 = tpu.vector_load %arg12[%parallel_loop3A_404] {strides = array<i32>} : memref<2176xf32, #tpu.memory_space<vmem>>, vector<16xf32>,
      %parallel_loop3A_406 = arith.constant 272 : i32
      %parallel_loop3A_407 = arith.muli %parallel_loop3A_363, %parallel_loop3A_406 : i32
      %parallel_loop3A_408 = arith.constant 119 : i32
      %parallel_loop3A_409 = arith.addi %parallel_loop3A_407, %parallel_loop3A_408 : i32
      %parallel_loop3A_410 = arith.index_cast %parallel_loop3A_409 : i32 to index
      %parallel_loop3A_411 = tpu.vector_load %arg12[%parallel_loop3A_410] {strides = array<i32>} : memref<2176xf32, #tpu.memory_space<vmem>>, vector<16xf32>,
      %parallel_loop3A_412 = arith.constant 272 : i32
      %parallel_loop3A_413 = arith.muli %parallel_loop3A_363, %parallel_loop3A_412 : i32
      %parallel_loop3A_414 = arith.constant 136 : i32
      %parallel_loop3A_415 = arith.addi %parallel_loop3A_413, %parallel_loop3A_414 : i32
      %parallel_loop3A_416 = arith.index_cast %parallel_loop3A_415 : i32 to index
      %parallel_loop3A_417 = tpu.vector_load %arg12[%parallel_loop3A_416] {strides = array<i32>} : memref<2176xf32, #tpu.memory_space<vmem>>, vector<16xf32>,
      %parallel_loop3A_418 = arith.constant 272 : i32
      %parallel_loop3A_419 = arith.muli %parallel_loop3A_363, %parallel_loop3A_418 : i32
      %parallel_loop3A_420 = arith.constant 153 : i32
      %parallel_loop3A_421 = arith.addi %parallel_loop3A_419, %parallel_loop3A_420 : i32
      %parallel_loop3A_422 = arith.index_cast %parallel_loop3A_421 : i32 to index
      %parallel_loop3A_423 = tpu.vector_load %arg12[%parallel_loop3A_422] {strides = array<i32>} : memref<2176xf32, #tpu.memory_space<vmem>>, vector<16xf32>,
      %parallel_loop3A_424 = arith.constant 272 : i32
      %parallel_loop3A_425 = arith.muli %parallel_loop3A_363, %parallel_loop3A_424 : i32
      %parallel_loop3A_426 = arith.constant 170 : i32
      %parallel_loop3A_427 = arith.addi %parallel_loop3A_425, %parallel_loop3A_426 : i32
      %parallel_loop3A_428 = arith.index_cast %parallel_loop3A_427 : i32 to index
      %parallel_loop3A_429 = tpu.vector_load %arg12[%parallel_loop3A_428] {strides = array<i32>} : memref<2176xf32, #tpu.memory_space<vmem>>, vector<16xf32>,
      %parallel_loop3A_430 = arith.constant 272 : i32
      %parallel_loop3A_431 = arith.muli %parallel_loop3A_363, %parallel_loop3A_430 : i32
      %parallel_loop3A_432 = arith.constant 187 : i32
      %parallel_loop3A_433 = arith.addi %parallel_loop3A_431, %parallel_loop3A_432 : i32
      %parallel_loop3A_434 = arith.index_cast %parallel_loop3A_433 : i32 to index
      %parallel_loop3A_435 = tpu.vector_load %arg12[%parallel_loop3A_434] {strides = array<i32>} : memref<2176xf32, #tpu.memory_space<vmem>>, vector<16xf32>,
      %parallel_loop3A_436 = arith.constant 272 : i32
      %parallel_loop3A_437 = arith.muli %parallel_loop3A_363, %parallel_loop3A_436 : i32
      %parallel_loop3A_438 = arith.constant 204 : i32
      %parallel_loop3A_439 = arith.addi %parallel_loop3A_437, %parallel_loop3A_438 : i32
      %parallel_loop3A_440 = arith.index_cast %parallel_loop3A_439 : i32 to index
      %parallel_loop3A_441 = tpu.vector_load %arg12[%parallel_loop3A_440] {strides = array<i32>} : memref<2176xf32, #tpu.memory_space<vmem>>, vector<16xf32>,
      %parallel_loop3A_442 = arith.constant 272 : i32
      %parallel_loop3A_443 = arith.muli %parallel_loop3A_363, %parallel_loop3A_442 : i32
      %parallel_loop3A_444 = arith.constant 221 : i32
      %parallel_loop3A_445 = arith.addi %parallel_loop3A_443, %parallel_loop3A_444 : i32
      %parallel_loop3A_446 = arith.index_cast %parallel_loop3A_445 : i32 to index
      %parallel_loop3A_447 = tpu.vector_load %arg12[%parallel_loop3A_446] {strides = array<i32>} : memref<2176xf32, #tpu.memory_space<vmem>>, vector<16xf32>,
      %parallel_loop3A_448 = arith.constant 272 : i32
      %parallel_loop3A_449 = arith.muli %parallel_loop3A_363, %parallel_loop3A_448 : i32
      %parallel_loop3A_450 = arith.constant 238 : i32
      %parallel_loop3A_451 = arith.addi %parallel_loop3A_449, %parallel_loop3A_450 : i32
      %parallel_loop3A_452 = arith.index_cast %parallel_loop3A_451 : i32 to index
      %parallel_loop3A_453 = tpu.vector_load %arg12[%parallel_loop3A_452] {strides = array<i32>} : memref<2176xf32, #tpu.memory_space<vmem>>, vector<16xf32>,
      %parallel_loop3A_454 = arith.constant 272 : i32
      %parallel_loop3A_455 = arith.muli %parallel_loop3A_363, %parallel_loop3A_454 : i32
      %parallel_loop3A_456 = arith.constant 255 : i32
      %parallel_loop3A_457 = arith.addi %parallel_loop3A_455, %parallel_loop3A_456 : i32
      %parallel_loop3A_458 = arith.index_cast %parallel_loop3A_457 : i32 to index
      %parallel_loop3A_459 = tpu.vector_load %arg12[%parallel_loop3A_458] {strides = array<i32>} : memref<2176xf32, #tpu.memory_space<vmem>>, vector<16xf32>,
      %parallel_loop3A_460 = arith.addf %parallel_loop3A_369, %parallel_loop3A_375 : vector<16xf32>
      %parallel_loop3A_461 = arith.addf %parallel_loop3A_381, %parallel_loop3A_387 : vector<16xf32>
      %parallel_loop3A_462 = arith.addf %parallel_loop3A_393, %parallel_loop3A_399 : vector<16xf32>
      %parallel_loop3A_463 = arith.addf %parallel_loop3A_405, %parallel_loop3A_411 : vector<16xf32>
      %parallel_loop3A_464 = arith.addf %parallel_loop3A_417, %parallel_loop3A_423 : vector<16xf32>
      %parallel_loop3A_465 = arith.addf %parallel_loop3A_429, %parallel_loop3A_435 : vector<16xf32>
      %parallel_loop3A_466 = arith.addf %parallel_loop3A_441, %parallel_loop3A_447 : vector<16xf32>
      %parallel_loop3A_467 = arith.addf %parallel_loop3A_453, %parallel_loop3A_459 : vector<16xf32>
      %parallel_loop3A_468 = arith.addf %parallel_loop3A_460, %parallel_loop3A_461 : vector<16xf32>
      %parallel_loop3A_469 = arith.addf %parallel_loop3A_462, %parallel_loop3A_463 : vector<16xf32>
      %parallel_loop3A_470 = arith.addf %parallel_loop3A_464, %parallel_loop3A_465 : vector<16xf32>
      %parallel_loop3A_471 = arith.addf %parallel_loop3A_466, %parallel_loop3A_467 : vector<16xf32>
      %parallel_loop3A_472 = arith.addf %parallel_loop3A_468, %parallel_loop3A_469 : vector<16xf32>
      %parallel_loop3A_473 = arith.addf %parallel_loop3A_470, %parallel_loop3A_471 : vector<16xf32>
      %parallel_loop3A_474 = arith.addf %parallel_loop3A_472, %parallel_loop3A_473 : vector<16xf32>
      %parallel_loop3A_475 = arith.constant 0.000000e+00 : f32
      %parallel_loop3A_476 = vector.broadcast %parallel_loop3A_475 : f32 to vector<16xf32>
      %parallel_loop3A_477 = arith.subf %parallel_loop3A_476, %parallel_loop3A_474 : vector<16xf32>
      %parallel_loop3A_478 = math.exp %parallel_loop3A_477 : vector<16xf32>
      %parallel_loop3A_479 = arith.constant 1.000000e+00 : f32
      %parallel_loop3A_480 = vector.broadcast %parallel_loop3A_479 : f32 to vector<16xf32>
      %parallel_loop3A_481 = arith.addf %parallel_loop3A_480, %parallel_loop3A_478 : vector<16xf32>
      %parallel_loop3A_482 = arith.constant 1.000000e+00 : f32
      %parallel_loop3A_483 = vector.broadcast %parallel_loop3A_482 : f32 to vector<16xf32>
      %parallel_loop3A_484 = arith.divf %parallel_loop3A_483, %parallel_loop3A_481 : vector<16xf32>
      %parallel_loop3A_485 = arith.constant 16 : i32
      %parallel_loop3A_486 = arith.muli %parallel_loop3A_363, %parallel_loop3A_485 : i32
      %parallel_loop3A_487 = arith.constant 0 : i32
      %parallel_loop3A_488 = arith.addi %parallel_loop3A_487, %parallel_loop3A_486 : i32
      %parallel_loop3A_489 = arith.index_cast %parallel_loop3A_488 : i32 to index
      %parallel_loop3A_490 = tpu.vector_load %arg11[%parallel_loop3A_489] {strides = array<i32>} : memref<512xf32, #tpu.memory_space<vmem>>, vector<16xf32>,
      tpu.vector_store %arg11[%parallel_loop3A_489], %parallel_loop3A_484 {strides = array<i32>} : memref<512xf32, #tpu.memory_space<vmem>>, vector<16xf32>,
    } {sc.loop_unroll_factor = 1 : i64, sc.parallel_access}
    %add3A_159 = arith.constant 0 : i32
    %add3A_160 = arith.addi %mul3A_2, %add3A_159 : i32
    %dma_start3A_161 = arith.constant 0 : i32
    %dma_start3A_162 = tpu.memref_slice %arg11[%dma_start3A_161] : memref<512xf32, #tpu.memory_space<vmem>> -> memref<128xf32, #tpu.memory_space<vmem>>
    %dma_start3A_163 = tpu.memref_slice %arg6[%add3A_160] : memref<16384xf32, #tpu.memory_space<hbm>> -> memref<128xf32, #tpu.memory_space<hbm>>
    %dma_start3A_164 = tpu.memref_slice %arg6[%add3A_160] : memref<16384xf32, #tpu.memory_space<hbm>> -> memref<128xf32, #tpu.memory_space<hbm>>
    %dma_start3A_165 = arith.constant 0 : i32
    %dma_start3A_166 = tpu.memref_slice %arg11[%dma_start3A_165] : memref<512xf32, #tpu.memory_space<vmem>> -> memref<128xf32, #tpu.memory_space<vmem>>
    tpu.enqueue_dma source(%dma_start3A_166 : memref<128xf32, #tpu.memory_space<vmem>>) target(%dma_start3A_164 : memref<128xf32, #tpu.memory_space<hbm>>) target_semaphore(%arg16 : memref<!tpu.dma_semaphore, #tpu.memory_space<semaphore_mem>>)
    %dma_wait3A_167 = arith.constant 1 : i32
    %dma_wait3A_168 = arith.constant 0 : i32
    %dma_wait3A_169 = arith.constant 0 : i32
    %dma_wait3A_170 = tpu.memref_slice %arg9[%dma_wait3A_167, %dma_wait3A_168, %dma_wait3A_169] : memref<2x128x128xf32, #tpu.memory_space<vmem>> -> memref<1x128x128xf32, #tpu.memory_space<vmem>>
    %dma_wait3A_171 = tpu.memref_squeeze %dma_wait3A_170 : memref<1x128x128xf32, #tpu.memory_space<vmem>> -> memref<128x128xf32, #tpu.memory_space<vmem>>
    %dma_wait3A_172 = arith.constant 128 : i32
    %dma_wait3A_173 = tpu.memref_slice %arg7[%dma_wait3A_172] : memref<512xi32, #tpu.memory_space<vmem>> -> memref<128xi32, #tpu.memory_space<vmem>>
    %dma_wait3A_174 = arith.constant 0 : i32
    %dma_wait3A_175 = arith.constant 0 : i32
    %dma_wait3A_176 = tpu.memref_slice %arg2[%dma_wait3A_174, %dma_wait3A_175] : memref<100000x128xf32, #tpu.memory_space<hbm>> -> memref<100000x128xf32, #tpu.memory_space<hbm>>
    tpu.wait_indirect_dma semaphore(%arg14 : memref<!tpu.dma_semaphore, #tpu.memory_space<semaphore_mem>>) src(%dma_wait3A_176 : memref<100000x128xf32, #tpu.memory_space<hbm>>) dst(%dma_wait3A_171 : memref<128x128xf32, #tpu.memory_space<vmem>>)
    %dma_wait3A_177 = arith.constant 1 : i32
    %dma_wait3A_178 = arith.constant 0 : i32
    %dma_wait3A_179 = arith.constant 0 : i32
    %dma_wait3A_180 = tpu.memref_slice %arg10[%dma_wait3A_177, %dma_wait3A_178, %dma_wait3A_179] : memref<2x128x128xf32, #tpu.memory_space<vmem>> -> memref<1x128x128xf32, #tpu.memory_space<vmem>>
    %dma_wait3A_181 = tpu.memref_squeeze %dma_wait3A_180 : memref<1x128x128xf32, #tpu.memory_space<vmem>> -> memref<128x128xf32, #tpu.memory_space<vmem>>
    %dma_wait3A_182 = arith.constant 128 : i32
    %dma_wait3A_183 = tpu.memref_slice %arg8[%dma_wait3A_182] : memref<512xi32, #tpu.memory_space<vmem>> -> memref<128xi32, #tpu.memory_space<vmem>>
    %dma_wait3A_184 = arith.constant 0 : i32
    %dma_wait3A_185 = arith.constant 0 : i32
    %dma_wait3A_186 = tpu.memref_slice %arg3[%dma_wait3A_184, %dma_wait3A_185] : memref<100000x128xf32, #tpu.memory_space<hbm>> -> memref<100000x128xf32, #tpu.memory_space<hbm>>
    tpu.wait_indirect_dma semaphore(%arg14 : memref<!tpu.dma_semaphore, #tpu.memory_space<semaphore_mem>>) src(%dma_wait3A_186 : memref<100000x128xf32, #tpu.memory_space<hbm>>) dst(%dma_wait3A_181 : memref<128x128xf32, #tpu.memory_space<vmem>>)
    %dma_wait3A_187 = arith.constant 256 : i32
    %dma_wait3A_188 = tpu.memref_slice %arg7[%dma_wait3A_187] : memref<512xi32, #tpu.memory_space<vmem>> -> memref<128xi32, #tpu.memory_space<vmem>>
    %dma_wait3A_189 = tpu.memref_slice %arg4[%add3A_35] : memref<16384xi32, #tpu.memory_space<hbm>> -> memref<128xi32, #tpu.memory_space<hbm>>
    %dma_wait3A_190 = arith.constant 256 : i32
    %dma_wait3A_191 = tpu.memref_slice %arg7[%dma_wait3A_190] : memref<512xi32, #tpu.memory_space<vmem>> -> memref<128xi32, #tpu.memory_space<vmem>>
    %dma_wait3A_192 = tpu.memref_slice %arg4[%add3A_35] : memref<16384xi32, #tpu.memory_space<hbm>> -> memref<128xi32, #tpu.memory_space<hbm>>
    tpu.wait_dma2 semaphore(%arg15 : memref<!tpu.dma_semaphore, #tpu.memory_space<semaphore_mem>>) src(%dma_wait3A_192 : memref<128xi32, #tpu.memory_space<hbm>>) dst(%dma_wait3A_191 : memref<128xi32, #tpu.memory_space<vmem>>)
    %dma_wait3A_193 = arith.constant 256 : i32
    %dma_wait3A_194 = tpu.memref_slice %arg8[%dma_wait3A_193] : memref<512xi32, #tpu.memory_space<vmem>> -> memref<128xi32, #tpu.memory_space<vmem>>
    %dma_wait3A_195 = tpu.memref_slice %arg5[%add3A_43] : memref<16384xi32, #tpu.memory_space<hbm>> -> memref<128xi32, #tpu.memory_space<hbm>>
    %dma_wait3A_196 = arith.constant 256 : i32
    %dma_wait3A_197 = tpu.memref_slice %arg8[%dma_wait3A_196] : memref<512xi32, #tpu.memory_space<vmem>> -> memref<128xi32, #tpu.memory_space<vmem>>
    %dma_wait3A_198 = tpu.memref_slice %arg5[%add3A_43] : memref<16384xi32, #tpu.memory_space<hbm>> -> memref<128xi32, #tpu.memory_space<hbm>>
    tpu.wait_dma2 semaphore(%arg15 : memref<!tpu.dma_semaphore, #tpu.memory_space<semaphore_mem>>) src(%dma_wait3A_198 : memref<128xi32, #tpu.memory_space<hbm>>) dst(%dma_wait3A_197 : memref<128xi32, #tpu.memory_space<vmem>>)
    %dma_start3A_199 = arith.constant 0 : i32
    %dma_start3A_200 = arith.constant 0 : i32
    %dma_start3A_201 = arith.constant 0 : i32
    %dma_start3A_202 = tpu.memref_slice %arg9[%dma_start3A_199, %dma_start3A_200, %dma_start3A_201] : memref<2x128x128xf32, #tpu.memory_space<vmem>> -> memref<1x128x128xf32, #tpu.memory_space<vmem>>
    %dma_start3A_203 = tpu.memref_squeeze %dma_start3A_202 : memref<1x128x128xf32, #tpu.memory_space<vmem>> -> memref<128x128xf32, #tpu.memory_space<vmem>>
    %dma_start3A_204 = arith.constant 256 : i32
    %dma_start3A_205 = tpu.memref_slice %arg7[%dma_start3A_204] : memref<512xi32, #tpu.memory_space<vmem>> -> memref<128xi32, #tpu.memory_space<vmem>>
    %dma_start3A_206 = arith.constant 0 : i32
    %dma_start3A_207 = arith.constant 0 : i32
    %dma_start3A_208 = tpu.memref_slice %arg2[%dma_start3A_206, %dma_start3A_207] : memref<100000x128xf32, #tpu.memory_space<hbm>> -> memref<100000x128xf32, #tpu.memory_space<hbm>>
    tpu.enqueue_indirect_dma source(%dma_start3A_208 : memref<100000x128xf32, #tpu.memory_space<hbm>>) target(%dma_start3A_203 : memref<128x128xf32, #tpu.memory_space<vmem>>) offsets(%dma_start3A_205 : memref<128xi32, #tpu.memory_space<vmem>>) semaphore(%arg13 : memref<!tpu.dma_semaphore, #tpu.memory_space<semaphore_mem>>)
    %dma_start3A_209 = arith.constant 0 : i32
    %dma_start3A_210 = arith.constant 0 : i32
    %dma_start3A_211 = arith.constant 0 : i32
    %dma_start3A_212 = tpu.memref_slice %arg10[%dma_start3A_209, %dma_start3A_210, %dma_start3A_211] : memref<2x128x128xf32, #tpu.memory_space<vmem>> -> memref<1x128x128xf32, #tpu.memory_space<vmem>>
    %dma_start3A_213 = tpu.memref_squeeze %dma_start3A_212 : memref<1x128x128xf32, #tpu.memory_space<vmem>> -> memref<128x128xf32, #tpu.memory_space<vmem>>
    %dma_start3A_214 = arith.constant 256 : i32
    %dma_start3A_215 = tpu.memref_slice %arg8[%dma_start3A_214] : memref<512xi32, #tpu.memory_space<vmem>> -> memref<128xi32, #tpu.memory_space<vmem>>
    %dma_start3A_216 = arith.constant 0 : i32
    %dma_start3A_217 = arith.constant 0 : i32
    %dma_start3A_218 = tpu.memref_slice %arg3[%dma_start3A_216, %dma_start3A_217] : memref<100000x128xf32, #tpu.memory_space<hbm>> -> memref<100000x128xf32, #tpu.memory_space<hbm>>
    tpu.enqueue_indirect_dma source(%dma_start3A_218 : memref<100000x128xf32, #tpu.memory_space<hbm>>) target(%dma_start3A_213 : memref<128x128xf32, #tpu.memory_space<vmem>>) offsets(%dma_start3A_215 : memref<128xi32, #tpu.memory_space<vmem>>) semaphore(%arg13 : memref<!tpu.dma_semaphore, #tpu.memory_space<semaphore_mem>>)
    %parallel_loop3A_219 = arith.constant 0 : i32
    %parallel_loop3A_220 = arith.constant 128 : i32
    %parallel_loop3A_221 = arith.constant 1 : i32
    %parallel_loop3A_222 = arith.constant 1 : i32
    %parallel_loop3A_223 = arith.constant 1 : i32
    scf.for %parallel_loop3A_363 = %parallel_loop3A_219 to %parallel_loop3A_220 step %parallel_loop3A_221  : i32 {
      %parallel_loop3A_364 = arith.constant 0 : i32
      %parallel_loop3A_365 = arith.constant 0 : i32
      %parallel_loop3A_366 = tpu.memref_slice %arg9[%parallel_loop3A_222, %parallel_loop3A_364, %parallel_loop3A_365] : memref<2x128x128xf32, #tpu.memory_space<vmem>> -> memref<1x128x128xf32, #tpu.memory_space<vmem>>
      %parallel_loop3A_367 = tpu.memref_squeeze %parallel_loop3A_366 : memref<1x128x128xf32, #tpu.memory_space<vmem>> -> memref<128x128xf32, #tpu.memory_space<vmem>>
      %parallel_loop3A_368 = arith.index_cast %parallel_loop3A_363 : i32 to index
      %parallel_loop3A_369 = arith.constant 0 : index
      %parallel_loop3A_370 = tpu.vector_load %parallel_loop3A_367[%parallel_loop3A_368, %parallel_loop3A_369] {strides = array<i32>} : memref<128x128xf32, #tpu.memory_space<vmem>>, vector<16xf32>,
      %parallel_loop3A_371 = arith.constant 0 : i32
      %parallel_loop3A_372 = arith.constant 0 : i32
      %parallel_loop3A_373 = tpu.memref_slice %arg10[%parallel_loop3A_223, %parallel_loop3A_371, %parallel_loop3A_372] : memref<2x128x128xf32, #tpu.memory_space<vmem>> -> memref<1x128x128xf32, #tpu.memory_space<vmem>>
      %parallel_loop3A_374 = tpu.memref_squeeze %parallel_loop3A_373 : memref<1x128x128xf32, #tpu.memory_space<vmem>> -> memref<128x128xf32, #tpu.memory_space<vmem>>
      %parallel_loop3A_375 = arith.index_cast %parallel_loop3A_363 : i32 to index
      %parallel_loop3A_376 = arith.constant 0 : index
      %parallel_loop3A_377 = tpu.vector_load %parallel_loop3A_374[%parallel_loop3A_375, %parallel_loop3A_376] {strides = array<i32>} : memref<128x128xf32, #tpu.memory_space<vmem>>, vector<16xf32>,
      %parallel_loop3A_378 = arith.mulf %parallel_loop3A_370, %parallel_loop3A_377 : vector<16xf32>
      %parallel_loop3A_379 = arith.constant 0 : i32
      %parallel_loop3A_380 = arith.constant 0 : i32
      %parallel_loop3A_381 = tpu.memref_slice %arg9[%parallel_loop3A_222, %parallel_loop3A_379, %parallel_loop3A_380] : memref<2x128x128xf32, #tpu.memory_space<vmem>> -> memref<1x128x128xf32, #tpu.memory_space<vmem>>
      %parallel_loop3A_382 = tpu.memref_squeeze %parallel_loop3A_381 : memref<1x128x128xf32, #tpu.memory_space<vmem>> -> memref<128x128xf32, #tpu.memory_space<vmem>>
      %parallel_loop3A_383 = arith.index_cast %parallel_loop3A_363 : i32 to index
      %parallel_loop3A_384 = arith.constant 16 : index
      %parallel_loop3A_385 = tpu.vector_load %parallel_loop3A_382[%parallel_loop3A_383, %parallel_loop3A_384] {strides = array<i32>} : memref<128x128xf32, #tpu.memory_space<vmem>>, vector<16xf32>,
      %parallel_loop3A_386 = arith.constant 0 : i32
      %parallel_loop3A_387 = arith.constant 0 : i32
      %parallel_loop3A_388 = tpu.memref_slice %arg10[%parallel_loop3A_223, %parallel_loop3A_386, %parallel_loop3A_387] : memref<2x128x128xf32, #tpu.memory_space<vmem>> -> memref<1x128x128xf32, #tpu.memory_space<vmem>>
      %parallel_loop3A_389 = tpu.memref_squeeze %parallel_loop3A_388 : memref<1x128x128xf32, #tpu.memory_space<vmem>> -> memref<128x128xf32, #tpu.memory_space<vmem>>
      %parallel_loop3A_390 = arith.index_cast %parallel_loop3A_363 : i32 to index
      %parallel_loop3A_391 = arith.constant 16 : index
      %parallel_loop3A_392 = tpu.vector_load %parallel_loop3A_389[%parallel_loop3A_390, %parallel_loop3A_391] {strides = array<i32>} : memref<128x128xf32, #tpu.memory_space<vmem>>, vector<16xf32>,
      %parallel_loop3A_393 = arith.mulf %parallel_loop3A_385, %parallel_loop3A_392 : vector<16xf32>
      %parallel_loop3A_394 = arith.constant 0 : i32
      %parallel_loop3A_395 = arith.constant 0 : i32
      %parallel_loop3A_396 = tpu.memref_slice %arg9[%parallel_loop3A_222, %parallel_loop3A_394, %parallel_loop3A_395] : memref<2x128x128xf32, #tpu.memory_space<vmem>> -> memref<1x128x128xf32, #tpu.memory_space<vmem>>
      %parallel_loop3A_397 = tpu.memref_squeeze %parallel_loop3A_396 : memref<1x128x128xf32, #tpu.memory_space<vmem>> -> memref<128x128xf32, #tpu.memory_space<vmem>>
      %parallel_loop3A_398 = arith.index_cast %parallel_loop3A_363 : i32 to index
      %parallel_loop3A_399 = arith.constant 32 : index
      %parallel_loop3A_400 = tpu.vector_load %parallel_loop3A_397[%parallel_loop3A_398, %parallel_loop3A_399] {strides = array<i32>} : memref<128x128xf32, #tpu.memory_space<vmem>>, vector<16xf32>,
      %parallel_loop3A_401 = arith.constant 0 : i32
      %parallel_loop3A_402 = arith.constant 0 : i32
      %parallel_loop3A_403 = tpu.memref_slice %arg10[%parallel_loop3A_223, %parallel_loop3A_401, %parallel_loop3A_402] : memref<2x128x128xf32, #tpu.memory_space<vmem>> -> memref<1x128x128xf32, #tpu.memory_space<vmem>>
      %parallel_loop3A_404 = tpu.memref_squeeze %parallel_loop3A_403 : memref<1x128x128xf32, #tpu.memory_space<vmem>> -> memref<128x128xf32, #tpu.memory_space<vmem>>
      %parallel_loop3A_405 = arith.index_cast %parallel_loop3A_363 : i32 to index
      %parallel_loop3A_406 = arith.constant 32 : index
      %parallel_loop3A_407 = tpu.vector_load %parallel_loop3A_404[%parallel_loop3A_405, %parallel_loop3A_406] {strides = array<i32>} : memref<128x128xf32, #tpu.memory_space<vmem>>, vector<16xf32>,
      %parallel_loop3A_408 = arith.mulf %parallel_loop3A_400, %parallel_loop3A_407 : vector<16xf32>
      %parallel_loop3A_409 = arith.constant 0 : i32
      %parallel_loop3A_410 = arith.constant 0 : i32
      %parallel_loop3A_411 = tpu.memref_slice %arg9[%parallel_loop3A_222, %parallel_loop3A_409, %parallel_loop3A_410] : memref<2x128x128xf32, #tpu.memory_space<vmem>> -> memref<1x128x128xf32, #tpu.memory_space<vmem>>
      %parallel_loop3A_412 = tpu.memref_squeeze %parallel_loop3A_411 : memref<1x128x128xf32, #tpu.memory_space<vmem>> -> memref<128x128xf32, #tpu.memory_space<vmem>>
      %parallel_loop3A_413 = arith.index_cast %parallel_loop3A_363 : i32 to index
      %parallel_loop3A_414 = arith.constant 48 : index
      %parallel_loop3A_415 = tpu.vector_load %parallel_loop3A_412[%parallel_loop3A_413, %parallel_loop3A_414] {strides = array<i32>} : memref<128x128xf32, #tpu.memory_space<vmem>>, vector<16xf32>,
      %parallel_loop3A_416 = arith.constant 0 : i32
      %parallel_loop3A_417 = arith.constant 0 : i32
      %parallel_loop3A_418 = tpu.memref_slice %arg10[%parallel_loop3A_223, %parallel_loop3A_416, %parallel_loop3A_417] : memref<2x128x128xf32, #tpu.memory_space<vmem>> -> memref<1x128x128xf32, #tpu.memory_space<vmem>>
      %parallel_loop3A_419 = tpu.memref_squeeze %parallel_loop3A_418 : memref<1x128x128xf32, #tpu.memory_space<vmem>> -> memref<128x128xf32, #tpu.memory_space<vmem>>
      %parallel_loop3A_420 = arith.index_cast %parallel_loop3A_363 : i32 to index
      %parallel_loop3A_421 = arith.constant 48 : index
      %parallel_loop3A_422 = tpu.vector_load %parallel_loop3A_419[%parallel_loop3A_420, %parallel_loop3A_421] {strides = array<i32>} : memref<128x128xf32, #tpu.memory_space<vmem>>, vector<16xf32>,
      %parallel_loop3A_423 = arith.mulf %parallel_loop3A_415, %parallel_loop3A_422 : vector<16xf32>
      %parallel_loop3A_424 = arith.constant 0 : i32
      %parallel_loop3A_425 = arith.constant 0 : i32
      %parallel_loop3A_426 = tpu.memref_slice %arg9[%parallel_loop3A_222, %parallel_loop3A_424, %parallel_loop3A_425] : memref<2x128x128xf32, #tpu.memory_space<vmem>> -> memref<1x128x128xf32, #tpu.memory_space<vmem>>
      %parallel_loop3A_427 = tpu.memref_squeeze %parallel_loop3A_426 : memref<1x128x128xf32, #tpu.memory_space<vmem>> -> memref<128x128xf32, #tpu.memory_space<vmem>>
      %parallel_loop3A_428 = arith.index_cast %parallel_loop3A_363 : i32 to index
      %parallel_loop3A_429 = arith.constant 64 : index
      %parallel_loop3A_430 = tpu.vector_load %parallel_loop3A_427[%parallel_loop3A_428, %parallel_loop3A_429] {strides = array<i32>} : memref<128x128xf32, #tpu.memory_space<vmem>>, vector<16xf32>,
      %parallel_loop3A_431 = arith.constant 0 : i32
      %parallel_loop3A_432 = arith.constant 0 : i32
      %parallel_loop3A_433 = tpu.memref_slice %arg10[%parallel_loop3A_223, %parallel_loop3A_431, %parallel_loop3A_432] : memref<2x128x128xf32, #tpu.memory_space<vmem>> -> memref<1x128x128xf32, #tpu.memory_space<vmem>>
      %parallel_loop3A_434 = tpu.memref_squeeze %parallel_loop3A_433 : memref<1x128x128xf32, #tpu.memory_space<vmem>> -> memref<128x128xf32, #tpu.memory_space<vmem>>
      %parallel_loop3A_435 = arith.index_cast %parallel_loop3A_363 : i32 to index
      %parallel_loop3A_436 = arith.constant 64 : index
      %parallel_loop3A_437 = tpu.vector_load %parallel_loop3A_434[%parallel_loop3A_435, %parallel_loop3A_436] {strides = array<i32>} : memref<128x128xf32, #tpu.memory_space<vmem>>, vector<16xf32>,
      %parallel_loop3A_438 = arith.mulf %parallel_loop3A_430, %parallel_loop3A_437 : vector<16xf32>
      %parallel_loop3A_439 = arith.constant 0 : i32
      %parallel_loop3A_440 = arith.constant 0 : i32
      %parallel_loop3A_441 = tpu.memref_slice %arg9[%parallel_loop3A_222, %parallel_loop3A_439, %parallel_loop3A_440] : memref<2x128x128xf32, #tpu.memory_space<vmem>> -> memref<1x128x128xf32, #tpu.memory_space<vmem>>
      %parallel_loop3A_442 = tpu.memref_squeeze %parallel_loop3A_441 : memref<1x128x128xf32, #tpu.memory_space<vmem>> -> memref<128x128xf32, #tpu.memory_space<vmem>>
      %parallel_loop3A_443 = arith.index_cast %parallel_loop3A_363 : i32 to index
      %parallel_loop3A_444 = arith.constant 80 : index
      %parallel_loop3A_445 = tpu.vector_load %parallel_loop3A_442[%parallel_loop3A_443, %parallel_loop3A_444] {strides = array<i32>} : memref<128x128xf32, #tpu.memory_space<vmem>>, vector<16xf32>,
      %parallel_loop3A_446 = arith.constant 0 : i32
      %parallel_loop3A_447 = arith.constant 0 : i32
      %parallel_loop3A_448 = tpu.memref_slice %arg10[%parallel_loop3A_223, %parallel_loop3A_446, %parallel_loop3A_447] : memref<2x128x128xf32, #tpu.memory_space<vmem>> -> memref<1x128x128xf32, #tpu.memory_space<vmem>>
      %parallel_loop3A_449 = tpu.memref_squeeze %parallel_loop3A_448 : memref<1x128x128xf32, #tpu.memory_space<vmem>> -> memref<128x128xf32, #tpu.memory_space<vmem>>
      %parallel_loop3A_450 = arith.index_cast %parallel_loop3A_363 : i32 to index
      %parallel_loop3A_451 = arith.constant 80 : index
      %parallel_loop3A_452 = tpu.vector_load %parallel_loop3A_449[%parallel_loop3A_450, %parallel_loop3A_451] {strides = array<i32>} : memref<128x128xf32, #tpu.memory_space<vmem>>, vector<16xf32>,
      %parallel_loop3A_453 = arith.mulf %parallel_loop3A_445, %parallel_loop3A_452 : vector<16xf32>
      %parallel_loop3A_454 = arith.constant 0 : i32
      %parallel_loop3A_455 = arith.constant 0 : i32
      %parallel_loop3A_456 = tpu.memref_slice %arg9[%parallel_loop3A_222, %parallel_loop3A_454, %parallel_loop3A_455] : memref<2x128x128xf32, #tpu.memory_space<vmem>> -> memref<1x128x128xf32, #tpu.memory_space<vmem>>
      %parallel_loop3A_457 = tpu.memref_squeeze %parallel_loop3A_456 : memref<1x128x128xf32, #tpu.memory_space<vmem>> -> memref<128x128xf32, #tpu.memory_space<vmem>>
      %parallel_loop3A_458 = arith.index_cast %parallel_loop3A_363 : i32 to index
      %parallel_loop3A_459 = arith.constant 96 : index
      %parallel_loop3A_460 = tpu.vector_load %parallel_loop3A_457[%parallel_loop3A_458, %parallel_loop3A_459] {strides = array<i32>} : memref<128x128xf32, #tpu.memory_space<vmem>>, vector<16xf32>,
      %parallel_loop3A_461 = arith.constant 0 : i32
      %parallel_loop3A_462 = arith.constant 0 : i32
      %parallel_loop3A_463 = tpu.memref_slice %arg10[%parallel_loop3A_223, %parallel_loop3A_461, %parallel_loop3A_462] : memref<2x128x128xf32, #tpu.memory_space<vmem>> -> memref<1x128x128xf32, #tpu.memory_space<vmem>>
      %parallel_loop3A_464 = tpu.memref_squeeze %parallel_loop3A_463 : memref<1x128x128xf32, #tpu.memory_space<vmem>> -> memref<128x128xf32, #tpu.memory_space<vmem>>
      %parallel_loop3A_465 = arith.index_cast %parallel_loop3A_363 : i32 to index
      %parallel_loop3A_466 = arith.constant 96 : index
      %parallel_loop3A_467 = tpu.vector_load %parallel_loop3A_464[%parallel_loop3A_465, %parallel_loop3A_466] {strides = array<i32>} : memref<128x128xf32, #tpu.memory_space<vmem>>, vector<16xf32>,
      %parallel_loop3A_468 = arith.mulf %parallel_loop3A_460, %parallel_loop3A_467 : vector<16xf32>
      %parallel_loop3A_469 = arith.constant 0 : i32
      %parallel_loop3A_470 = arith.constant 0 : i32
      %parallel_loop3A_471 = tpu.memref_slice %arg9[%parallel_loop3A_222, %parallel_loop3A_469, %parallel_loop3A_470] : memref<2x128x128xf32, #tpu.memory_space<vmem>> -> memref<1x128x128xf32, #tpu.memory_space<vmem>>
      %parallel_loop3A_472 = tpu.memref_squeeze %parallel_loop3A_471 : memref<1x128x128xf32, #tpu.memory_space<vmem>> -> memref<128x128xf32, #tpu.memory_space<vmem>>
      %parallel_loop3A_473 = arith.index_cast %parallel_loop3A_363 : i32 to index
      %parallel_loop3A_474 = arith.constant 112 : index
      %parallel_loop3A_475 = tpu.vector_load %parallel_loop3A_472[%parallel_loop3A_473, %parallel_loop3A_474] {strides = array<i32>} : memref<128x128xf32, #tpu.memory_space<vmem>>, vector<16xf32>,
      %parallel_loop3A_476 = arith.constant 0 : i32
      %parallel_loop3A_477 = arith.constant 0 : i32
      %parallel_loop3A_478 = tpu.memref_slice %arg10[%parallel_loop3A_223, %parallel_loop3A_476, %parallel_loop3A_477] : memref<2x128x128xf32, #tpu.memory_space<vmem>> -> memref<1x128x128xf32, #tpu.memory_space<vmem>>
      %parallel_loop3A_479 = tpu.memref_squeeze %parallel_loop3A_478 : memref<1x128x128xf32, #tpu.memory_space<vmem>> -> memref<128x128xf32, #tpu.memory_space<vmem>>
      %parallel_loop3A_480 = arith.index_cast %parallel_loop3A_363 : i32 to index
      %parallel_loop3A_481 = arith.constant 112 : index
      %parallel_loop3A_482 = tpu.vector_load %parallel_loop3A_479[%parallel_loop3A_480, %parallel_loop3A_481] {strides = array<i32>} : memref<128x128xf32, #tpu.memory_space<vmem>>, vector<16xf32>,
      %parallel_loop3A_483 = arith.mulf %parallel_loop3A_475, %parallel_loop3A_482 : vector<16xf32>
      %parallel_loop3A_484 = arith.addf %parallel_loop3A_378, %parallel_loop3A_393 : vector<16xf32>
      %parallel_loop3A_485 = arith.addf %parallel_loop3A_408, %parallel_loop3A_423 : vector<16xf32>
      %parallel_loop3A_486 = arith.addf %parallel_loop3A_438, %parallel_loop3A_453 : vector<16xf32>
      %parallel_loop3A_487 = arith.addf %parallel_loop3A_468, %parallel_loop3A_483 : vector<16xf32>
      %parallel_loop3A_488 = arith.addf %parallel_loop3A_484, %parallel_loop3A_485 : vector<16xf32>
      %parallel_loop3A_489 = arith.addf %parallel_loop3A_486, %parallel_loop3A_487 : vector<16xf32>
      %parallel_loop3A_490 = arith.addf %parallel_loop3A_488, %parallel_loop3A_489 : vector<16xf32>
      %parallel_loop3A_491 = arith.constant 15 : i32
      %parallel_loop3A_492 = arith.andi %parallel_loop3A_363, %parallel_loop3A_491 : i32
      %parallel_loop3A_493 = vector.broadcast %parallel_loop3A_492 : i32 to vector<16xi32>
      %parallel_loop3A_494 = arith.addi %mul3A_68, %parallel_loop3A_493 : vector<16xi32>
      %parallel_loop3A_495 = arith.constant 4 : i32
      %parallel_loop3A_496 = arith.shrsi %parallel_loop3A_363, %parallel_loop3A_495 : i32
      %parallel_loop3A_497 = arith.constant 272 : i32
      %parallel_loop3A_498 = arith.muli %parallel_loop3A_496, %parallel_loop3A_497 : i32
      %parallel_loop3A_499 = vector.broadcast %parallel_loop3A_498 : i32 to vector<16xi32>
      %parallel_loop3A_500 = arith.addi %parallel_loop3A_494, %parallel_loop3A_499 : vector<16xi32>
      tpu.vector_store_idx %arg12[%parallel_loop3A_500], %parallel_loop3A_490 : memref<2176xf32, #tpu.memory_space<vmem>>[vector<16xi32>], vector<16xf32>,
    } {sc.loop_unroll_factor = 1 : i64, sc.parallel_access}
    %parallel_loop3A_224 = arith.constant 0 : i32
    %parallel_loop3A_225 = arith.constant 8 : i32
    %parallel_loop3A_226 = arith.constant 1 : i32
    scf.for %parallel_loop3A_363 = %parallel_loop3A_224 to %parallel_loop3A_225 step %parallel_loop3A_226  : i32 {
      %parallel_loop3A_364 = arith.constant 272 : i32
      %parallel_loop3A_365 = arith.muli %parallel_loop3A_363, %parallel_loop3A_364 : i32
      %parallel_loop3A_366 = arith.constant 0 : i32
      %parallel_loop3A_367 = arith.addi %parallel_loop3A_365, %parallel_loop3A_366 : i32
      %parallel_loop3A_368 = arith.index_cast %parallel_loop3A_367 : i32 to index
      %parallel_loop3A_369 = tpu.vector_load %arg12[%parallel_loop3A_368] {strides = array<i32>} : memref<2176xf32, #tpu.memory_space<vmem>>, vector<16xf32>,
      %parallel_loop3A_370 = arith.constant 272 : i32
      %parallel_loop3A_371 = arith.muli %parallel_loop3A_363, %parallel_loop3A_370 : i32
      %parallel_loop3A_372 = arith.constant 17 : i32
      %parallel_loop3A_373 = arith.addi %parallel_loop3A_371, %parallel_loop3A_372 : i32
      %parallel_loop3A_374 = arith.index_cast %parallel_loop3A_373 : i32 to index
      %parallel_loop3A_375 = tpu.vector_load %arg12[%parallel_loop3A_374] {strides = array<i32>} : memref<2176xf32, #tpu.memory_space<vmem>>, vector<16xf32>,
      %parallel_loop3A_376 = arith.constant 272 : i32
      %parallel_loop3A_377 = arith.muli %parallel_loop3A_363, %parallel_loop3A_376 : i32
      %parallel_loop3A_378 = arith.constant 34 : i32
      %parallel_loop3A_379 = arith.addi %parallel_loop3A_377, %parallel_loop3A_378 : i32
      %parallel_loop3A_380 = arith.index_cast %parallel_loop3A_379 : i32 to index
      %parallel_loop3A_381 = tpu.vector_load %arg12[%parallel_loop3A_380] {strides = array<i32>} : memref<2176xf32, #tpu.memory_space<vmem>>, vector<16xf32>,
      %parallel_loop3A_382 = arith.constant 272 : i32
      %parallel_loop3A_383 = arith.muli %parallel_loop3A_363, %parallel_loop3A_382 : i32
      %parallel_loop3A_384 = arith.constant 51 : i32
      %parallel_loop3A_385 = arith.addi %parallel_loop3A_383, %parallel_loop3A_384 : i32
      %parallel_loop3A_386 = arith.index_cast %parallel_loop3A_385 : i32 to index
      %parallel_loop3A_387 = tpu.vector_load %arg12[%parallel_loop3A_386] {strides = array<i32>} : memref<2176xf32, #tpu.memory_space<vmem>>, vector<16xf32>,
      %parallel_loop3A_388 = arith.constant 272 : i32
      %parallel_loop3A_389 = arith.muli %parallel_loop3A_363, %parallel_loop3A_388 : i32
      %parallel_loop3A_390 = arith.constant 68 : i32
      %parallel_loop3A_391 = arith.addi %parallel_loop3A_389, %parallel_loop3A_390 : i32
      %parallel_loop3A_392 = arith.index_cast %parallel_loop3A_391 : i32 to index
      %parallel_loop3A_393 = tpu.vector_load %arg12[%parallel_loop3A_392] {strides = array<i32>} : memref<2176xf32, #tpu.memory_space<vmem>>, vector<16xf32>,
      %parallel_loop3A_394 = arith.constant 272 : i32
      %parallel_loop3A_395 = arith.muli %parallel_loop3A_363, %parallel_loop3A_394 : i32
      %parallel_loop3A_396 = arith.constant 85 : i32
      %parallel_loop3A_397 = arith.addi %parallel_loop3A_395, %parallel_loop3A_396 : i32
      %parallel_loop3A_398 = arith.index_cast %parallel_loop3A_397 : i32 to index
      %parallel_loop3A_399 = tpu.vector_load %arg12[%parallel_loop3A_398] {strides = array<i32>} : memref<2176xf32, #tpu.memory_space<vmem>>, vector<16xf32>,
      %parallel_loop3A_400 = arith.constant 272 : i32
      %parallel_loop3A_401 = arith.muli %parallel_loop3A_363, %parallel_loop3A_400 : i32
      %parallel_loop3A_402 = arith.constant 102 : i32
      %parallel_loop3A_403 = arith.addi %parallel_loop3A_401, %parallel_loop3A_402 : i32
      %parallel_loop3A_404 = arith.index_cast %parallel_loop3A_403 : i32 to index
      %parallel_loop3A_405 = tpu.vector_load %arg12[%parallel_loop3A_404] {strides = array<i32>} : memref<2176xf32, #tpu.memory_space<vmem>>, vector<16xf32>,
      %parallel_loop3A_406 = arith.constant 272 : i32
      %parallel_loop3A_407 = arith.muli %parallel_loop3A_363, %parallel_loop3A_406 : i32
      %parallel_loop3A_408 = arith.constant 119 : i32
      %parallel_loop3A_409 = arith.addi %parallel_loop3A_407, %parallel_loop3A_408 : i32
      %parallel_loop3A_410 = arith.index_cast %parallel_loop3A_409 : i32 to index
      %parallel_loop3A_411 = tpu.vector_load %arg12[%parallel_loop3A_410] {strides = array<i32>} : memref<2176xf32, #tpu.memory_space<vmem>>, vector<16xf32>,
      %parallel_loop3A_412 = arith.constant 272 : i32
      %parallel_loop3A_413 = arith.muli %parallel_loop3A_363, %parallel_loop3A_412 : i32
      %parallel_loop3A_414 = arith.constant 136 : i32
      %parallel_loop3A_415 = arith.addi %parallel_loop3A_413, %parallel_loop3A_414 : i32
      %parallel_loop3A_416 = arith.index_cast %parallel_loop3A_415 : i32 to index
      %parallel_loop3A_417 = tpu.vector_load %arg12[%parallel_loop3A_416] {strides = array<i32>} : memref<2176xf32, #tpu.memory_space<vmem>>, vector<16xf32>,
      %parallel_loop3A_418 = arith.constant 272 : i32
      %parallel_loop3A_419 = arith.muli %parallel_loop3A_363, %parallel_loop3A_418 : i32
      %parallel_loop3A_420 = arith.constant 153 : i32
      %parallel_loop3A_421 = arith.addi %parallel_loop3A_419, %parallel_loop3A_420 : i32
      %parallel_loop3A_422 = arith.index_cast %parallel_loop3A_421 : i32 to index
      %parallel_loop3A_423 = tpu.vector_load %arg12[%parallel_loop3A_422] {strides = array<i32>} : memref<2176xf32, #tpu.memory_space<vmem>>, vector<16xf32>,
      %parallel_loop3A_424 = arith.constant 272 : i32
      %parallel_loop3A_425 = arith.muli %parallel_loop3A_363, %parallel_loop3A_424 : i32
      %parallel_loop3A_426 = arith.constant 170 : i32
      %parallel_loop3A_427 = arith.addi %parallel_loop3A_425, %parallel_loop3A_426 : i32
      %parallel_loop3A_428 = arith.index_cast %parallel_loop3A_427 : i32 to index
      %parallel_loop3A_429 = tpu.vector_load %arg12[%parallel_loop3A_428] {strides = array<i32>} : memref<2176xf32, #tpu.memory_space<vmem>>, vector<16xf32>,
      %parallel_loop3A_430 = arith.constant 272 : i32
      %parallel_loop3A_431 = arith.muli %parallel_loop3A_363, %parallel_loop3A_430 : i32
      %parallel_loop3A_432 = arith.constant 187 : i32
      %parallel_loop3A_433 = arith.addi %parallel_loop3A_431, %parallel_loop3A_432 : i32
      %parallel_loop3A_434 = arith.index_cast %parallel_loop3A_433 : i32 to index
      %parallel_loop3A_435 = tpu.vector_load %arg12[%parallel_loop3A_434] {strides = array<i32>} : memref<2176xf32, #tpu.memory_space<vmem>>, vector<16xf32>,
      %parallel_loop3A_436 = arith.constant 272 : i32
      %parallel_loop3A_437 = arith.muli %parallel_loop3A_363, %parallel_loop3A_436 : i32
      %parallel_loop3A_438 = arith.constant 204 : i32
      %parallel_loop3A_439 = arith.addi %parallel_loop3A_437, %parallel_loop3A_438 : i32
      %parallel_loop3A_440 = arith.index_cast %parallel_loop3A_439 : i32 to index
      %parallel_loop3A_441 = tpu.vector_load %arg12[%parallel_loop3A_440] {strides = array<i32>} : memref<2176xf32, #tpu.memory_space<vmem>>, vector<16xf32>,
      %parallel_loop3A_442 = arith.constant 272 : i32
      %parallel_loop3A_443 = arith.muli %parallel_loop3A_363, %parallel_loop3A_442 : i32
      %parallel_loop3A_444 = arith.constant 221 : i32
      %parallel_loop3A_445 = arith.addi %parallel_loop3A_443, %parallel_loop3A_444 : i32
      %parallel_loop3A_446 = arith.index_cast %parallel_loop3A_445 : i32 to index
      %parallel_loop3A_447 = tpu.vector_load %arg12[%parallel_loop3A_446] {strides = array<i32>} : memref<2176xf32, #tpu.memory_space<vmem>>, vector<16xf32>,
      %parallel_loop3A_448 = arith.constant 272 : i32
      %parallel_loop3A_449 = arith.muli %parallel_loop3A_363, %parallel_loop3A_448 : i32
      %parallel_loop3A_450 = arith.constant 238 : i32
      %parallel_loop3A_451 = arith.addi %parallel_loop3A_449, %parallel_loop3A_450 : i32
      %parallel_loop3A_452 = arith.index_cast %parallel_loop3A_451 : i32 to index
      %parallel_loop3A_453 = tpu.vector_load %arg12[%parallel_loop3A_452] {strides = array<i32>} : memref<2176xf32, #tpu.memory_space<vmem>>, vector<16xf32>,
      %parallel_loop3A_454 = arith.constant 272 : i32
      %parallel_loop3A_455 = arith.muli %parallel_loop3A_363, %parallel_loop3A_454 : i32
      %parallel_loop3A_456 = arith.constant 255 : i32
      %parallel_loop3A_457 = arith.addi %parallel_loop3A_455, %parallel_loop3A_456 : i32
      %parallel_loop3A_458 = arith.index_cast %parallel_loop3A_457 : i32 to index
      %parallel_loop3A_459 = tpu.vector_load %arg12[%parallel_loop3A_458] {strides = array<i32>} : memref<2176xf32, #tpu.memory_space<vmem>>, vector<16xf32>,
      %parallel_loop3A_460 = arith.addf %parallel_loop3A_369, %parallel_loop3A_375 : vector<16xf32>
      %parallel_loop3A_461 = arith.addf %parallel_loop3A_381, %parallel_loop3A_387 : vector<16xf32>
      %parallel_loop3A_462 = arith.addf %parallel_loop3A_393, %parallel_loop3A_399 : vector<16xf32>
      %parallel_loop3A_463 = arith.addf %parallel_loop3A_405, %parallel_loop3A_411 : vector<16xf32>
      %parallel_loop3A_464 = arith.addf %parallel_loop3A_417, %parallel_loop3A_423 : vector<16xf32>
      %parallel_loop3A_465 = arith.addf %parallel_loop3A_429, %parallel_loop3A_435 : vector<16xf32>
      %parallel_loop3A_466 = arith.addf %parallel_loop3A_441, %parallel_loop3A_447 : vector<16xf32>
      %parallel_loop3A_467 = arith.addf %parallel_loop3A_453, %parallel_loop3A_459 : vector<16xf32>
      %parallel_loop3A_468 = arith.addf %parallel_loop3A_460, %parallel_loop3A_461 : vector<16xf32>
      %parallel_loop3A_469 = arith.addf %parallel_loop3A_462, %parallel_loop3A_463 : vector<16xf32>
      %parallel_loop3A_470 = arith.addf %parallel_loop3A_464, %parallel_loop3A_465 : vector<16xf32>
      %parallel_loop3A_471 = arith.addf %parallel_loop3A_466, %parallel_loop3A_467 : vector<16xf32>
      %parallel_loop3A_472 = arith.addf %parallel_loop3A_468, %parallel_loop3A_469 : vector<16xf32>
      %parallel_loop3A_473 = arith.addf %parallel_loop3A_470, %parallel_loop3A_471 : vector<16xf32>
      %parallel_loop3A_474 = arith.addf %parallel_loop3A_472, %parallel_loop3A_473 : vector<16xf32>
      %parallel_loop3A_475 = arith.constant 0.000000e+00 : f32
      %parallel_loop3A_476 = vector.broadcast %parallel_loop3A_475 : f32 to vector<16xf32>
      %parallel_loop3A_477 = arith.subf %parallel_loop3A_476, %parallel_loop3A_474 : vector<16xf32>
      %parallel_loop3A_478 = math.exp %parallel_loop3A_477 : vector<16xf32>
      %parallel_loop3A_479 = arith.constant 1.000000e+00 : f32
      %parallel_loop3A_480 = vector.broadcast %parallel_loop3A_479 : f32 to vector<16xf32>
      %parallel_loop3A_481 = arith.addf %parallel_loop3A_480, %parallel_loop3A_478 : vector<16xf32>
      %parallel_loop3A_482 = arith.constant 1.000000e+00 : f32
      %parallel_loop3A_483 = vector.broadcast %parallel_loop3A_482 : f32 to vector<16xf32>
      %parallel_loop3A_484 = arith.divf %parallel_loop3A_483, %parallel_loop3A_481 : vector<16xf32>
      %parallel_loop3A_485 = arith.constant 16 : i32
      %parallel_loop3A_486 = arith.muli %parallel_loop3A_363, %parallel_loop3A_485 : i32
      %parallel_loop3A_487 = arith.constant 128 : i32
      %parallel_loop3A_488 = arith.addi %parallel_loop3A_487, %parallel_loop3A_486 : i32
      %parallel_loop3A_489 = arith.index_cast %parallel_loop3A_488 : i32 to index
      %parallel_loop3A_490 = tpu.vector_load %arg11[%parallel_loop3A_489] {strides = array<i32>} : memref<512xf32, #tpu.memory_space<vmem>>, vector<16xf32>,
      tpu.vector_store %arg11[%parallel_loop3A_489], %parallel_loop3A_484 {strides = array<i32>} : memref<512xf32, #tpu.memory_space<vmem>>, vector<16xf32>,
    } {sc.loop_unroll_factor = 1 : i64, sc.parallel_access}
    %add3A_227 = arith.constant 128 : i32
    %add3A_228 = arith.addi %mul3A_2, %add3A_227 : i32
    %dma_start3A_229 = arith.constant 128 : i32
    %dma_start3A_230 = tpu.memref_slice %arg11[%dma_start3A_229] : memref<512xf32, #tpu.memory_space<vmem>> -> memref<128xf32, #tpu.memory_space<vmem>>
    %dma_start3A_231 = tpu.memref_slice %arg6[%add3A_228] : memref<16384xf32, #tpu.memory_space<hbm>> -> memref<128xf32, #tpu.memory_space<hbm>>
    %dma_start3A_232 = tpu.memref_slice %arg6[%add3A_228] : memref<16384xf32, #tpu.memory_space<hbm>> -> memref<128xf32, #tpu.memory_space<hbm>>
    %dma_start3A_233 = arith.constant 128 : i32
    %dma_start3A_234 = tpu.memref_slice %arg11[%dma_start3A_233] : memref<512xf32, #tpu.memory_space<vmem>> -> memref<128xf32, #tpu.memory_space<vmem>>
    tpu.enqueue_dma source(%dma_start3A_234 : memref<128xf32, #tpu.memory_space<vmem>>) target(%dma_start3A_232 : memref<128xf32, #tpu.memory_space<hbm>>) target_semaphore(%arg16 : memref<!tpu.dma_semaphore, #tpu.memory_space<semaphore_mem>>)
    %dma_wait3A_235 = arith.constant 0 : i32
    %dma_wait3A_236 = arith.constant 0 : i32
    %dma_wait3A_237 = arith.constant 0 : i32
    %dma_wait3A_238 = tpu.memref_slice %arg9[%dma_wait3A_235, %dma_wait3A_236, %dma_wait3A_237] : memref<2x128x128xf32, #tpu.memory_space<vmem>> -> memref<1x128x128xf32, #tpu.memory_space<vmem>>
    %dma_wait3A_239 = tpu.memref_squeeze %dma_wait3A_238 : memref<1x128x128xf32, #tpu.memory_space<vmem>> -> memref<128x128xf32, #tpu.memory_space<vmem>>
    %dma_wait3A_240 = arith.constant 256 : i32
    %dma_wait3A_241 = tpu.memref_slice %arg7[%dma_wait3A_240] : memref<512xi32, #tpu.memory_space<vmem>> -> memref<128xi32, #tpu.memory_space<vmem>>
    %dma_wait3A_242 = arith.constant 0 : i32
    %dma_wait3A_243 = arith.constant 0 : i32
    %dma_wait3A_244 = tpu.memref_slice %arg2[%dma_wait3A_242, %dma_wait3A_243] : memref<100000x128xf32, #tpu.memory_space<hbm>> -> memref<100000x128xf32, #tpu.memory_space<hbm>>
    tpu.wait_indirect_dma semaphore(%arg13 : memref<!tpu.dma_semaphore, #tpu.memory_space<semaphore_mem>>) src(%dma_wait3A_244 : memref<100000x128xf32, #tpu.memory_space<hbm>>) dst(%dma_wait3A_239 : memref<128x128xf32, #tpu.memory_space<vmem>>)
    %dma_wait3A_245 = arith.constant 0 : i32
    %dma_wait3A_246 = arith.constant 0 : i32
    %dma_wait3A_247 = arith.constant 0 : i32
    %dma_wait3A_248 = tpu.memref_slice %arg10[%dma_wait3A_245, %dma_wait3A_246, %dma_wait3A_247] : memref<2x128x128xf32, #tpu.memory_space<vmem>> -> memref<1x128x128xf32, #tpu.memory_space<vmem>>
    %dma_wait3A_249 = tpu.memref_squeeze %dma_wait3A_248 : memref<1x128x128xf32, #tpu.memory_space<vmem>> -> memref<128x128xf32, #tpu.memory_space<vmem>>
    %dma_wait3A_250 = arith.constant 256 : i32
    %dma_wait3A_251 = tpu.memref_slice %arg8[%dma_wait3A_250] : memref<512xi32, #tpu.memory_space<vmem>> -> memref<128xi32, #tpu.memory_space<vmem>>
    %dma_wait3A_252 = arith.constant 0 : i32
    %dma_wait3A_253 = arith.constant 0 : i32
    %dma_wait3A_254 = tpu.memref_slice %arg3[%dma_wait3A_252, %dma_wait3A_253] : memref<100000x128xf32, #tpu.memory_space<hbm>> -> memref<100000x128xf32, #tpu.memory_space<hbm>>
    tpu.wait_indirect_dma semaphore(%arg13 : memref<!tpu.dma_semaphore, #tpu.memory_space<semaphore_mem>>) src(%dma_wait3A_254 : memref<100000x128xf32, #tpu.memory_space<hbm>>) dst(%dma_wait3A_249 : memref<128x128xf32, #tpu.memory_space<vmem>>)
    %dma_wait3A_255 = arith.constant 384 : i32
    %dma_wait3A_256 = tpu.memref_slice %arg7[%dma_wait3A_255] : memref<512xi32, #tpu.memory_space<vmem>> -> memref<128xi32, #tpu.memory_space<vmem>>
    %dma_wait3A_257 = tpu.memref_slice %arg4[%add3A_51] : memref<16384xi32, #tpu.memory_space<hbm>> -> memref<128xi32, #tpu.memory_space<hbm>>
    %dma_wait3A_258 = arith.constant 384 : i32
    %dma_wait3A_259 = tpu.memref_slice %arg7[%dma_wait3A_258] : memref<512xi32, #tpu.memory_space<vmem>> -> memref<128xi32, #tpu.memory_space<vmem>>
    %dma_wait3A_260 = tpu.memref_slice %arg4[%add3A_51] : memref<16384xi32, #tpu.memory_space<hbm>> -> memref<128xi32, #tpu.memory_space<hbm>>
    tpu.wait_dma2 semaphore(%arg15 : memref<!tpu.dma_semaphore, #tpu.memory_space<semaphore_mem>>) src(%dma_wait3A_260 : memref<128xi32, #tpu.memory_space<hbm>>) dst(%dma_wait3A_259 : memref<128xi32, #tpu.memory_space<vmem>>)
    %dma_wait3A_261 = arith.constant 384 : i32
    %dma_wait3A_262 = tpu.memref_slice %arg8[%dma_wait3A_261] : memref<512xi32, #tpu.memory_space<vmem>> -> memref<128xi32, #tpu.memory_space<vmem>>
    %dma_wait3A_263 = tpu.memref_slice %arg5[%add3A_59] : memref<16384xi32, #tpu.memory_space<hbm>> -> memref<128xi32, #tpu.memory_space<hbm>>
    %dma_wait3A_264 = arith.constant 384 : i32
    %dma_wait3A_265 = tpu.memref_slice %arg8[%dma_wait3A_264] : memref<512xi32, #tpu.memory_space<vmem>> -> memref<128xi32, #tpu.memory_space<vmem>>
    %dma_wait3A_266 = tpu.memref_slice %arg5[%add3A_59] : memref<16384xi32, #tpu.memory_space<hbm>> -> memref<128xi32, #tpu.memory_space<hbm>>
    tpu.wait_dma2 semaphore(%arg15 : memref<!tpu.dma_semaphore, #tpu.memory_space<semaphore_mem>>) src(%dma_wait3A_266 : memref<128xi32, #tpu.memory_space<hbm>>) dst(%dma_wait3A_265 : memref<128xi32, #tpu.memory_space<vmem>>)
    %dma_start3A_267 = arith.constant 1 : i32
    %dma_start3A_268 = arith.constant 0 : i32
    %dma_start3A_269 = arith.constant 0 : i32
    %dma_start3A_270 = tpu.memref_slice %arg9[%dma_start3A_267, %dma_start3A_268, %dma_start3A_269] : memref<2x128x128xf32, #tpu.memory_space<vmem>> -> memref<1x128x128xf32, #tpu.memory_space<vmem>>
    %dma_start3A_271 = tpu.memref_squeeze %dma_start3A_270 : memref<1x128x128xf32, #tpu.memory_space<vmem>> -> memref<128x128xf32, #tpu.memory_space<vmem>>
    %dma_start3A_272 = arith.constant 384 : i32
    %dma_start3A_273 = tpu.memref_slice %arg7[%dma_start3A_272] : memref<512xi32, #tpu.memory_space<vmem>> -> memref<128xi32, #tpu.memory_space<vmem>>
    %dma_start3A_274 = arith.constant 0 : i32
    %dma_start3A_275 = arith.constant 0 : i32
    %dma_start3A_276 = tpu.memref_slice %arg2[%dma_start3A_274, %dma_start3A_275] : memref<100000x128xf32, #tpu.memory_space<hbm>> -> memref<100000x128xf32, #tpu.memory_space<hbm>>
    tpu.enqueue_indirect_dma source(%dma_start3A_276 : memref<100000x128xf32, #tpu.memory_space<hbm>>) target(%dma_start3A_271 : memref<128x128xf32, #tpu.memory_space<vmem>>) offsets(%dma_start3A_273 : memref<128xi32, #tpu.memory_space<vmem>>) semaphore(%arg14 : memref<!tpu.dma_semaphore, #tpu.memory_space<semaphore_mem>>)
    %dma_start3A_277 = arith.constant 1 : i32
    %dma_start3A_278 = arith.constant 0 : i32
    %dma_start3A_279 = arith.constant 0 : i32
    %dma_start3A_280 = tpu.memref_slice %arg10[%dma_start3A_277, %dma_start3A_278, %dma_start3A_279] : memref<2x128x128xf32, #tpu.memory_space<vmem>> -> memref<1x128x128xf32, #tpu.memory_space<vmem>>
    %dma_start3A_281 = tpu.memref_squeeze %dma_start3A_280 : memref<1x128x128xf32, #tpu.memory_space<vmem>> -> memref<128x128xf32, #tpu.memory_space<vmem>>
    %dma_start3A_282 = arith.constant 384 : i32
    %dma_start3A_283 = tpu.memref_slice %arg8[%dma_start3A_282] : memref<512xi32, #tpu.memory_space<vmem>> -> memref<128xi32, #tpu.memory_space<vmem>>
    %dma_start3A_284 = arith.constant 0 : i32
    %dma_start3A_285 = arith.constant 0 : i32
    %dma_start3A_286 = tpu.memref_slice %arg3[%dma_start3A_284, %dma_start3A_285] : memref<100000x128xf32, #tpu.memory_space<hbm>> -> memref<100000x128xf32, #tpu.memory_space<hbm>>
    tpu.enqueue_indirect_dma source(%dma_start3A_286 : memref<100000x128xf32, #tpu.memory_space<hbm>>) target(%dma_start3A_281 : memref<128x128xf32, #tpu.memory_space<vmem>>) offsets(%dma_start3A_283 : memref<128xi32, #tpu.memory_space<vmem>>) semaphore(%arg14 : memref<!tpu.dma_semaphore, #tpu.memory_space<semaphore_mem>>)
    %parallel_loop3A_287 = arith.constant 0 : i32
    %parallel_loop3A_288 = arith.constant 128 : i32
    %parallel_loop3A_289 = arith.constant 1 : i32
    %parallel_loop3A_290 = arith.constant 0 : i32
    %parallel_loop3A_291 = arith.constant 0 : i32
    scf.for %parallel_loop3A_363 = %parallel_loop3A_287 to %parallel_loop3A_288 step %parallel_loop3A_289  : i32 {
      %parallel_loop3A_364 = arith.constant 0 : i32
      %parallel_loop3A_365 = arith.constant 0 : i32
      %parallel_loop3A_366 = tpu.memref_slice %arg9[%parallel_loop3A_290, %parallel_loop3A_364, %parallel_loop3A_365] : memref<2x128x128xf32, #tpu.memory_space<vmem>> -> memref<1x128x128xf32, #tpu.memory_space<vmem>>
      %parallel_loop3A_367 = tpu.memref_squeeze %parallel_loop3A_366 : memref<1x128x128xf32, #tpu.memory_space<vmem>> -> memref<128x128xf32, #tpu.memory_space<vmem>>
      %parallel_loop3A_368 = arith.index_cast %parallel_loop3A_363 : i32 to index
      %parallel_loop3A_369 = arith.constant 0 : index
      %parallel_loop3A_370 = tpu.vector_load %parallel_loop3A_367[%parallel_loop3A_368, %parallel_loop3A_369] {strides = array<i32>} : memref<128x128xf32, #tpu.memory_space<vmem>>, vector<16xf32>,
      %parallel_loop3A_371 = arith.constant 0 : i32
      %parallel_loop3A_372 = arith.constant 0 : i32
      %parallel_loop3A_373 = tpu.memref_slice %arg10[%parallel_loop3A_291, %parallel_loop3A_371, %parallel_loop3A_372] : memref<2x128x128xf32, #tpu.memory_space<vmem>> -> memref<1x128x128xf32, #tpu.memory_space<vmem>>
      %parallel_loop3A_374 = tpu.memref_squeeze %parallel_loop3A_373 : memref<1x128x128xf32, #tpu.memory_space<vmem>> -> memref<128x128xf32, #tpu.memory_space<vmem>>
      %parallel_loop3A_375 = arith.index_cast %parallel_loop3A_363 : i32 to index
      %parallel_loop3A_376 = arith.constant 0 : index
      %parallel_loop3A_377 = tpu.vector_load %parallel_loop3A_374[%parallel_loop3A_375, %parallel_loop3A_376] {strides = array<i32>} : memref<128x128xf32, #tpu.memory_space<vmem>>, vector<16xf32>,
      %parallel_loop3A_378 = arith.mulf %parallel_loop3A_370, %parallel_loop3A_377 : vector<16xf32>
      %parallel_loop3A_379 = arith.constant 0 : i32
      %parallel_loop3A_380 = arith.constant 0 : i32
      %parallel_loop3A_381 = tpu.memref_slice %arg9[%parallel_loop3A_290, %parallel_loop3A_379, %parallel_loop3A_380] : memref<2x128x128xf32, #tpu.memory_space<vmem>> -> memref<1x128x128xf32, #tpu.memory_space<vmem>>
      %parallel_loop3A_382 = tpu.memref_squeeze %parallel_loop3A_381 : memref<1x128x128xf32, #tpu.memory_space<vmem>> -> memref<128x128xf32, #tpu.memory_space<vmem>>
      %parallel_loop3A_383 = arith.index_cast %parallel_loop3A_363 : i32 to index
      %parallel_loop3A_384 = arith.constant 16 : index
      %parallel_loop3A_385 = tpu.vector_load %parallel_loop3A_382[%parallel_loop3A_383, %parallel_loop3A_384] {strides = array<i32>} : memref<128x128xf32, #tpu.memory_space<vmem>>, vector<16xf32>,
      %parallel_loop3A_386 = arith.constant 0 : i32
      %parallel_loop3A_387 = arith.constant 0 : i32
      %parallel_loop3A_388 = tpu.memref_slice %arg10[%parallel_loop3A_291, %parallel_loop3A_386, %parallel_loop3A_387] : memref<2x128x128xf32, #tpu.memory_space<vmem>> -> memref<1x128x128xf32, #tpu.memory_space<vmem>>
      %parallel_loop3A_389 = tpu.memref_squeeze %parallel_loop3A_388 : memref<1x128x128xf32, #tpu.memory_space<vmem>> -> memref<128x128xf32, #tpu.memory_space<vmem>>
      %parallel_loop3A_390 = arith.index_cast %parallel_loop3A_363 : i32 to index
      %parallel_loop3A_391 = arith.constant 16 : index
      %parallel_loop3A_392 = tpu.vector_load %parallel_loop3A_389[%parallel_loop3A_390, %parallel_loop3A_391] {strides = array<i32>} : memref<128x128xf32, #tpu.memory_space<vmem>>, vector<16xf32>,
      %parallel_loop3A_393 = arith.mulf %parallel_loop3A_385, %parallel_loop3A_392 : vector<16xf32>
      %parallel_loop3A_394 = arith.constant 0 : i32
      %parallel_loop3A_395 = arith.constant 0 : i32
      %parallel_loop3A_396 = tpu.memref_slice %arg9[%parallel_loop3A_290, %parallel_loop3A_394, %parallel_loop3A_395] : memref<2x128x128xf32, #tpu.memory_space<vmem>> -> memref<1x128x128xf32, #tpu.memory_space<vmem>>
      %parallel_loop3A_397 = tpu.memref_squeeze %parallel_loop3A_396 : memref<1x128x128xf32, #tpu.memory_space<vmem>> -> memref<128x128xf32, #tpu.memory_space<vmem>>
      %parallel_loop3A_398 = arith.index_cast %parallel_loop3A_363 : i32 to index
      %parallel_loop3A_399 = arith.constant 32 : index
      %parallel_loop3A_400 = tpu.vector_load %parallel_loop3A_397[%parallel_loop3A_398, %parallel_loop3A_399] {strides = array<i32>} : memref<128x128xf32, #tpu.memory_space<vmem>>, vector<16xf32>,
      %parallel_loop3A_401 = arith.constant 0 : i32
      %parallel_loop3A_402 = arith.constant 0 : i32
      %parallel_loop3A_403 = tpu.memref_slice %arg10[%parallel_loop3A_291, %parallel_loop3A_401, %parallel_loop3A_402] : memref<2x128x128xf32, #tpu.memory_space<vmem>> -> memref<1x128x128xf32, #tpu.memory_space<vmem>>
      %parallel_loop3A_404 = tpu.memref_squeeze %parallel_loop3A_403 : memref<1x128x128xf32, #tpu.memory_space<vmem>> -> memref<128x128xf32, #tpu.memory_space<vmem>>
      %parallel_loop3A_405 = arith.index_cast %parallel_loop3A_363 : i32 to index
      %parallel_loop3A_406 = arith.constant 32 : index
      %parallel_loop3A_407 = tpu.vector_load %parallel_loop3A_404[%parallel_loop3A_405, %parallel_loop3A_406] {strides = array<i32>} : memref<128x128xf32, #tpu.memory_space<vmem>>, vector<16xf32>,
      %parallel_loop3A_408 = arith.mulf %parallel_loop3A_400, %parallel_loop3A_407 : vector<16xf32>
      %parallel_loop3A_409 = arith.constant 0 : i32
      %parallel_loop3A_410 = arith.constant 0 : i32
      %parallel_loop3A_411 = tpu.memref_slice %arg9[%parallel_loop3A_290, %parallel_loop3A_409, %parallel_loop3A_410] : memref<2x128x128xf32, #tpu.memory_space<vmem>> -> memref<1x128x128xf32, #tpu.memory_space<vmem>>
      %parallel_loop3A_412 = tpu.memref_squeeze %parallel_loop3A_411 : memref<1x128x128xf32, #tpu.memory_space<vmem>> -> memref<128x128xf32, #tpu.memory_space<vmem>>
      %parallel_loop3A_413 = arith.index_cast %parallel_loop3A_363 : i32 to index
      %parallel_loop3A_414 = arith.constant 48 : index
      %parallel_loop3A_415 = tpu.vector_load %parallel_loop3A_412[%parallel_loop3A_413, %parallel_loop3A_414] {strides = array<i32>} : memref<128x128xf32, #tpu.memory_space<vmem>>, vector<16xf32>,
      %parallel_loop3A_416 = arith.constant 0 : i32
      %parallel_loop3A_417 = arith.constant 0 : i32
      %parallel_loop3A_418 = tpu.memref_slice %arg10[%parallel_loop3A_291, %parallel_loop3A_416, %parallel_loop3A_417] : memref<2x128x128xf32, #tpu.memory_space<vmem>> -> memref<1x128x128xf32, #tpu.memory_space<vmem>>
      %parallel_loop3A_419 = tpu.memref_squeeze %parallel_loop3A_418 : memref<1x128x128xf32, #tpu.memory_space<vmem>> -> memref<128x128xf32, #tpu.memory_space<vmem>>
      %parallel_loop3A_420 = arith.index_cast %parallel_loop3A_363 : i32 to index
      %parallel_loop3A_421 = arith.constant 48 : index
      %parallel_loop3A_422 = tpu.vector_load %parallel_loop3A_419[%parallel_loop3A_420, %parallel_loop3A_421] {strides = array<i32>} : memref<128x128xf32, #tpu.memory_space<vmem>>, vector<16xf32>,
      %parallel_loop3A_423 = arith.mulf %parallel_loop3A_415, %parallel_loop3A_422 : vector<16xf32>
      %parallel_loop3A_424 = arith.constant 0 : i32
      %parallel_loop3A_425 = arith.constant 0 : i32
      %parallel_loop3A_426 = tpu.memref_slice %arg9[%parallel_loop3A_290, %parallel_loop3A_424, %parallel_loop3A_425] : memref<2x128x128xf32, #tpu.memory_space<vmem>> -> memref<1x128x128xf32, #tpu.memory_space<vmem>>
      %parallel_loop3A_427 = tpu.memref_squeeze %parallel_loop3A_426 : memref<1x128x128xf32, #tpu.memory_space<vmem>> -> memref<128x128xf32, #tpu.memory_space<vmem>>
      %parallel_loop3A_428 = arith.index_cast %parallel_loop3A_363 : i32 to index
      %parallel_loop3A_429 = arith.constant 64 : index
      %parallel_loop3A_430 = tpu.vector_load %parallel_loop3A_427[%parallel_loop3A_428, %parallel_loop3A_429] {strides = array<i32>} : memref<128x128xf32, #tpu.memory_space<vmem>>, vector<16xf32>,
      %parallel_loop3A_431 = arith.constant 0 : i32
      %parallel_loop3A_432 = arith.constant 0 : i32
      %parallel_loop3A_433 = tpu.memref_slice %arg10[%parallel_loop3A_291, %parallel_loop3A_431, %parallel_loop3A_432] : memref<2x128x128xf32, #tpu.memory_space<vmem>> -> memref<1x128x128xf32, #tpu.memory_space<vmem>>
      %parallel_loop3A_434 = tpu.memref_squeeze %parallel_loop3A_433 : memref<1x128x128xf32, #tpu.memory_space<vmem>> -> memref<128x128xf32, #tpu.memory_space<vmem>>
      %parallel_loop3A_435 = arith.index_cast %parallel_loop3A_363 : i32 to index
      %parallel_loop3A_436 = arith.constant 64 : index
      %parallel_loop3A_437 = tpu.vector_load %parallel_loop3A_434[%parallel_loop3A_435, %parallel_loop3A_436] {strides = array<i32>} : memref<128x128xf32, #tpu.memory_space<vmem>>, vector<16xf32>,
      %parallel_loop3A_438 = arith.mulf %parallel_loop3A_430, %parallel_loop3A_437 : vector<16xf32>
      %parallel_loop3A_439 = arith.constant 0 : i32
      %parallel_loop3A_440 = arith.constant 0 : i32
      %parallel_loop3A_441 = tpu.memref_slice %arg9[%parallel_loop3A_290, %parallel_loop3A_439, %parallel_loop3A_440] : memref<2x128x128xf32, #tpu.memory_space<vmem>> -> memref<1x128x128xf32, #tpu.memory_space<vmem>>
      %parallel_loop3A_442 = tpu.memref_squeeze %parallel_loop3A_441 : memref<1x128x128xf32, #tpu.memory_space<vmem>> -> memref<128x128xf32, #tpu.memory_space<vmem>>
      %parallel_loop3A_443 = arith.index_cast %parallel_loop3A_363 : i32 to index
      %parallel_loop3A_444 = arith.constant 80 : index
      %parallel_loop3A_445 = tpu.vector_load %parallel_loop3A_442[%parallel_loop3A_443, %parallel_loop3A_444] {strides = array<i32>} : memref<128x128xf32, #tpu.memory_space<vmem>>, vector<16xf32>,
      %parallel_loop3A_446 = arith.constant 0 : i32
      %parallel_loop3A_447 = arith.constant 0 : i32
      %parallel_loop3A_448 = tpu.memref_slice %arg10[%parallel_loop3A_291, %parallel_loop3A_446, %parallel_loop3A_447] : memref<2x128x128xf32, #tpu.memory_space<vmem>> -> memref<1x128x128xf32, #tpu.memory_space<vmem>>
      %parallel_loop3A_449 = tpu.memref_squeeze %parallel_loop3A_448 : memref<1x128x128xf32, #tpu.memory_space<vmem>> -> memref<128x128xf32, #tpu.memory_space<vmem>>
      %parallel_loop3A_450 = arith.index_cast %parallel_loop3A_363 : i32 to index
      %parallel_loop3A_451 = arith.constant 80 : index
      %parallel_loop3A_452 = tpu.vector_load %parallel_loop3A_449[%parallel_loop3A_450, %parallel_loop3A_451] {strides = array<i32>} : memref<128x128xf32, #tpu.memory_space<vmem>>, vector<16xf32>,
      %parallel_loop3A_453 = arith.mulf %parallel_loop3A_445, %parallel_loop3A_452 : vector<16xf32>
      %parallel_loop3A_454 = arith.constant 0 : i32
      %parallel_loop3A_455 = arith.constant 0 : i32
      %parallel_loop3A_456 = tpu.memref_slice %arg9[%parallel_loop3A_290, %parallel_loop3A_454, %parallel_loop3A_455] : memref<2x128x128xf32, #tpu.memory_space<vmem>> -> memref<1x128x128xf32, #tpu.memory_space<vmem>>
      %parallel_loop3A_457 = tpu.memref_squeeze %parallel_loop3A_456 : memref<1x128x128xf32, #tpu.memory_space<vmem>> -> memref<128x128xf32, #tpu.memory_space<vmem>>
      %parallel_loop3A_458 = arith.index_cast %parallel_loop3A_363 : i32 to index
      %parallel_loop3A_459 = arith.constant 96 : index
      %parallel_loop3A_460 = tpu.vector_load %parallel_loop3A_457[%parallel_loop3A_458, %parallel_loop3A_459] {strides = array<i32>} : memref<128x128xf32, #tpu.memory_space<vmem>>, vector<16xf32>,
      %parallel_loop3A_461 = arith.constant 0 : i32
      %parallel_loop3A_462 = arith.constant 0 : i32
      %parallel_loop3A_463 = tpu.memref_slice %arg10[%parallel_loop3A_291, %parallel_loop3A_461, %parallel_loop3A_462] : memref<2x128x128xf32, #tpu.memory_space<vmem>> -> memref<1x128x128xf32, #tpu.memory_space<vmem>>
      %parallel_loop3A_464 = tpu.memref_squeeze %parallel_loop3A_463 : memref<1x128x128xf32, #tpu.memory_space<vmem>> -> memref<128x128xf32, #tpu.memory_space<vmem>>
      %parallel_loop3A_465 = arith.index_cast %parallel_loop3A_363 : i32 to index
      %parallel_loop3A_466 = arith.constant 96 : index
      %parallel_loop3A_467 = tpu.vector_load %parallel_loop3A_464[%parallel_loop3A_465, %parallel_loop3A_466] {strides = array<i32>} : memref<128x128xf32, #tpu.memory_space<vmem>>, vector<16xf32>,
      %parallel_loop3A_468 = arith.mulf %parallel_loop3A_460, %parallel_loop3A_467 : vector<16xf32>
      %parallel_loop3A_469 = arith.constant 0 : i32
      %parallel_loop3A_470 = arith.constant 0 : i32
      %parallel_loop3A_471 = tpu.memref_slice %arg9[%parallel_loop3A_290, %parallel_loop3A_469, %parallel_loop3A_470] : memref<2x128x128xf32, #tpu.memory_space<vmem>> -> memref<1x128x128xf32, #tpu.memory_space<vmem>>
      %parallel_loop3A_472 = tpu.memref_squeeze %parallel_loop3A_471 : memref<1x128x128xf32, #tpu.memory_space<vmem>> -> memref<128x128xf32, #tpu.memory_space<vmem>>
      %parallel_loop3A_473 = arith.index_cast %parallel_loop3A_363 : i32 to index
      %parallel_loop3A_474 = arith.constant 112 : index
      %parallel_loop3A_475 = tpu.vector_load %parallel_loop3A_472[%parallel_loop3A_473, %parallel_loop3A_474] {strides = array<i32>} : memref<128x128xf32, #tpu.memory_space<vmem>>, vector<16xf32>,
      %parallel_loop3A_476 = arith.constant 0 : i32
      %parallel_loop3A_477 = arith.constant 0 : i32
      %parallel_loop3A_478 = tpu.memref_slice %arg10[%parallel_loop3A_291, %parallel_loop3A_476, %parallel_loop3A_477] : memref<2x128x128xf32, #tpu.memory_space<vmem>> -> memref<1x128x128xf32, #tpu.memory_space<vmem>>
      %parallel_loop3A_479 = tpu.memref_squeeze %parallel_loop3A_478 : memref<1x128x128xf32, #tpu.memory_space<vmem>> -> memref<128x128xf32, #tpu.memory_space<vmem>>
      %parallel_loop3A_480 = arith.index_cast %parallel_loop3A_363 : i32 to index
      %parallel_loop3A_481 = arith.constant 112 : index
      %parallel_loop3A_482 = tpu.vector_load %parallel_loop3A_479[%parallel_loop3A_480, %parallel_loop3A_481] {strides = array<i32>} : memref<128x128xf32, #tpu.memory_space<vmem>>, vector<16xf32>,
      %parallel_loop3A_483 = arith.mulf %parallel_loop3A_475, %parallel_loop3A_482 : vector<16xf32>
      %parallel_loop3A_484 = arith.addf %parallel_loop3A_378, %parallel_loop3A_393 : vector<16xf32>
      %parallel_loop3A_485 = arith.addf %parallel_loop3A_408, %parallel_loop3A_423 : vector<16xf32>
      %parallel_loop3A_486 = arith.addf %parallel_loop3A_438, %parallel_loop3A_453 : vector<16xf32>
      %parallel_loop3A_487 = arith.addf %parallel_loop3A_468, %parallel_loop3A_483 : vector<16xf32>
      %parallel_loop3A_488 = arith.addf %parallel_loop3A_484, %parallel_loop3A_485 : vector<16xf32>
      %parallel_loop3A_489 = arith.addf %parallel_loop3A_486, %parallel_loop3A_487 : vector<16xf32>
      %parallel_loop3A_490 = arith.addf %parallel_loop3A_488, %parallel_loop3A_489 : vector<16xf32>
      %parallel_loop3A_491 = arith.constant 15 : i32
      %parallel_loop3A_492 = arith.andi %parallel_loop3A_363, %parallel_loop3A_491 : i32
      %parallel_loop3A_493 = vector.broadcast %parallel_loop3A_492 : i32 to vector<16xi32>
      %parallel_loop3A_494 = arith.addi %mul3A_68, %parallel_loop3A_493 : vector<16xi32>
      %parallel_loop3A_495 = arith.constant 4 : i32
      %parallel_loop3A_496 = arith.shrsi %parallel_loop3A_363, %parallel_loop3A_495 : i32
      %parallel_loop3A_497 = arith.constant 272 : i32
      %parallel_loop3A_498 = arith.muli %parallel_loop3A_496, %parallel_loop3A_497 : i32
      %parallel_loop3A_499 = vector.broadcast %parallel_loop3A_498 : i32 to vector<16xi32>
      %parallel_loop3A_500 = arith.addi %parallel_loop3A_494, %parallel_loop3A_499 : vector<16xi32>
      tpu.vector_store_idx %arg12[%parallel_loop3A_500], %parallel_loop3A_490 : memref<2176xf32, #tpu.memory_space<vmem>>[vector<16xi32>], vector<16xf32>,
    } {sc.loop_unroll_factor = 1 : i64, sc.parallel_access}
    %parallel_loop3A_292 = arith.constant 0 : i32
    %parallel_loop3A_293 = arith.constant 8 : i32
    %parallel_loop3A_294 = arith.constant 1 : i32
    scf.for %parallel_loop3A_363 = %parallel_loop3A_292 to %parallel_loop3A_293 step %parallel_loop3A_294  : i32 {
      %parallel_loop3A_364 = arith.constant 272 : i32
      %parallel_loop3A_365 = arith.muli %parallel_loop3A_363, %parallel_loop3A_364 : i32
      %parallel_loop3A_366 = arith.constant 0 : i32
      %parallel_loop3A_367 = arith.addi %parallel_loop3A_365, %parallel_loop3A_366 : i32
      %parallel_loop3A_368 = arith.index_cast %parallel_loop3A_367 : i32 to index
      %parallel_loop3A_369 = tpu.vector_load %arg12[%parallel_loop3A_368] {strides = array<i32>} : memref<2176xf32, #tpu.memory_space<vmem>>, vector<16xf32>,
      %parallel_loop3A_370 = arith.constant 272 : i32
      %parallel_loop3A_371 = arith.muli %parallel_loop3A_363, %parallel_loop3A_370 : i32
      %parallel_loop3A_372 = arith.constant 17 : i32
      %parallel_loop3A_373 = arith.addi %parallel_loop3A_371, %parallel_loop3A_372 : i32
      %parallel_loop3A_374 = arith.index_cast %parallel_loop3A_373 : i32 to index
      %parallel_loop3A_375 = tpu.vector_load %arg12[%parallel_loop3A_374] {strides = array<i32>} : memref<2176xf32, #tpu.memory_space<vmem>>, vector<16xf32>,
      %parallel_loop3A_376 = arith.constant 272 : i32
      %parallel_loop3A_377 = arith.muli %parallel_loop3A_363, %parallel_loop3A_376 : i32
      %parallel_loop3A_378 = arith.constant 34 : i32
      %parallel_loop3A_379 = arith.addi %parallel_loop3A_377, %parallel_loop3A_378 : i32
      %parallel_loop3A_380 = arith.index_cast %parallel_loop3A_379 : i32 to index
      %parallel_loop3A_381 = tpu.vector_load %arg12[%parallel_loop3A_380] {strides = array<i32>} : memref<2176xf32, #tpu.memory_space<vmem>>, vector<16xf32>,
      %parallel_loop3A_382 = arith.constant 272 : i32
      %parallel_loop3A_383 = arith.muli %parallel_loop3A_363, %parallel_loop3A_382 : i32
      %parallel_loop3A_384 = arith.constant 51 : i32
      %parallel_loop3A_385 = arith.addi %parallel_loop3A_383, %parallel_loop3A_384 : i32
      %parallel_loop3A_386 = arith.index_cast %parallel_loop3A_385 : i32 to index
      %parallel_loop3A_387 = tpu.vector_load %arg12[%parallel_loop3A_386] {strides = array<i32>} : memref<2176xf32, #tpu.memory_space<vmem>>, vector<16xf32>,
      %parallel_loop3A_388 = arith.constant 272 : i32
      %parallel_loop3A_389 = arith.muli %parallel_loop3A_363, %parallel_loop3A_388 : i32
      %parallel_loop3A_390 = arith.constant 68 : i32
      %parallel_loop3A_391 = arith.addi %parallel_loop3A_389, %parallel_loop3A_390 : i32
      %parallel_loop3A_392 = arith.index_cast %parallel_loop3A_391 : i32 to index
      %parallel_loop3A_393 = tpu.vector_load %arg12[%parallel_loop3A_392] {strides = array<i32>} : memref<2176xf32, #tpu.memory_space<vmem>>, vector<16xf32>,
      %parallel_loop3A_394 = arith.constant 272 : i32
      %parallel_loop3A_395 = arith.muli %parallel_loop3A_363, %parallel_loop3A_394 : i32
      %parallel_loop3A_396 = arith.constant 85 : i32
      %parallel_loop3A_397 = arith.addi %parallel_loop3A_395, %parallel_loop3A_396 : i32
      %parallel_loop3A_398 = arith.index_cast %parallel_loop3A_397 : i32 to index
      %parallel_loop3A_399 = tpu.vector_load %arg12[%parallel_loop3A_398] {strides = array<i32>} : memref<2176xf32, #tpu.memory_space<vmem>>, vector<16xf32>,
      %parallel_loop3A_400 = arith.constant 272 : i32
      %parallel_loop3A_401 = arith.muli %parallel_loop3A_363, %parallel_loop3A_400 : i32
      %parallel_loop3A_402 = arith.constant 102 : i32
      %parallel_loop3A_403 = arith.addi %parallel_loop3A_401, %parallel_loop3A_402 : i32
      %parallel_loop3A_404 = arith.index_cast %parallel_loop3A_403 : i32 to index
      %parallel_loop3A_405 = tpu.vector_load %arg12[%parallel_loop3A_404] {strides = array<i32>} : memref<2176xf32, #tpu.memory_space<vmem>>, vector<16xf32>,
      %parallel_loop3A_406 = arith.constant 272 : i32
      %parallel_loop3A_407 = arith.muli %parallel_loop3A_363, %parallel_loop3A_406 : i32
      %parallel_loop3A_408 = arith.constant 119 : i32
      %parallel_loop3A_409 = arith.addi %parallel_loop3A_407, %parallel_loop3A_408 : i32
      %parallel_loop3A_410 = arith.index_cast %parallel_loop3A_409 : i32 to index
      %parallel_loop3A_411 = tpu.vector_load %arg12[%parallel_loop3A_410] {strides = array<i32>} : memref<2176xf32, #tpu.memory_space<vmem>>, vector<16xf32>,
      %parallel_loop3A_412 = arith.constant 272 : i32
      %parallel_loop3A_413 = arith.muli %parallel_loop3A_363, %parallel_loop3A_412 : i32
      %parallel_loop3A_414 = arith.constant 136 : i32
      %parallel_loop3A_415 = arith.addi %parallel_loop3A_413, %parallel_loop3A_414 : i32
      %parallel_loop3A_416 = arith.index_cast %parallel_loop3A_415 : i32 to index
      %parallel_loop3A_417 = tpu.vector_load %arg12[%parallel_loop3A_416] {strides = array<i32>} : memref<2176xf32, #tpu.memory_space<vmem>>, vector<16xf32>,
      %parallel_loop3A_418 = arith.constant 272 : i32
      %parallel_loop3A_419 = arith.muli %parallel_loop3A_363, %parallel_loop3A_418 : i32
      %parallel_loop3A_420 = arith.constant 153 : i32
      %parallel_loop3A_421 = arith.addi %parallel_loop3A_419, %parallel_loop3A_420 : i32
      %parallel_loop3A_422 = arith.index_cast %parallel_loop3A_421 : i32 to index
      %parallel_loop3A_423 = tpu.vector_load %arg12[%parallel_loop3A_422] {strides = array<i32>} : memref<2176xf32, #tpu.memory_space<vmem>>, vector<16xf32>,
      %parallel_loop3A_424 = arith.constant 272 : i32
      %parallel_loop3A_425 = arith.muli %parallel_loop3A_363, %parallel_loop3A_424 : i32
      %parallel_loop3A_426 = arith.constant 170 : i32
      %parallel_loop3A_427 = arith.addi %parallel_loop3A_425, %parallel_loop3A_426 : i32
      %parallel_loop3A_428 = arith.index_cast %parallel_loop3A_427 : i32 to index
      %parallel_loop3A_429 = tpu.vector_load %arg12[%parallel_loop3A_428] {strides = array<i32>} : memref<2176xf32, #tpu.memory_space<vmem>>, vector<16xf32>,
      %parallel_loop3A_430 = arith.constant 272 : i32
      %parallel_loop3A_431 = arith.muli %parallel_loop3A_363, %parallel_loop3A_430 : i32
      %parallel_loop3A_432 = arith.constant 187 : i32
      %parallel_loop3A_433 = arith.addi %parallel_loop3A_431, %parallel_loop3A_432 : i32
      %parallel_loop3A_434 = arith.index_cast %parallel_loop3A_433 : i32 to index
      %parallel_loop3A_435 = tpu.vector_load %arg12[%parallel_loop3A_434] {strides = array<i32>} : memref<2176xf32, #tpu.memory_space<vmem>>, vector<16xf32>,
      %parallel_loop3A_436 = arith.constant 272 : i32
      %parallel_loop3A_437 = arith.muli %parallel_loop3A_363, %parallel_loop3A_436 : i32
      %parallel_loop3A_438 = arith.constant 204 : i32
      %parallel_loop3A_439 = arith.addi %parallel_loop3A_437, %parallel_loop3A_438 : i32
      %parallel_loop3A_440 = arith.index_cast %parallel_loop3A_439 : i32 to index
      %parallel_loop3A_441 = tpu.vector_load %arg12[%parallel_loop3A_440] {strides = array<i32>} : memref<2176xf32, #tpu.memory_space<vmem>>, vector<16xf32>,
      %parallel_loop3A_442 = arith.constant 272 : i32
      %parallel_loop3A_443 = arith.muli %parallel_loop3A_363, %parallel_loop3A_442 : i32
      %parallel_loop3A_444 = arith.constant 221 : i32
      %parallel_loop3A_445 = arith.addi %parallel_loop3A_443, %parallel_loop3A_444 : i32
      %parallel_loop3A_446 = arith.index_cast %parallel_loop3A_445 : i32 to index
      %parallel_loop3A_447 = tpu.vector_load %arg12[%parallel_loop3A_446] {strides = array<i32>} : memref<2176xf32, #tpu.memory_space<vmem>>, vector<16xf32>,
      %parallel_loop3A_448 = arith.constant 272 : i32
      %parallel_loop3A_449 = arith.muli %parallel_loop3A_363, %parallel_loop3A_448 : i32
      %parallel_loop3A_450 = arith.constant 238 : i32
      %parallel_loop3A_451 = arith.addi %parallel_loop3A_449, %parallel_loop3A_450 : i32
      %parallel_loop3A_452 = arith.index_cast %parallel_loop3A_451 : i32 to index
      %parallel_loop3A_453 = tpu.vector_load %arg12[%parallel_loop3A_452] {strides = array<i32>} : memref<2176xf32, #tpu.memory_space<vmem>>, vector<16xf32>,
      %parallel_loop3A_454 = arith.constant 272 : i32
      %parallel_loop3A_455 = arith.muli %parallel_loop3A_363, %parallel_loop3A_454 : i32
      %parallel_loop3A_456 = arith.constant 255 : i32
      %parallel_loop3A_457 = arith.addi %parallel_loop3A_455, %parallel_loop3A_456 : i32
      %parallel_loop3A_458 = arith.index_cast %parallel_loop3A_457 : i32 to index
      %parallel_loop3A_459 = tpu.vector_load %arg12[%parallel_loop3A_458] {strides = array<i32>} : memref<2176xf32, #tpu.memory_space<vmem>>, vector<16xf32>,
      %parallel_loop3A_460 = arith.addf %parallel_loop3A_369, %parallel_loop3A_375 : vector<16xf32>
      %parallel_loop3A_461 = arith.addf %parallel_loop3A_381, %parallel_loop3A_387 : vector<16xf32>
      %parallel_loop3A_462 = arith.addf %parallel_loop3A_393, %parallel_loop3A_399 : vector<16xf32>
      %parallel_loop3A_463 = arith.addf %parallel_loop3A_405, %parallel_loop3A_411 : vector<16xf32>
      %parallel_loop3A_464 = arith.addf %parallel_loop3A_417, %parallel_loop3A_423 : vector<16xf32>
      %parallel_loop3A_465 = arith.addf %parallel_loop3A_429, %parallel_loop3A_435 : vector<16xf32>
      %parallel_loop3A_466 = arith.addf %parallel_loop3A_441, %parallel_loop3A_447 : vector<16xf32>
      %parallel_loop3A_467 = arith.addf %parallel_loop3A_453, %parallel_loop3A_459 : vector<16xf32>
      %parallel_loop3A_468 = arith.addf %parallel_loop3A_460, %parallel_loop3A_461 : vector<16xf32>
      %parallel_loop3A_469 = arith.addf %parallel_loop3A_462, %parallel_loop3A_463 : vector<16xf32>
      %parallel_loop3A_470 = arith.addf %parallel_loop3A_464, %parallel_loop3A_465 : vector<16xf32>
      %parallel_loop3A_471 = arith.addf %parallel_loop3A_466, %parallel_loop3A_467 : vector<16xf32>
      %parallel_loop3A_472 = arith.addf %parallel_loop3A_468, %parallel_loop3A_469 : vector<16xf32>
      %parallel_loop3A_473 = arith.addf %parallel_loop3A_470, %parallel_loop3A_471 : vector<16xf32>
      %parallel_loop3A_474 = arith.addf %parallel_loop3A_472, %parallel_loop3A_473 : vector<16xf32>
      %parallel_loop3A_475 = arith.constant 0.000000e+00 : f32
      %parallel_loop3A_476 = vector.broadcast %parallel_loop3A_475 : f32 to vector<16xf32>
      %parallel_loop3A_477 = arith.subf %parallel_loop3A_476, %parallel_loop3A_474 : vector<16xf32>
      %parallel_loop3A_478 = math.exp %parallel_loop3A_477 : vector<16xf32>
      %parallel_loop3A_479 = arith.constant 1.000000e+00 : f32
      %parallel_loop3A_480 = vector.broadcast %parallel_loop3A_479 : f32 to vector<16xf32>
      %parallel_loop3A_481 = arith.addf %parallel_loop3A_480, %parallel_loop3A_478 : vector<16xf32>
      %parallel_loop3A_482 = arith.constant 1.000000e+00 : f32
      %parallel_loop3A_483 = vector.broadcast %parallel_loop3A_482 : f32 to vector<16xf32>
      %parallel_loop3A_484 = arith.divf %parallel_loop3A_483, %parallel_loop3A_481 : vector<16xf32>
      %parallel_loop3A_485 = arith.constant 16 : i32
      %parallel_loop3A_486 = arith.muli %parallel_loop3A_363, %parallel_loop3A_485 : i32
      %parallel_loop3A_487 = arith.constant 256 : i32
      %parallel_loop3A_488 = arith.addi %parallel_loop3A_487, %parallel_loop3A_486 : i32
      %parallel_loop3A_489 = arith.index_cast %parallel_loop3A_488 : i32 to index
      %parallel_loop3A_490 = tpu.vector_load %arg11[%parallel_loop3A_489] {strides = array<i32>} : memref<512xf32, #tpu.memory_space<vmem>>, vector<16xf32>,
      tpu.vector_store %arg11[%parallel_loop3A_489], %parallel_loop3A_484 {strides = array<i32>} : memref<512xf32, #tpu.memory_space<vmem>>, vector<16xf32>,
    } {sc.loop_unroll_factor = 1 : i64, sc.parallel_access}
    %add3A_295 = arith.constant 256 : i32
    %add3A_296 = arith.addi %mul3A_2, %add3A_295 : i32
    %dma_start3A_297 = arith.constant 256 : i32
    %dma_start3A_298 = tpu.memref_slice %arg11[%dma_start3A_297] : memref<512xf32, #tpu.memory_space<vmem>> -> memref<128xf32, #tpu.memory_space<vmem>>
    %dma_start3A_299 = tpu.memref_slice %arg6[%add3A_296] : memref<16384xf32, #tpu.memory_space<hbm>> -> memref<128xf32, #tpu.memory_space<hbm>>
    %dma_start3A_300 = tpu.memref_slice %arg6[%add3A_296] : memref<16384xf32, #tpu.memory_space<hbm>> -> memref<128xf32, #tpu.memory_space<hbm>>
    %dma_start3A_301 = arith.constant 256 : i32
    %dma_start3A_302 = tpu.memref_slice %arg11[%dma_start3A_301] : memref<512xf32, #tpu.memory_space<vmem>> -> memref<128xf32, #tpu.memory_space<vmem>>
    tpu.enqueue_dma source(%dma_start3A_302 : memref<128xf32, #tpu.memory_space<vmem>>) target(%dma_start3A_300 : memref<128xf32, #tpu.memory_space<hbm>>) target_semaphore(%arg16 : memref<!tpu.dma_semaphore, #tpu.memory_space<semaphore_mem>>)
    %dma_wait3A_303 = arith.constant 1 : i32
    %dma_wait3A_304 = arith.constant 0 : i32
    %dma_wait3A_305 = arith.constant 0 : i32
    %dma_wait3A_306 = tpu.memref_slice %arg9[%dma_wait3A_303, %dma_wait3A_304, %dma_wait3A_305] : memref<2x128x128xf32, #tpu.memory_space<vmem>> -> memref<1x128x128xf32, #tpu.memory_space<vmem>>
    %dma_wait3A_307 = tpu.memref_squeeze %dma_wait3A_306 : memref<1x128x128xf32, #tpu.memory_space<vmem>> -> memref<128x128xf32, #tpu.memory_space<vmem>>
    %dma_wait3A_308 = arith.constant 384 : i32
    %dma_wait3A_309 = tpu.memref_slice %arg7[%dma_wait3A_308] : memref<512xi32, #tpu.memory_space<vmem>> -> memref<128xi32, #tpu.memory_space<vmem>>
    %dma_wait3A_310 = arith.constant 0 : i32
    %dma_wait3A_311 = arith.constant 0 : i32
    %dma_wait3A_312 = tpu.memref_slice %arg2[%dma_wait3A_310, %dma_wait3A_311] : memref<100000x128xf32, #tpu.memory_space<hbm>> -> memref<100000x128xf32, #tpu.memory_space<hbm>>
    tpu.wait_indirect_dma semaphore(%arg14 : memref<!tpu.dma_semaphore, #tpu.memory_space<semaphore_mem>>) src(%dma_wait3A_312 : memref<100000x128xf32, #tpu.memory_space<hbm>>) dst(%dma_wait3A_307 : memref<128x128xf32, #tpu.memory_space<vmem>>)
    %dma_wait3A_313 = arith.constant 1 : i32
    %dma_wait3A_314 = arith.constant 0 : i32
    %dma_wait3A_315 = arith.constant 0 : i32
    %dma_wait3A_316 = tpu.memref_slice %arg10[%dma_wait3A_313, %dma_wait3A_314, %dma_wait3A_315] : memref<2x128x128xf32, #tpu.memory_space<vmem>> -> memref<1x128x128xf32, #tpu.memory_space<vmem>>
    %dma_wait3A_317 = tpu.memref_squeeze %dma_wait3A_316 : memref<1x128x128xf32, #tpu.memory_space<vmem>> -> memref<128x128xf32, #tpu.memory_space<vmem>>
    %dma_wait3A_318 = arith.constant 384 : i32
    %dma_wait3A_319 = tpu.memref_slice %arg8[%dma_wait3A_318] : memref<512xi32, #tpu.memory_space<vmem>> -> memref<128xi32, #tpu.memory_space<vmem>>
    %dma_wait3A_320 = arith.constant 0 : i32
    %dma_wait3A_321 = arith.constant 0 : i32
    %dma_wait3A_322 = tpu.memref_slice %arg3[%dma_wait3A_320, %dma_wait3A_321] : memref<100000x128xf32, #tpu.memory_space<hbm>> -> memref<100000x128xf32, #tpu.memory_space<hbm>>
    tpu.wait_indirect_dma semaphore(%arg14 : memref<!tpu.dma_semaphore, #tpu.memory_space<semaphore_mem>>) src(%dma_wait3A_322 : memref<100000x128xf32, #tpu.memory_space<hbm>>) dst(%dma_wait3A_317 : memref<128x128xf32, #tpu.memory_space<vmem>>)
    %parallel_loop3A_323 = arith.constant 0 : i32
    %parallel_loop3A_324 = arith.constant 128 : i32
    %parallel_loop3A_325 = arith.constant 1 : i32
    %parallel_loop3A_326 = arith.constant 1 : i32
    %parallel_loop3A_327 = arith.constant 1 : i32
    scf.for %parallel_loop3A_363 = %parallel_loop3A_323 to %parallel_loop3A_324 step %parallel_loop3A_325  : i32 {
      %parallel_loop3A_364 = arith.constant 0 : i32
      %parallel_loop3A_365 = arith.constant 0 : i32
      %parallel_loop3A_366 = tpu.memref_slice %arg9[%parallel_loop3A_326, %parallel_loop3A_364, %parallel_loop3A_365] : memref<2x128x128xf32, #tpu.memory_space<vmem>> -> memref<1x128x128xf32, #tpu.memory_space<vmem>>
      %parallel_loop3A_367 = tpu.memref_squeeze %parallel_loop3A_366 : memref<1x128x128xf32, #tpu.memory_space<vmem>> -> memref<128x128xf32, #tpu.memory_space<vmem>>
      %parallel_loop3A_368 = arith.index_cast %parallel_loop3A_363 : i32 to index
      %parallel_loop3A_369 = arith.constant 0 : index
      %parallel_loop3A_370 = tpu.vector_load %parallel_loop3A_367[%parallel_loop3A_368, %parallel_loop3A_369] {strides = array<i32>} : memref<128x128xf32, #tpu.memory_space<vmem>>, vector<16xf32>,
      %parallel_loop3A_371 = arith.constant 0 : i32
      %parallel_loop3A_372 = arith.constant 0 : i32
      %parallel_loop3A_373 = tpu.memref_slice %arg10[%parallel_loop3A_327, %parallel_loop3A_371, %parallel_loop3A_372] : memref<2x128x128xf32, #tpu.memory_space<vmem>> -> memref<1x128x128xf32, #tpu.memory_space<vmem>>
      %parallel_loop3A_374 = tpu.memref_squeeze %parallel_loop3A_373 : memref<1x128x128xf32, #tpu.memory_space<vmem>> -> memref<128x128xf32, #tpu.memory_space<vmem>>
      %parallel_loop3A_375 = arith.index_cast %parallel_loop3A_363 : i32 to index
      %parallel_loop3A_376 = arith.constant 0 : index
      %parallel_loop3A_377 = tpu.vector_load %parallel_loop3A_374[%parallel_loop3A_375, %parallel_loop3A_376] {strides = array<i32>} : memref<128x128xf32, #tpu.memory_space<vmem>>, vector<16xf32>,
      %parallel_loop3A_378 = arith.mulf %parallel_loop3A_370, %parallel_loop3A_377 : vector<16xf32>
      %parallel_loop3A_379 = arith.constant 0 : i32
      %parallel_loop3A_380 = arith.constant 0 : i32
      %parallel_loop3A_381 = tpu.memref_slice %arg9[%parallel_loop3A_326, %parallel_loop3A_379, %parallel_loop3A_380] : memref<2x128x128xf32, #tpu.memory_space<vmem>> -> memref<1x128x128xf32, #tpu.memory_space<vmem>>
      %parallel_loop3A_382 = tpu.memref_squeeze %parallel_loop3A_381 : memref<1x128x128xf32, #tpu.memory_space<vmem>> -> memref<128x128xf32, #tpu.memory_space<vmem>>
      %parallel_loop3A_383 = arith.index_cast %parallel_loop3A_363 : i32 to index
      %parallel_loop3A_384 = arith.constant 16 : index
      %parallel_loop3A_385 = tpu.vector_load %parallel_loop3A_382[%parallel_loop3A_383, %parallel_loop3A_384] {strides = array<i32>} : memref<128x128xf32, #tpu.memory_space<vmem>>, vector<16xf32>,
      %parallel_loop3A_386 = arith.constant 0 : i32
      %parallel_loop3A_387 = arith.constant 0 : i32
      %parallel_loop3A_388 = tpu.memref_slice %arg10[%parallel_loop3A_327, %parallel_loop3A_386, %parallel_loop3A_387] : memref<2x128x128xf32, #tpu.memory_space<vmem>> -> memref<1x128x128xf32, #tpu.memory_space<vmem>>
      %parallel_loop3A_389 = tpu.memref_squeeze %parallel_loop3A_388 : memref<1x128x128xf32, #tpu.memory_space<vmem>> -> memref<128x128xf32, #tpu.memory_space<vmem>>
      %parallel_loop3A_390 = arith.index_cast %parallel_loop3A_363 : i32 to index
      %parallel_loop3A_391 = arith.constant 16 : index
      %parallel_loop3A_392 = tpu.vector_load %parallel_loop3A_389[%parallel_loop3A_390, %parallel_loop3A_391] {strides = array<i32>} : memref<128x128xf32, #tpu.memory_space<vmem>>, vector<16xf32>,
      %parallel_loop3A_393 = arith.mulf %parallel_loop3A_385, %parallel_loop3A_392 : vector<16xf32>
      %parallel_loop3A_394 = arith.constant 0 : i32
      %parallel_loop3A_395 = arith.constant 0 : i32
      %parallel_loop3A_396 = tpu.memref_slice %arg9[%parallel_loop3A_326, %parallel_loop3A_394, %parallel_loop3A_395] : memref<2x128x128xf32, #tpu.memory_space<vmem>> -> memref<1x128x128xf32, #tpu.memory_space<vmem>>
      %parallel_loop3A_397 = tpu.memref_squeeze %parallel_loop3A_396 : memref<1x128x128xf32, #tpu.memory_space<vmem>> -> memref<128x128xf32, #tpu.memory_space<vmem>>
      %parallel_loop3A_398 = arith.index_cast %parallel_loop3A_363 : i32 to index
      %parallel_loop3A_399 = arith.constant 32 : index
      %parallel_loop3A_400 = tpu.vector_load %parallel_loop3A_397[%parallel_loop3A_398, %parallel_loop3A_399] {strides = array<i32>} : memref<128x128xf32, #tpu.memory_space<vmem>>, vector<16xf32>,
      %parallel_loop3A_401 = arith.constant 0 : i32
      %parallel_loop3A_402 = arith.constant 0 : i32
      %parallel_loop3A_403 = tpu.memref_slice %arg10[%parallel_loop3A_327, %parallel_loop3A_401, %parallel_loop3A_402] : memref<2x128x128xf32, #tpu.memory_space<vmem>> -> memref<1x128x128xf32, #tpu.memory_space<vmem>>
      %parallel_loop3A_404 = tpu.memref_squeeze %parallel_loop3A_403 : memref<1x128x128xf32, #tpu.memory_space<vmem>> -> memref<128x128xf32, #tpu.memory_space<vmem>>
      %parallel_loop3A_405 = arith.index_cast %parallel_loop3A_363 : i32 to index
      %parallel_loop3A_406 = arith.constant 32 : index
      %parallel_loop3A_407 = tpu.vector_load %parallel_loop3A_404[%parallel_loop3A_405, %parallel_loop3A_406] {strides = array<i32>} : memref<128x128xf32, #tpu.memory_space<vmem>>, vector<16xf32>,
      %parallel_loop3A_408 = arith.mulf %parallel_loop3A_400, %parallel_loop3A_407 : vector<16xf32>
      %parallel_loop3A_409 = arith.constant 0 : i32
      %parallel_loop3A_410 = arith.constant 0 : i32
      %parallel_loop3A_411 = tpu.memref_slice %arg9[%parallel_loop3A_326, %parallel_loop3A_409, %parallel_loop3A_410] : memref<2x128x128xf32, #tpu.memory_space<vmem>> -> memref<1x128x128xf32, #tpu.memory_space<vmem>>
      %parallel_loop3A_412 = tpu.memref_squeeze %parallel_loop3A_411 : memref<1x128x128xf32, #tpu.memory_space<vmem>> -> memref<128x128xf32, #tpu.memory_space<vmem>>
      %parallel_loop3A_413 = arith.index_cast %parallel_loop3A_363 : i32 to index
      %parallel_loop3A_414 = arith.constant 48 : index
      %parallel_loop3A_415 = tpu.vector_load %parallel_loop3A_412[%parallel_loop3A_413, %parallel_loop3A_414] {strides = array<i32>} : memref<128x128xf32, #tpu.memory_space<vmem>>, vector<16xf32>,
      %parallel_loop3A_416 = arith.constant 0 : i32
      %parallel_loop3A_417 = arith.constant 0 : i32
      %parallel_loop3A_418 = tpu.memref_slice %arg10[%parallel_loop3A_327, %parallel_loop3A_416, %parallel_loop3A_417] : memref<2x128x128xf32, #tpu.memory_space<vmem>> -> memref<1x128x128xf32, #tpu.memory_space<vmem>>
      %parallel_loop3A_419 = tpu.memref_squeeze %parallel_loop3A_418 : memref<1x128x128xf32, #tpu.memory_space<vmem>> -> memref<128x128xf32, #tpu.memory_space<vmem>>
      %parallel_loop3A_420 = arith.index_cast %parallel_loop3A_363 : i32 to index
      %parallel_loop3A_421 = arith.constant 48 : index
      %parallel_loop3A_422 = tpu.vector_load %parallel_loop3A_419[%parallel_loop3A_420, %parallel_loop3A_421] {strides = array<i32>} : memref<128x128xf32, #tpu.memory_space<vmem>>, vector<16xf32>,
      %parallel_loop3A_423 = arith.mulf %parallel_loop3A_415, %parallel_loop3A_422 : vector<16xf32>
      %parallel_loop3A_424 = arith.constant 0 : i32
      %parallel_loop3A_425 = arith.constant 0 : i32
      %parallel_loop3A_426 = tpu.memref_slice %arg9[%parallel_loop3A_326, %parallel_loop3A_424, %parallel_loop3A_425] : memref<2x128x128xf32, #tpu.memory_space<vmem>> -> memref<1x128x128xf32, #tpu.memory_space<vmem>>
      %parallel_loop3A_427 = tpu.memref_squeeze %parallel_loop3A_426 : memref<1x128x128xf32, #tpu.memory_space<vmem>> -> memref<128x128xf32, #tpu.memory_space<vmem>>
      %parallel_loop3A_428 = arith.index_cast %parallel_loop3A_363 : i32 to index
      %parallel_loop3A_429 = arith.constant 64 : index
      %parallel_loop3A_430 = tpu.vector_load %parallel_loop3A_427[%parallel_loop3A_428, %parallel_loop3A_429] {strides = array<i32>} : memref<128x128xf32, #tpu.memory_space<vmem>>, vector<16xf32>,
      %parallel_loop3A_431 = arith.constant 0 : i32
      %parallel_loop3A_432 = arith.constant 0 : i32
      %parallel_loop3A_433 = tpu.memref_slice %arg10[%parallel_loop3A_327, %parallel_loop3A_431, %parallel_loop3A_432] : memref<2x128x128xf32, #tpu.memory_space<vmem>> -> memref<1x128x128xf32, #tpu.memory_space<vmem>>
      %parallel_loop3A_434 = tpu.memref_squeeze %parallel_loop3A_433 : memref<1x128x128xf32, #tpu.memory_space<vmem>> -> memref<128x128xf32, #tpu.memory_space<vmem>>
      %parallel_loop3A_435 = arith.index_cast %parallel_loop3A_363 : i32 to index
      %parallel_loop3A_436 = arith.constant 64 : index
      %parallel_loop3A_437 = tpu.vector_load %parallel_loop3A_434[%parallel_loop3A_435, %parallel_loop3A_436] {strides = array<i32>} : memref<128x128xf32, #tpu.memory_space<vmem>>, vector<16xf32>,
      %parallel_loop3A_438 = arith.mulf %parallel_loop3A_430, %parallel_loop3A_437 : vector<16xf32>
      %parallel_loop3A_439 = arith.constant 0 : i32
      %parallel_loop3A_440 = arith.constant 0 : i32
      %parallel_loop3A_441 = tpu.memref_slice %arg9[%parallel_loop3A_326, %parallel_loop3A_439, %parallel_loop3A_440] : memref<2x128x128xf32, #tpu.memory_space<vmem>> -> memref<1x128x128xf32, #tpu.memory_space<vmem>>
      %parallel_loop3A_442 = tpu.memref_squeeze %parallel_loop3A_441 : memref<1x128x128xf32, #tpu.memory_space<vmem>> -> memref<128x128xf32, #tpu.memory_space<vmem>>
      %parallel_loop3A_443 = arith.index_cast %parallel_loop3A_363 : i32 to index
      %parallel_loop3A_444 = arith.constant 80 : index
      %parallel_loop3A_445 = tpu.vector_load %parallel_loop3A_442[%parallel_loop3A_443, %parallel_loop3A_444] {strides = array<i32>} : memref<128x128xf32, #tpu.memory_space<vmem>>, vector<16xf32>,
      %parallel_loop3A_446 = arith.constant 0 : i32
      %parallel_loop3A_447 = arith.constant 0 : i32
      %parallel_loop3A_448 = tpu.memref_slice %arg10[%parallel_loop3A_327, %parallel_loop3A_446, %parallel_loop3A_447] : memref<2x128x128xf32, #tpu.memory_space<vmem>> -> memref<1x128x128xf32, #tpu.memory_space<vmem>>
      %parallel_loop3A_449 = tpu.memref_squeeze %parallel_loop3A_448 : memref<1x128x128xf32, #tpu.memory_space<vmem>> -> memref<128x128xf32, #tpu.memory_space<vmem>>
      %parallel_loop3A_450 = arith.index_cast %parallel_loop3A_363 : i32 to index
      %parallel_loop3A_451 = arith.constant 80 : index
      %parallel_loop3A_452 = tpu.vector_load %parallel_loop3A_449[%parallel_loop3A_450, %parallel_loop3A_451] {strides = array<i32>} : memref<128x128xf32, #tpu.memory_space<vmem>>, vector<16xf32>,
      %parallel_loop3A_453 = arith.mulf %parallel_loop3A_445, %parallel_loop3A_452 : vector<16xf32>
      %parallel_loop3A_454 = arith.constant 0 : i32
      %parallel_loop3A_455 = arith.constant 0 : i32
      %parallel_loop3A_456 = tpu.memref_slice %arg9[%parallel_loop3A_326, %parallel_loop3A_454, %parallel_loop3A_455] : memref<2x128x128xf32, #tpu.memory_space<vmem>> -> memref<1x128x128xf32, #tpu.memory_space<vmem>>
      %parallel_loop3A_457 = tpu.memref_squeeze %parallel_loop3A_456 : memref<1x128x128xf32, #tpu.memory_space<vmem>> -> memref<128x128xf32, #tpu.memory_space<vmem>>
      %parallel_loop3A_458 = arith.index_cast %parallel_loop3A_363 : i32 to index
      %parallel_loop3A_459 = arith.constant 96 : index
      %parallel_loop3A_460 = tpu.vector_load %parallel_loop3A_457[%parallel_loop3A_458, %parallel_loop3A_459] {strides = array<i32>} : memref<128x128xf32, #tpu.memory_space<vmem>>, vector<16xf32>,
      %parallel_loop3A_461 = arith.constant 0 : i32
      %parallel_loop3A_462 = arith.constant 0 : i32
      %parallel_loop3A_463 = tpu.memref_slice %arg10[%parallel_loop3A_327, %parallel_loop3A_461, %parallel_loop3A_462] : memref<2x128x128xf32, #tpu.memory_space<vmem>> -> memref<1x128x128xf32, #tpu.memory_space<vmem>>
      %parallel_loop3A_464 = tpu.memref_squeeze %parallel_loop3A_463 : memref<1x128x128xf32, #tpu.memory_space<vmem>> -> memref<128x128xf32, #tpu.memory_space<vmem>>
      %parallel_loop3A_465 = arith.index_cast %parallel_loop3A_363 : i32 to index
      %parallel_loop3A_466 = arith.constant 96 : index
      %parallel_loop3A_467 = tpu.vector_load %parallel_loop3A_464[%parallel_loop3A_465, %parallel_loop3A_466] {strides = array<i32>} : memref<128x128xf32, #tpu.memory_space<vmem>>, vector<16xf32>,
      %parallel_loop3A_468 = arith.mulf %parallel_loop3A_460, %parallel_loop3A_467 : vector<16xf32>
      %parallel_loop3A_469 = arith.constant 0 : i32
      %parallel_loop3A_470 = arith.constant 0 : i32
      %parallel_loop3A_471 = tpu.memref_slice %arg9[%parallel_loop3A_326, %parallel_loop3A_469, %parallel_loop3A_470] : memref<2x128x128xf32, #tpu.memory_space<vmem>> -> memref<1x128x128xf32, #tpu.memory_space<vmem>>
      %parallel_loop3A_472 = tpu.memref_squeeze %parallel_loop3A_471 : memref<1x128x128xf32, #tpu.memory_space<vmem>> -> memref<128x128xf32, #tpu.memory_space<vmem>>
      %parallel_loop3A_473 = arith.index_cast %parallel_loop3A_363 : i32 to index
      %parallel_loop3A_474 = arith.constant 112 : index
      %parallel_loop3A_475 = tpu.vector_load %parallel_loop3A_472[%parallel_loop3A_473, %parallel_loop3A_474] {strides = array<i32>} : memref<128x128xf32, #tpu.memory_space<vmem>>, vector<16xf32>,
      %parallel_loop3A_476 = arith.constant 0 : i32
      %parallel_loop3A_477 = arith.constant 0 : i32
      %parallel_loop3A_478 = tpu.memref_slice %arg10[%parallel_loop3A_327, %parallel_loop3A_476, %parallel_loop3A_477] : memref<2x128x128xf32, #tpu.memory_space<vmem>> -> memref<1x128x128xf32, #tpu.memory_space<vmem>>
      %parallel_loop3A_479 = tpu.memref_squeeze %parallel_loop3A_478 : memref<1x128x128xf32, #tpu.memory_space<vmem>> -> memref<128x128xf32, #tpu.memory_space<vmem>>
      %parallel_loop3A_480 = arith.index_cast %parallel_loop3A_363 : i32 to index
      %parallel_loop3A_481 = arith.constant 112 : index
      %parallel_loop3A_482 = tpu.vector_load %parallel_loop3A_479[%parallel_loop3A_480, %parallel_loop3A_481] {strides = array<i32>} : memref<128x128xf32, #tpu.memory_space<vmem>>, vector<16xf32>,
      %parallel_loop3A_483 = arith.mulf %parallel_loop3A_475, %parallel_loop3A_482 : vector<16xf32>
      %parallel_loop3A_484 = arith.addf %parallel_loop3A_378, %parallel_loop3A_393 : vector<16xf32>
      %parallel_loop3A_485 = arith.addf %parallel_loop3A_408, %parallel_loop3A_423 : vector<16xf32>
      %parallel_loop3A_486 = arith.addf %parallel_loop3A_438, %parallel_loop3A_453 : vector<16xf32>
      %parallel_loop3A_487 = arith.addf %parallel_loop3A_468, %parallel_loop3A_483 : vector<16xf32>
      %parallel_loop3A_488 = arith.addf %parallel_loop3A_484, %parallel_loop3A_485 : vector<16xf32>
      %parallel_loop3A_489 = arith.addf %parallel_loop3A_486, %parallel_loop3A_487 : vector<16xf32>
      %parallel_loop3A_490 = arith.addf %parallel_loop3A_488, %parallel_loop3A_489 : vector<16xf32>
      %parallel_loop3A_491 = arith.constant 15 : i32
      %parallel_loop3A_492 = arith.andi %parallel_loop3A_363, %parallel_loop3A_491 : i32
      %parallel_loop3A_493 = vector.broadcast %parallel_loop3A_492 : i32 to vector<16xi32>
      %parallel_loop3A_494 = arith.addi %mul3A_68, %parallel_loop3A_493 : vector<16xi32>
      %parallel_loop3A_495 = arith.constant 4 : i32
      %parallel_loop3A_496 = arith.shrsi %parallel_loop3A_363, %parallel_loop3A_495 : i32
      %parallel_loop3A_497 = arith.constant 272 : i32
      %parallel_loop3A_498 = arith.muli %parallel_loop3A_496, %parallel_loop3A_497 : i32
      %parallel_loop3A_499 = vector.broadcast %parallel_loop3A_498 : i32 to vector<16xi32>
      %parallel_loop3A_500 = arith.addi %parallel_loop3A_494, %parallel_loop3A_499 : vector<16xi32>
      tpu.vector_store_idx %arg12[%parallel_loop3A_500], %parallel_loop3A_490 : memref<2176xf32, #tpu.memory_space<vmem>>[vector<16xi32>], vector<16xf32>,
    } {sc.loop_unroll_factor = 1 : i64, sc.parallel_access}
    %parallel_loop3A_328 = arith.constant 0 : i32
    %parallel_loop3A_329 = arith.constant 8 : i32
    %parallel_loop3A_330 = arith.constant 1 : i32
    scf.for %parallel_loop3A_363 = %parallel_loop3A_328 to %parallel_loop3A_329 step %parallel_loop3A_330  : i32 {
      %parallel_loop3A_364 = arith.constant 272 : i32
      %parallel_loop3A_365 = arith.muli %parallel_loop3A_363, %parallel_loop3A_364 : i32
      %parallel_loop3A_366 = arith.constant 0 : i32
      %parallel_loop3A_367 = arith.addi %parallel_loop3A_365, %parallel_loop3A_366 : i32
      %parallel_loop3A_368 = arith.index_cast %parallel_loop3A_367 : i32 to index
      %parallel_loop3A_369 = tpu.vector_load %arg12[%parallel_loop3A_368] {strides = array<i32>} : memref<2176xf32, #tpu.memory_space<vmem>>, vector<16xf32>,
      %parallel_loop3A_370 = arith.constant 272 : i32
      %parallel_loop3A_371 = arith.muli %parallel_loop3A_363, %parallel_loop3A_370 : i32
      %parallel_loop3A_372 = arith.constant 17 : i32
      %parallel_loop3A_373 = arith.addi %parallel_loop3A_371, %parallel_loop3A_372 : i32
      %parallel_loop3A_374 = arith.index_cast %parallel_loop3A_373 : i32 to index
      %parallel_loop3A_375 = tpu.vector_load %arg12[%parallel_loop3A_374] {strides = array<i32>} : memref<2176xf32, #tpu.memory_space<vmem>>, vector<16xf32>,
      %parallel_loop3A_376 = arith.constant 272 : i32
      %parallel_loop3A_377 = arith.muli %parallel_loop3A_363, %parallel_loop3A_376 : i32
      %parallel_loop3A_378 = arith.constant 34 : i32
      %parallel_loop3A_379 = arith.addi %parallel_loop3A_377, %parallel_loop3A_378 : i32
      %parallel_loop3A_380 = arith.index_cast %parallel_loop3A_379 : i32 to index
      %parallel_loop3A_381 = tpu.vector_load %arg12[%parallel_loop3A_380] {strides = array<i32>} : memref<2176xf32, #tpu.memory_space<vmem>>, vector<16xf32>,
      %parallel_loop3A_382 = arith.constant 272 : i32
      %parallel_loop3A_383 = arith.muli %parallel_loop3A_363, %parallel_loop3A_382 : i32
      %parallel_loop3A_384 = arith.constant 51 : i32
      %parallel_loop3A_385 = arith.addi %parallel_loop3A_383, %parallel_loop3A_384 : i32
      %parallel_loop3A_386 = arith.index_cast %parallel_loop3A_385 : i32 to index
      %parallel_loop3A_387 = tpu.vector_load %arg12[%parallel_loop3A_386] {strides = array<i32>} : memref<2176xf32, #tpu.memory_space<vmem>>, vector<16xf32>,
      %parallel_loop3A_388 = arith.constant 272 : i32
      %parallel_loop3A_389 = arith.muli %parallel_loop3A_363, %parallel_loop3A_388 : i32
      %parallel_loop3A_390 = arith.constant 68 : i32
      %parallel_loop3A_391 = arith.addi %parallel_loop3A_389, %parallel_loop3A_390 : i32
      %parallel_loop3A_392 = arith.index_cast %parallel_loop3A_391 : i32 to index
      %parallel_loop3A_393 = tpu.vector_load %arg12[%parallel_loop3A_392] {strides = array<i32>} : memref<2176xf32, #tpu.memory_space<vmem>>, vector<16xf32>,
      %parallel_loop3A_394 = arith.constant 272 : i32
      %parallel_loop3A_395 = arith.muli %parallel_loop3A_363, %parallel_loop3A_394 : i32
      %parallel_loop3A_396 = arith.constant 85 : i32
      %parallel_loop3A_397 = arith.addi %parallel_loop3A_395, %parallel_loop3A_396 : i32
      %parallel_loop3A_398 = arith.index_cast %parallel_loop3A_397 : i32 to index
      %parallel_loop3A_399 = tpu.vector_load %arg12[%parallel_loop3A_398] {strides = array<i32>} : memref<2176xf32, #tpu.memory_space<vmem>>, vector<16xf32>,
      %parallel_loop3A_400 = arith.constant 272 : i32
      %parallel_loop3A_401 = arith.muli %parallel_loop3A_363, %parallel_loop3A_400 : i32
      %parallel_loop3A_402 = arith.constant 102 : i32
      %parallel_loop3A_403 = arith.addi %parallel_loop3A_401, %parallel_loop3A_402 : i32
      %parallel_loop3A_404 = arith.index_cast %parallel_loop3A_403 : i32 to index
      %parallel_loop3A_405 = tpu.vector_load %arg12[%parallel_loop3A_404] {strides = array<i32>} : memref<2176xf32, #tpu.memory_space<vmem>>, vector<16xf32>,
      %parallel_loop3A_406 = arith.constant 272 : i32
      %parallel_loop3A_407 = arith.muli %parallel_loop3A_363, %parallel_loop3A_406 : i32
      %parallel_loop3A_408 = arith.constant 119 : i32
      %parallel_loop3A_409 = arith.addi %parallel_loop3A_407, %parallel_loop3A_408 : i32
      %parallel_loop3A_410 = arith.index_cast %parallel_loop3A_409 : i32 to index
      %parallel_loop3A_411 = tpu.vector_load %arg12[%parallel_loop3A_410] {strides = array<i32>} : memref<2176xf32, #tpu.memory_space<vmem>>, vector<16xf32>,
      %parallel_loop3A_412 = arith.constant 272 : i32
      %parallel_loop3A_413 = arith.muli %parallel_loop3A_363, %parallel_loop3A_412 : i32
      %parallel_loop3A_414 = arith.constant 136 : i32
      %parallel_loop3A_415 = arith.addi %parallel_loop3A_413, %parallel_loop3A_414 : i32
      %parallel_loop3A_416 = arith.index_cast %parallel_loop3A_415 : i32 to index
      %parallel_loop3A_417 = tpu.vector_load %arg12[%parallel_loop3A_416] {strides = array<i32>} : memref<2176xf32, #tpu.memory_space<vmem>>, vector<16xf32>,
      %parallel_loop3A_418 = arith.constant 272 : i32
      %parallel_loop3A_419 = arith.muli %parallel_loop3A_363, %parallel_loop3A_418 : i32
      %parallel_loop3A_420 = arith.constant 153 : i32
      %parallel_loop3A_421 = arith.addi %parallel_loop3A_419, %parallel_loop3A_420 : i32
      %parallel_loop3A_422 = arith.index_cast %parallel_loop3A_421 : i32 to index
      %parallel_loop3A_423 = tpu.vector_load %arg12[%parallel_loop3A_422] {strides = array<i32>} : memref<2176xf32, #tpu.memory_space<vmem>>, vector<16xf32>,
      %parallel_loop3A_424 = arith.constant 272 : i32
      %parallel_loop3A_425 = arith.muli %parallel_loop3A_363, %parallel_loop3A_424 : i32
      %parallel_loop3A_426 = arith.constant 170 : i32
      %parallel_loop3A_427 = arith.addi %parallel_loop3A_425, %parallel_loop3A_426 : i32
      %parallel_loop3A_428 = arith.index_cast %parallel_loop3A_427 : i32 to index
      %parallel_loop3A_429 = tpu.vector_load %arg12[%parallel_loop3A_428] {strides = array<i32>} : memref<2176xf32, #tpu.memory_space<vmem>>, vector<16xf32>,
      %parallel_loop3A_430 = arith.constant 272 : i32
      %parallel_loop3A_431 = arith.muli %parallel_loop3A_363, %parallel_loop3A_430 : i32
      %parallel_loop3A_432 = arith.constant 187 : i32
      %parallel_loop3A_433 = arith.addi %parallel_loop3A_431, %parallel_loop3A_432 : i32
      %parallel_loop3A_434 = arith.index_cast %parallel_loop3A_433 : i32 to index
      %parallel_loop3A_435 = tpu.vector_load %arg12[%parallel_loop3A_434] {strides = array<i32>} : memref<2176xf32, #tpu.memory_space<vmem>>, vector<16xf32>,
      %parallel_loop3A_436 = arith.constant 272 : i32
      %parallel_loop3A_437 = arith.muli %parallel_loop3A_363, %parallel_loop3A_436 : i32
      %parallel_loop3A_438 = arith.constant 204 : i32
      %parallel_loop3A_439 = arith.addi %parallel_loop3A_437, %parallel_loop3A_438 : i32
      %parallel_loop3A_440 = arith.index_cast %parallel_loop3A_439 : i32 to index
      %parallel_loop3A_441 = tpu.vector_load %arg12[%parallel_loop3A_440] {strides = array<i32>} : memref<2176xf32, #tpu.memory_space<vmem>>, vector<16xf32>,
      %parallel_loop3A_442 = arith.constant 272 : i32
      %parallel_loop3A_443 = arith.muli %parallel_loop3A_363, %parallel_loop3A_442 : i32
      %parallel_loop3A_444 = arith.constant 221 : i32
      %parallel_loop3A_445 = arith.addi %parallel_loop3A_443, %parallel_loop3A_444 : i32
      %parallel_loop3A_446 = arith.index_cast %parallel_loop3A_445 : i32 to index
      %parallel_loop3A_447 = tpu.vector_load %arg12[%parallel_loop3A_446] {strides = array<i32>} : memref<2176xf32, #tpu.memory_space<vmem>>, vector<16xf32>,
      %parallel_loop3A_448 = arith.constant 272 : i32
      %parallel_loop3A_449 = arith.muli %parallel_loop3A_363, %parallel_loop3A_448 : i32
      %parallel_loop3A_450 = arith.constant 238 : i32
      %parallel_loop3A_451 = arith.addi %parallel_loop3A_449, %parallel_loop3A_450 : i32
      %parallel_loop3A_452 = arith.index_cast %parallel_loop3A_451 : i32 to index
      %parallel_loop3A_453 = tpu.vector_load %arg12[%parallel_loop3A_452] {strides = array<i32>} : memref<2176xf32, #tpu.memory_space<vmem>>, vector<16xf32>,
      %parallel_loop3A_454 = arith.constant 272 : i32
      %parallel_loop3A_455 = arith.muli %parallel_loop3A_363, %parallel_loop3A_454 : i32
      %parallel_loop3A_456 = arith.constant 255 : i32
      %parallel_loop3A_457 = arith.addi %parallel_loop3A_455, %parallel_loop3A_456 : i32
      %parallel_loop3A_458 = arith.index_cast %parallel_loop3A_457 : i32 to index
      %parallel_loop3A_459 = tpu.vector_load %arg12[%parallel_loop3A_458] {strides = array<i32>} : memref<2176xf32, #tpu.memory_space<vmem>>, vector<16xf32>,
      %parallel_loop3A_460 = arith.addf %parallel_loop3A_369, %parallel_loop3A_375 : vector<16xf32>
      %parallel_loop3A_461 = arith.addf %parallel_loop3A_381, %parallel_loop3A_387 : vector<16xf32>
      %parallel_loop3A_462 = arith.addf %parallel_loop3A_393, %parallel_loop3A_399 : vector<16xf32>
      %parallel_loop3A_463 = arith.addf %parallel_loop3A_405, %parallel_loop3A_411 : vector<16xf32>
      %parallel_loop3A_464 = arith.addf %parallel_loop3A_417, %parallel_loop3A_423 : vector<16xf32>
      %parallel_loop3A_465 = arith.addf %parallel_loop3A_429, %parallel_loop3A_435 : vector<16xf32>
      %parallel_loop3A_466 = arith.addf %parallel_loop3A_441, %parallel_loop3A_447 : vector<16xf32>
      %parallel_loop3A_467 = arith.addf %parallel_loop3A_453, %parallel_loop3A_459 : vector<16xf32>
      %parallel_loop3A_468 = arith.addf %parallel_loop3A_460, %parallel_loop3A_461 : vector<16xf32>
      %parallel_loop3A_469 = arith.addf %parallel_loop3A_462, %parallel_loop3A_463 : vector<16xf32>
      %parallel_loop3A_470 = arith.addf %parallel_loop3A_464, %parallel_loop3A_465 : vector<16xf32>
      %parallel_loop3A_471 = arith.addf %parallel_loop3A_466, %parallel_loop3A_467 : vector<16xf32>
      %parallel_loop3A_472 = arith.addf %parallel_loop3A_468, %parallel_loop3A_469 : vector<16xf32>
      %parallel_loop3A_473 = arith.addf %parallel_loop3A_470, %parallel_loop3A_471 : vector<16xf32>
      %parallel_loop3A_474 = arith.addf %parallel_loop3A_472, %parallel_loop3A_473 : vector<16xf32>
      %parallel_loop3A_475 = arith.constant 0.000000e+00 : f32
      %parallel_loop3A_476 = vector.broadcast %parallel_loop3A_475 : f32 to vector<16xf32>
      %parallel_loop3A_477 = arith.subf %parallel_loop3A_476, %parallel_loop3A_474 : vector<16xf32>
      %parallel_loop3A_478 = math.exp %parallel_loop3A_477 : vector<16xf32>
      %parallel_loop3A_479 = arith.constant 1.000000e+00 : f32
      %parallel_loop3A_480 = vector.broadcast %parallel_loop3A_479 : f32 to vector<16xf32>
      %parallel_loop3A_481 = arith.addf %parallel_loop3A_480, %parallel_loop3A_478 : vector<16xf32>
      %parallel_loop3A_482 = arith.constant 1.000000e+00 : f32
      %parallel_loop3A_483 = vector.broadcast %parallel_loop3A_482 : f32 to vector<16xf32>
      %parallel_loop3A_484 = arith.divf %parallel_loop3A_483, %parallel_loop3A_481 : vector<16xf32>
      %parallel_loop3A_485 = arith.constant 16 : i32
      %parallel_loop3A_486 = arith.muli %parallel_loop3A_363, %parallel_loop3A_485 : i32
      %parallel_loop3A_487 = arith.constant 384 : i32
      %parallel_loop3A_488 = arith.addi %parallel_loop3A_487, %parallel_loop3A_486 : i32
      %parallel_loop3A_489 = arith.index_cast %parallel_loop3A_488 : i32 to index
      %parallel_loop3A_490 = tpu.vector_load %arg11[%parallel_loop3A_489] {strides = array<i32>} : memref<512xf32, #tpu.memory_space<vmem>>, vector<16xf32>,
      tpu.vector_store %arg11[%parallel_loop3A_489], %parallel_loop3A_484 {strides = array<i32>} : memref<512xf32, #tpu.memory_space<vmem>>, vector<16xf32>,
    } {sc.loop_unroll_factor = 1 : i64, sc.parallel_access}
    %add3A_331 = arith.constant 384 : i32
    %add3A_332 = arith.addi %mul3A_2, %add3A_331 : i32
    %dma_start3A_333 = arith.constant 384 : i32
    %dma_start3A_334 = tpu.memref_slice %arg11[%dma_start3A_333] : memref<512xf32, #tpu.memory_space<vmem>> -> memref<128xf32, #tpu.memory_space<vmem>>
    %dma_start3A_335 = tpu.memref_slice %arg6[%add3A_332] : memref<16384xf32, #tpu.memory_space<hbm>> -> memref<128xf32, #tpu.memory_space<hbm>>
    %dma_start3A_336 = tpu.memref_slice %arg6[%add3A_332] : memref<16384xf32, #tpu.memory_space<hbm>> -> memref<128xf32, #tpu.memory_space<hbm>>
    %dma_start3A_337 = arith.constant 384 : i32
    %dma_start3A_338 = tpu.memref_slice %arg11[%dma_start3A_337] : memref<512xf32, #tpu.memory_space<vmem>> -> memref<128xf32, #tpu.memory_space<vmem>>
    tpu.enqueue_dma source(%dma_start3A_338 : memref<128xf32, #tpu.memory_space<vmem>>) target(%dma_start3A_336 : memref<128xf32, #tpu.memory_space<hbm>>) target_semaphore(%arg16 : memref<!tpu.dma_semaphore, #tpu.memory_space<semaphore_mem>>)
    %dma_wait3A_339 = arith.constant 0 : i32
    %dma_wait3A_340 = tpu.memref_slice %arg11[%dma_wait3A_339] : memref<512xf32, #tpu.memory_space<vmem>> -> memref<128xf32, #tpu.memory_space<vmem>>
    %dma_wait3A_341 = tpu.memref_slice %arg6[%add3A_160] : memref<16384xf32, #tpu.memory_space<hbm>> -> memref<128xf32, #tpu.memory_space<hbm>>
    %dma_wait3A_342 = tpu.memref_slice %arg6[%add3A_160] : memref<16384xf32, #tpu.memory_space<hbm>> -> memref<128xf32, #tpu.memory_space<hbm>>
    %dma_wait3A_343 = arith.constant 0 : i32
    %dma_wait3A_344 = tpu.memref_slice %arg11[%dma_wait3A_343] : memref<512xf32, #tpu.memory_space<vmem>> -> memref<128xf32, #tpu.memory_space<vmem>>
    tpu.wait_dma2 semaphore(%arg16 : memref<!tpu.dma_semaphore, #tpu.memory_space<semaphore_mem>>) src(%dma_wait3A_344 : memref<128xf32, #tpu.memory_space<vmem>>) dst(%dma_wait3A_342 : memref<128xf32, #tpu.memory_space<hbm>>)
    %dma_wait3A_345 = arith.constant 128 : i32
    %dma_wait3A_346 = tpu.memref_slice %arg11[%dma_wait3A_345] : memref<512xf32, #tpu.memory_space<vmem>> -> memref<128xf32, #tpu.memory_space<vmem>>
    %dma_wait3A_347 = tpu.memref_slice %arg6[%add3A_228] : memref<16384xf32, #tpu.memory_space<hbm>> -> memref<128xf32, #tpu.memory_space<hbm>>
    %dma_wait3A_348 = tpu.memref_slice %arg6[%add3A_228] : memref<16384xf32, #tpu.memory_space<hbm>> -> memref<128xf32, #tpu.memory_space<hbm>>
    %dma_wait3A_349 = arith.constant 128 : i32
    %dma_wait3A_350 = tpu.memref_slice %arg11[%dma_wait3A_349] : memref<512xf32, #tpu.memory_space<vmem>> -> memref<128xf32, #tpu.memory_space<vmem>>
    tpu.wait_dma2 semaphore(%arg16 : memref<!tpu.dma_semaphore, #tpu.memory_space<semaphore_mem>>) src(%dma_wait3A_350 : memref<128xf32, #tpu.memory_space<vmem>>) dst(%dma_wait3A_348 : memref<128xf32, #tpu.memory_space<hbm>>)
    %dma_wait3A_351 = arith.constant 256 : i32
    %dma_wait3A_352 = tpu.memref_slice %arg11[%dma_wait3A_351] : memref<512xf32, #tpu.memory_space<vmem>> -> memref<128xf32, #tpu.memory_space<vmem>>
    %dma_wait3A_353 = tpu.memref_slice %arg6[%add3A_296] : memref<16384xf32, #tpu.memory_space<hbm>> -> memref<128xf32, #tpu.memory_space<hbm>>
    %dma_wait3A_354 = tpu.memref_slice %arg6[%add3A_296] : memref<16384xf32, #tpu.memory_space<hbm>> -> memref<128xf32, #tpu.memory_space<hbm>>
    %dma_wait3A_355 = arith.constant 256 : i32
    %dma_wait3A_356 = tpu.memref_slice %arg11[%dma_wait3A_355] : memref<512xf32, #tpu.memory_space<vmem>> -> memref<128xf32, #tpu.memory_space<vmem>>
    tpu.wait_dma2 semaphore(%arg16 : memref<!tpu.dma_semaphore, #tpu.memory_space<semaphore_mem>>) src(%dma_wait3A_356 : memref<128xf32, #tpu.memory_space<vmem>>) dst(%dma_wait3A_354 : memref<128xf32, #tpu.memory_space<hbm>>)
    %dma_wait3A_357 = arith.constant 384 : i32
    %dma_wait3A_358 = tpu.memref_slice %arg11[%dma_wait3A_357] : memref<512xf32, #tpu.memory_space<vmem>> -> memref<128xf32, #tpu.memory_space<vmem>>
    %dma_wait3A_359 = tpu.memref_slice %arg6[%add3A_332] : memref<16384xf32, #tpu.memory_space<hbm>> -> memref<128xf32, #tpu.memory_space<hbm>>
    %dma_wait3A_360 = tpu.memref_slice %arg6[%add3A_332] : memref<16384xf32, #tpu.memory_space<hbm>> -> memref<128xf32, #tpu.memory_space<hbm>>
    %dma_wait3A_361 = arith.constant 384 : i32
    %dma_wait3A_362 = tpu.memref_slice %arg11[%dma_wait3A_361] : memref<512xf32, #tpu.memory_space<vmem>> -> memref<128xf32, #tpu.memory_space<vmem>>
    tpu.wait_dma2 semaphore(%arg16 : memref<!tpu.dma_semaphore, #tpu.memory_space<semaphore_mem>>) src(%dma_wait3A_362 : memref<128xf32, #tpu.memory_space<vmem>>) dst(%dma_wait3A_360 : memref<128xf32, #tpu.memory_space<hbm>>)
    return
  }
}

</mosaic_0001>

<sc_bundles>
// kernel: kernel.3.cloned.1.call-start
scs
__scs_entry_jumppad:
0x0: {  	(pc) =	sbr.rel $0x88, $3  }
0x1: {  	(tag) =	ssettag $0x0;
	lr =	simm.s32 $0x1  }
0x2: {  	[smem:$0x3F9D] =	sst lr;
	_ =	strace $0xD0000000  }
0x3: {  	_ = 	snop  }
0x4: {  	_ = 	snop  }
0x5: {  	_ = 	snop  }
0x6: {  	_ = 	snop  }
0x7: {  	_ = 	snop  }
__scs_overlays_trampoline_lowered:
0x8: {  	[smem:$0x3FAC] =	sst s0  }
0x9: {  	[smem:$0x3FAD] =	sst s1  }
0xa: {  	[smem:$0x3FAE] =	sst s2  }
0xb: {  	[smem:$0x3FAF] =	sst s3  }
0xc: {  	[smem:$0x3FB0] =	sst s4  }
0xd: {  	[smem:$0x3FB1] =	sst s5  }
0xe: {  	[smem:$0x3FB2] =	sst s6  }
0xf: {  	[smem:$0x3FB3] =	sst s7  }
0x10: {  	[smem:$0x3FB4] =	sst s8  }
0x11: {  	[smem:$0x3FB5] =	sst s9;
	s0 =	simm.s32 @!p0 $0x0  }
0x12: {  	s1 =	sld [smem:$0x3F9B];
	s0 =	simm.s32 @p0 $0x1  }
0x13: {  	[smem:$0x3FB6] =	sst s0;
	s0 =	simm.s32 @!p1 $0x0  }
0x14: {  	s2 =	sld [smem:$0x3F9A];
	s0 =	simm.s32 @p1 $0x1  }
0x15: {  	[smem:$0x3FB7] =	sst s0;
	s0 =	simm.s32 @!p2 $0x0  }
0x16: {  	s3 =	sld [smem:$0x3FDB];
	s0 =	simm.s32 @p2 $0x1  }
0x17: {  	s4 =	simm.s32 $0x1BF5;
	[smem:$0x3FB9] =	sst s0  }
0x18: {  	s0 =	sld [smem:$0x3F9C];
	_ =	swait.ge [sflag:s4], $0x0  }
0x19: {  	s7 =	sld [smem:$0x3F9D]  }
0x1a: {  	s8 =	sadd.s32 $0xFFFFE003, lr  }
0x1b: {  	s9 =	sadd.s32 $0xFFFFFEF7, lr;
	s5 =	simm.s32 $0xFFFFFFFF;
	p2 =	slt.u32 s8, $0xFFFFF086  }
0x1c: {  	p1 =	slt.u32 s9, $0xF7A;
	s5 =	simm.s32 @!p2 $0x0  }
0x1d: {  	s5 =	simm.s32 @p1 $0x1;
	p0 =	seq.s32 s7, s2  }
0x1e: {  	s7 =	smul.u32 @!p0 $0xF7A, s2;
	p2 =	seq.s32 @!p0 s5, $0x0  }
0x1f: {  	s9 =	smul.u32 $0xF7A, s1;
	s8 =	simm.s32 @!p0 $0x1BF5;
	p2 =	por !p2, p0  }
0x20: {  	[sflag:s8] =	ssyncset.s32 @!p0 $0xFFFFF086;
	s6 =	sadd.s32 @!p0 s3, s7;
	s7 =	simm.s32 @!p0 $0x108  }
0x21: {  	s3 =	sadd.s32 s3, s9;
	s6 =	sadd.s32 @!p0 $0x88, s6;
	s7 =	simm.s32 @p2 $0x1082  }
0x22: {  	[simem:s7], [sflag:s8] =	dma.local @!p0 [hbm:s6], $0xF7A  }
0x23: {  	s9 =	sor.u32 $0xD0000000, s2;
	s6 =	simm.s32 $0x108;
	_ =	swait.ge @!p0 [sflag:s8], $0x0  }
0x24: {  	s3 =	sadd.s32 $0x88, s3;
	s6 =	simm.s32 @!p1 $0x1082;
	[sflag:s4] =	ssyncset.s32 $0xFFFFF086  }
0x25: {  	[simem:s6], [sflag:s4] =	dma.local [hbm:s3], $0xF7A  }
0x26: {  	[smem:$0x3F9D] =	sst s1;
	(tag) =	ssettag s2;
	_ =	strace s9  }
0x27: {  	s1 =	sld [smem:$0x3FAD]  }
0x28: {  	s2 =	sld [smem:$0x3FAE]  }
0x29: {  	s4 =	sld [smem:$0x3FB0]  }
0x2a: {  	p0 =	seq.s32 s5, $0x0;
	s5 =	sld [smem:$0x3FB1]  }
0x2b: {  	s6 =	sld [smem:$0x3FB2]  }
0x2c: {  	s7 =	sld [smem:$0x3FB3]  }
0x2d: {  	s3 =	simm.s32 $0x108;
	s8 =	sld [smem:$0x3FB4]  }
0x2e: {  	s3 =	simm.s32 @!p0 $0x1082;
	s9 =	sld [smem:$0x3FB5]  }
0x2f: {  	lr =	sadd.s32 s0, s3;
	s0 =	sld [smem:$0x3FAC]  }
0x30: {  	s3 =	sld [smem:$0x3FAF]  }
0x31: {  	[smem:$0x3FB8] =	sst s10  }
0x32: {  	s10 =	sld [smem:$0x3FB6];
	_ =	sdelay $0x3  }
0x33: {  	p0 =	seq.s32 s10, $0x1;
	s10 =	sld [smem:$0x3FB8];
	_ =	sdelay $0x3  }
0x34: {  	[smem:$0x3FB8] =	sst s10  }
0x35: {  	s10 =	sld [smem:$0x3FB7];
	_ =	sdelay $0x3  }
0x36: {  	p1 =	seq.s32 s10, $0x1;
	s10 =	sld [smem:$0x3FB8];
	_ =	sdelay $0x3  }
0x37: {  	[smem:$0x3FB8] =	sst s10  }
0x38: {  	s10 =	sld [smem:$0x3FB9]  }
0x39: {  	_ = 	snop;
	(pc) =	sbr.ind lr, $3  }
0x3a: {  	_ = 	snop  }
0x3b: {  	_ = 	snop  }
0x3c: {  	p2 =	seq.s32 s10, $0x1;
	s10 =	sld [smem:$0x3FB8]  }
0x3d: {  	_ =	shalt  }
0x3e: {  	_ =	shalt  }
0x3f: {  	_ =	shalt  }
0x40: {  	_ =	shalt  }
0x41: {  	_ =	shalt  }
0x42: {  	_ =	shalt  }
0x43: {  	_ =	shalt  }
0x44: {  	_ =	shalt  }
0x45: {  	_ =	shalt  }
0x46: {  	_ =	shalt  }
0x47: {  	_ =	shalt  }
0x48: {  	_ =	shalt  }
0x49: {  	_ =	shalt  }
0x4a: {  	_ =	shalt  }
0x4b: {  	_ =	shalt  }
0x4c: {  	_ =	shalt  }
0x4d: {  	_ =	shalt  }
0x4e: {  	_ =	shalt  }
0x4f: {  	_ =	shalt  }
0x50: {  	_ =	shalt  }
0x51: {  	_ =	shalt  }
0x52: {  	_ =	shalt  }
0x53: {  	_ =	shalt  }
0x54: {  	_ =	shalt  }
0x55: {  	_ =	shalt  }
0x56: {  	_ =	shalt  }
0x57: {  	_ =	shalt  }
0x58: {  	_ =	shalt  }
0x59: {  	_ =	shalt  }
0x5a: {  	_ =	shalt  }
0x5b: {  	_ =	shalt  }
0x5c: {  	_ =	shalt  }
0x5d: {  	_ =	shalt  }
0x5e: {  	_ =	shalt  }
0x5f: {  	_ =	shalt  }
0x60: {  	_ =	shalt  }
0x61: {  	_ =	shalt  }
0x62: {  	_ =	shalt  }
0x63: {  	_ =	shalt  }
0x64: {  	_ =	shalt  }
0x65: {  	_ =	shalt  }
0x66: {  	_ =	shalt  }
0x67: {  	_ =	shalt  }
0x68: {  	_ =	shalt  }
0x69: {  	_ =	shalt  }
0x6a: {  	_ =	shalt  }
0x6b: {  	_ =	shalt  }
0x6c: {  	_ =	shalt  }
0x6d: {  	_ =	shalt  }
0x6e: {  	_ =	shalt  }
0x6f: {  	_ =	shalt  }
0x70: {  	_ =	shalt  }
0x71: {  	_ =	shalt  }
0x72: {  	_ =	shalt  }
0x73: {  	_ =	shalt  }
0x74: {  	_ =	shalt  }
0x75: {  	_ =	shalt  }
0x76: {  	_ =	shalt  }
0x77: {  	_ =	shalt  }
0x78: {  	_ =	shalt  }
0x79: {  	_ =	shalt  }
0x7a: {  	_ =	shalt  }
0x7b: {  	_ =	shalt  }
0x7c: {  	_ =	shalt  }
0x7d: {  	_ =	shalt  }
0x7e: {  	_ =	shalt  }
0x7f: {  	_ =	shalt  }
0x80: {  	_ =	shalt  }
0x81: {  	_ =	shalt  }
0x82: {  	_ =	shalt  }
0x83: {  	_ =	shalt  }
0x84: {  	_ =	shalt  }
0x85: {  	_ =	shalt  }
0x86: {  	_ =	shalt  }
0x87: {  	_ =	shalt  }
.Lfunc_end0:
.L_simem_size_0:
called_computation_lowered:
.L_overlay_start_0:
0x88: {  	s2 =	sld [smem:$0x3FD9]  }
0x89: {  	s3 =	sld [smem:$0x3FFE];
	_ =	sdelay $0x1  }
0x8a: {  	s1 =	srdreg.scid  }
0x8b: {  	s0 =	sand.u32 $0x1, s1  }
0x8c: {  	s18 =	sshll.u32 s0, $0xA;
	s2 =	sadd.s32 s3, s2  }
0x8d: {  	s2 =	sadd.s32 s2, s18  }
0x8e: {  	[smem:$0x3FC4] =	sst s2  }
0x8f: {  	_ = 	snop  }
0x90: {  	s2 =	sld [smem:$0x3FC9]  }
0x91: {  	s19 =	sld [smem:$0x3FC8]  }
0x92: {  	s4 =	sld [smem:$0x3FC7]  }
0x93: {  	s5 =	sld [smem:$0x3FC6]  }
0x94: {  	s6 =	sld [smem:$0x3FD0];
	(tm) =	ssettm $0x1  }
0x95: {  	s7 =	sld [smem:$0x3FFB];
	_ =	sdelay $0x3  }
0x96: {  	_ =	strace s7  }
0x97: {  	s7 =	sld [smem:$0x3FFC];
	_ =	sdelay $0x3  }
0x98: {  	_ =	strace s7  }
0x99: {  	s7 =	sld [smem:$0x3FFD];
	_ =	sdelay $0x3  }
0x9a: {  	_ =	strace s7  }
0x9b: {  	_ =	strace $0x8FFFFFFF  }
0x9c: {  	s20 =	sld [smem:$0x3FDB];
	_ =	sdelay $0x1  }
0x9d: {  	s8 =	simm.s32 $_scs_section_size  }
0x9e: {  	s9 =	simm.s32 $_size__tile_overlayer_lowered;
	s10 =	simm.s32 $_tile_overlayer_lowered  }
0x9f: {  	s23 =	simm.s32 $0x1BFF;
	s22 =	sshll.u32 s10, $0x1;
	s7 =	sadd.s32 s8, s20  }
0xa0: {  	s11 =	simm.s32 $0x0;
	s21 =	sshll.u32 s9, $0x1;
	s9 =	sadd.s32 s22, s7  }
0xa1: {  	[timem:s11], [sflag:s23] =	dma.local [hbm:s9], s21  }
0xa2: {  	_ =	swait.ge [sflag:s23], s21  }
0xa3: {  	s8 =	ssub.s32 $0x0, s21;
	[sflag:s23] =	ssyncset.done $0x0  }
0xa4: {  	[sflag:s23] =	ssyncadd.s32 s8;
	_ =	sdelay $0x1  }
0xa5: {  	s24 =	simm.s32 $0x1B8B  }
0xa6: {  	_ =	swait.ge [sflag:s24], $0x1  }
0xa7: {  	[sflag:s24] =	ssyncset.done $0x0  }
0xa8: {  	s25 =	simm.s32 $0x1B8E;
	[sflag:s24] =	ssyncadd.s32 $0xFFFFFFFF  }
0xa9: {  	s26 =	simm.s32 $execute0_lowered;
	[smem:$0x3FD2] =	sst s25  }
0xaa: {  	s8 =	sshll.u32 s26, $0x1;
	_ =	strace $0x80000046;
	[dreg:$0x1] =	wrdreg $0xFFFFFFFF  }
0xab: {  	s28 =	simm.s32 $_size_execute0_lowered;
	s7 =	sadd.s32 s7, s8;
	[dreg:$0x0] =	wrdreg $0x0  }
0xac: {  	s8 =	sshll.u32 s28, $0x1;
	[dreg:$0x2] =	wrdreg s7  }
0xad: {  	[dreg:$0x3] =	wrdreg s8  }
0xae: {  	[dreg:$0x4] =	wrdreg $0xC0  }
0xaf: {  	_ =	task [dreg:s11], $0x5FFFF  }
0xb0: {  	[dreg:$0x1] =	wrdreg $0xFFFFFFFF  }
0xb1: {  	[dreg:$0x0] =	wrdreg $0x60  }
0xb2: {  	[dreg:$0x2] =	wrdreg s4  }
0xb3: {  	[dreg:$0x3] =	wrdreg s5  }
0xb4: {  	[dreg:$0x4] =	wrdreg s2  }
0xb5: {  	[dreg:$0x5] =	wrdreg s19  }
0xb6: {  	[dreg:$0x6] =	wrdreg s6  }
0xb7: {  	[dreg:$0x7] =	wrdreg $0x9  }
0xb8: {  	_ =	task.clear_ibuf [dreg:s11], $0x8FFFF;
	_ =	strace $0x90000046  }
0xb9: {  	s29 =	simm.s32 $0x9;
	_ =	strace $0x80000048  }
0xba: {  	_ =	swait.ge [sflag:s29], $0x1  }
0xbb: {  	[sflag:s29] =	ssyncadd.s32 $0xFFFFFFFF  }
0xbc: {  	_ =	strace $0x90000048  }
0xbd: {  	_ =	sfence  }
0xbe: {  	s30 =	sld [smem:$0x0];
	_ =	sdelay $0x2  }
0xbf: {  	s31 =	sshll.u32 s1, $0xD;
	s1 =	sshrl.u32 s1, $0x2  }
0xc0: {  	s3 =	sand.u32 $0x4000, s31;
	s1 =	sadd.s32 s1, s30  }
0xc1: {  	s0 =	sor.u32 s3, s0;
	s1 =	sshll.u32 s1, $0x11  }
0xc2: {  	s0 =	sor.u32 s1, s0  }
0xc3: {  	s0 =	sadd.s32 $0x8F2B, s0  }
0xc4: {  	[sflag:s0] =	ssyncadd.remote.s32 $0x1  }
0xc5: {  	_ =	sfence.sel $0xFFFF  }
0xc6: {  	[dreg:$0x0] =	wrdreg $0xFFFFFFFF;
	(pc) =	sbr.abs _section_cstart, $3  }
0xc7: {  	[dreg:$0x1] =	wrdreg $0xFFFFFFFF  }
0xc8: {  	_ =	task.clear_ibuf [dreg:s11], $0x2FFFF;
	_ =	strace $0x9FFFFFFF  }
0xc9: {  	(tm) =	ssettm $0x7FFFFFFF  }
tec
execute0_lowered:
.L_overlay_start_1:
0x0: {  	(tag) =	ssettag $0x1  }
0x1: {  	s1 =	rddreg [dreg:$0x0]  }
0x2: {  	s2 =	rddreg [dreg:$0x1]  }
0x3: {  	s0 =	rddreg [dreg:$0x2]  }
0x4: {  	s3 =	rddreg [dreg:$0x3]  }
0x5: {  	s5 =	rddreg [dreg:$0x4];
	s6 =	srdreg.scid;
	s4 =	simm.s32 $0x0  }
0x6: {  	s8 =	stileid.u32;
	s19 =	simm.s32 $0x80;
	s25 =	simm.s32 $0x3  }
0x7: {  	s28 =	simm.s32 $0x8400;
	s29 =	simm.s32 $0x1;
	s30 =	simm.s32 $0x4400  }
0x8: {  	s31 =	simm.s32 $0xC400;
	s18 =	simm.s32 $0x4;
	s6 =	sand.u32 $0x1, s6  }
0x9: {  	s20 =	simm.s32 $0x0;
	s8 =	sshll.u32 s8, $0x7;
	s7 =	ssub.s32 $0x2, s6  }
0xa: {  	[smem:$0x7FF] =	sst s4;
	s6 =	sshll.u32 s6, $0x6;
	s9 =	sshrl.u32 s7, $0x1  }
0xb: {  	_ =	strace $0x80000047;
	s13 =	sor.u32 s6, s8;
	s17 =	ssub.s32 s7, s9  }
0xc: {  	s14 =	sor.u32 $0x10, s13;
	s6 =	sadd.s32 s0, s13;
	s26 =	sadd.s32 s3, s13  }
0xd: {  	s15 =	sor.u32 $0x20, s13;
	s16 =	sor.u32 $0x30, s13;
	[dreg:$0x6] =	wrdreg s6  }
0xe: {  	s13 =	sadd.s32 s5, s13;
	[dreg:$0x7] =	wrdreg s26;
	s7 =	sadd.s32 s0, s14  }
0xf: {  	s8 =	sadd.s32 s3, s14;
	s9 =	sadd.s32 s0, s15;
	s10 =	sadd.s32 s3, s15  }
0x10: {  	s11 =	sadd.s32 s0, s16;
	s12 =	sadd.s32 s3, s16;
	s14 =	sadd.s32 s5, s14  }
0x11: {  	v0 =	vlaneseq.u32;
	s15 =	sadd.s32 s5, s15;
	s16 =	sadd.s32 s5, s16;
	s17 =	smax.u32 s17, $0x1  }
0x12: {  	v0 =	vmul.u32 $0x11, v0;
	s26 =	simm.s32 $0x100;
	s0 =	simm.s32 $0x10600;
	s3 =	simm.s32 $0x2  }
.LBB2_1:
0x13: {  	s5 =	rddreg [dreg:$0x6]  }
0x14: {  	[tilespmem:s4], [sflag:$0x3] =	stream.linear.gather [hbm4b:s5+s4], $0x80, $0x38;
	[tilespmem:$0x10E80] =	vst v63  }
0x15: {  	s23 =	rddreg [dreg:$0x7];
	s6 =	simm.s32 $0x200  }
0x16: {  	[tilespmem:s6], [sflag:$0x3] =	stream.linear.gather [hbm4b:s23+s4], $0x80, $0x38;
	[tilespmem:$0x10E80] =	vst v63  }
0x17: {  	_ = 	snop  }
0x18: {  	[tilespmem:s19], [sflag:$0x3] =	stream.linear.gather [hbm4b:s7+s4], $0x80, $0x38;
	[tilespmem:$0x10E80] =	vst v63  }
0x19: {  	s5 =	simm.s32 $0x280  }
0x1a: {  	[tilespmem:s5], [sflag:$0x3] =	stream.linear.gather [hbm4b:s8+s4], $0x80, $0x38;
	[tilespmem:$0x10E80] =	vst v63  }
0x1b: {  	_ = 	snop  }
0x1c: {  	[tilespmem:s26], [sflag:$0x3] =	stream.linear.gather [hbm4b:s9+s4], $0x80, $0x38;
	[tilespmem:$0x10E80] =	vst v63  }
0x1d: {  	s21 =	simm.s32 $0x300  }
0x1e: {  	[tilespmem:s21], [sflag:$0x3] =	stream.linear.gather [hbm4b:s10+s4], $0x80, $0x38;
	[tilespmem:$0x10E80] =	vst v63  }
0x1f: {  	s24 =	simm.s32 $0x180  }
0x20: {  	[tilespmem:s24], [sflag:$0x3] =	stream.linear.gather [hbm4b:s11+s4], $0x80, $0x38;
	[tilespmem:$0x10E80] =	vst v63  }
0x21: {  	s22 =	simm.s32 $0x380  }
0x22: {  	[tilespmem:s22], [sflag:$0x3] =	stream.linear.gather [hbm4b:s12+s4], $0x80, $0x38;
	[tilespmem:$0x10E80] =	vst v63  }
0x23: {  	_ =	swait.ge [sflag:s25], $0x80  }
0x24: {  	[sflag:s25] =	ssyncset.done $0x0  }
0x25: {  	[sflag:s25] =	ssyncadd.s32 $0xFFFFFF80  }
0x26: {  	_ =	swait.ge [sflag:s25], $0x80  }
0x27: {  	[sflag:s25] =	ssyncset.done $0x0  }
0x28: {  	s23 =	simm.s32 $0x400;
	[sflag:s25] =	ssyncadd.s32 $0xFFFFFF80  }
0x29: {  	[tilespmem:s23], [sflag:$0x1] =	stream.indirect.gather [hbm4b:s1+s19], $0x80, s4, s19, $0xb8;
	[tilespmem:$0x10E80] =	vst v63  }
0x2a: {  	_ = 	snop  }
0x2b: {  	[tilespmem:s28], [sflag:$0x1] =	stream.indirect.gather [hbm4b:s2+s19], $0x80, s6, s19, $0xb8;
	[tilespmem:$0x10E80] =	vst v63  }
0x2c: {  	_ =	swait.ge [sflag:s29], $0x4000  }
0x2d: {  	[sflag:s29] =	ssyncset.done $0x0  }
0x2e: {  	[sflag:s29] =	ssyncadd.s32 $0xFFFFC000  }
0x2f: {  	_ =	swait.ge [sflag:s29], $0x4000  }
0x30: {  	[sflag:s29] =	ssyncset.done $0x0  }
0x31: {  	[sflag:s29] =	ssyncadd.s32 $0xFFFFC000  }
0x32: {  	_ =	swait.ge [sflag:s25], $0x80  }
0x33: {  	[sflag:s25] =	ssyncset.done $0x0  }
0x34: {  	[sflag:s25] =	ssyncadd.s32 $0xFFFFFF80  }
0x35: {  	_ =	swait.ge [sflag:s25], $0x80  }
0x36: {  	[sflag:s25] =	ssyncset.done $0x0  }
0x37: {  	[sflag:s25] =	ssyncadd.s32 $0xFFFFFF80  }
0x38: {  	[tilespmem:s30], [sflag:$0x2] =	stream.indirect.gather [hbm4b:s1+s19], $0x80, s19, s19, $0xb8;
	[tilespmem:$0x10E80] =	vst v63  }
0x39: {  	s24 =	simm.s32 $0x440  }
0x3a: {  	[tilespmem:s31], [sflag:$0x2] =	stream.indirect.gather [hbm4b:s2+s19], $0x80, s5, s19, $0xb8;
	[tilespmem:$0x10E80] =	vst v63  }
0x3b: {  	s21 =	simm.s32 $0x8440;
	v6 =	vld [tilespmem:s24+$0xFFFFFFC0]  }
0x3c: {  	v1 =	vld [tilespmem:s21+$0xFFFFFFC0]  }
0x3d: {  	v2 =	vld [tilespmem:s24+$0xFFFFFFD0]  }
0x3e: {  	v3 =	vld [tilespmem:s21+$0xFFFFFFD0]  }
0x3f: {  	v4 =	vld [tilespmem:s24+$0xFFFFFFE0]  }
0x40: {  	v5 =	vld [tilespmem:s21+$0xFFFFFFE0]  }
0x41: {  	v7 =	vld [tilespmem:s24+$0xFFFFFFF0]  }
0x42: {  	v8 =	vld [tilespmem:s21+$0xFFFFFFF0]  }
0x43: {  	v9 =	vld [tilespmem:s24+$0x0]  }
0x44: {  	v10 =	vld [tilespmem:s21+$0x0]  }
0x45: {  	v11 =	vld [tilespmem:s24+$0x10]  }
0x46: {  	v13 =	vld [tilespmem:s21+$0x10]  }
0x47: {  	v12 =	vld [tilespmem:s24+$0x20]  }
0x48: {  	v14 =	vld [tilespmem:s21+$0x20]  }
0x49: {  	v15 =	vld [tilespmem:s24+$0x30]  }
0x4a: {  	s22 =	simm.s32 $0x0;
	s23 =	simm.s32 $0x1;
	s5 =	simm.s32 $0x4C0;
	v16 =	vld [tilespmem:s21+$0x30]  }
.LBB2_2:
0x4b: {  	v17 =	vld [tilespmem:s5+$0xFFFFFFC0];
	p0 =	sne.s32 s23, $0x7F;
	s21 =	sadd.s32 $0x80, s21  }
0x4c: {  	v6 =	vmul.f32 v1, v6;
	v18 =	vmul.f32 v3, v2;
	v1 =	vld [tilespmem:s21+$0xFFFFFFC0]  }
0x4d: {  	v19 =	vmul.f32 v5, v4;
	v7 =	vmul.f32 v8, v7;
	v2 =	vld [tilespmem:s5+$0xFFFFFFD0]  }
0x4e: {  	v8 =	vmul.f32 v10, v9;
	v9 =	vmul.f32 v13, v11;
	s24 =	sshrl.u32 s22, $0x4;
	v3 =	vld [tilespmem:s21+$0xFFFFFFD0]  }
0x4f: {  	s24 =	smul.u32 $0x110, s24;
	v10 =	vmul.f32 v14, v12;
	v4 =	vld [tilespmem:s5+$0xFFFFFFE0];
	v11 =	vmul.f32 v16, v15  }
0x50: {  	s6 =	sand.u32 $0xF, s22;
	s22 =	smov.u32 s23;
	v12 =	vadd.f32 v18, v6;
	v13 =	vadd.f32 v7, v19;
	v5 =	vld [tilespmem:s21+$0xFFFFFFE0];
	v6 =	vmov v17  }
0x51: {  	v14 =	vadd.f32 v9, v8;
	s6 =	sor.u32 s6, s24;
	v7 =	vld [tilespmem:s5+$0xFFFFFFF0];
	v10 =	vadd.f32 v11, v10  }
0x52: {  	v15 =	vadd.s32 s6, v0;
	v8 =	vld [tilespmem:s21+$0xFFFFFFF0]  }
0x53: {  	v12 =	vadd.f32 v13, v12;
	v9 =	vld [tilespmem:s5+$0x0];
	v13 =	vadd.f32 v10, v14  }
0x54: {  	v10 =	vld [tilespmem:s21+$0x0]  }
0x55: {  	v11 =	vld [tilespmem:s5+$0x10];
	v14 =	vadd.f32 v13, v12  }
.Ltmp0:
0x56: {  	v13 =	vld [tilespmem:s21+$0x10];
	(pc) =	sbr.rel @p0 .LBB2_2-.Ltmp0, $4  }
0x57: {  	v12 =	vld [tilespmem:s5+$0x20];
	[tilespmem:v15+s0+$0x0] =	vst.idx.msk $0xffff, v14  }
0x58: {  	v14 =	vld [tilespmem:s21+$0x20]  }
0x59: {  	v15 =	vld [tilespmem:s5+$0x30]  }
0x5a: {  	s23 =	sadd.s32 $0x1, s23;
	s5 =	sadd.s32 $0x80, s5;
	v16 =	vld [tilespmem:s21+$0x30]  }
0x5b: {  	_ = 	snop  }
0x5c: {  	v1 =	vmul.f32 v1, v6;
	v2 =	vmul.f32 v3, v2  }
0x5d: {  	v3 =	vmul.f32 v5, v4;
	v4 =	vmul.f32 v8, v7  }
0x5e: {  	v5 =	vmul.f32 v10, v9;
	v6 =	vmul.f32 v13, v11;
	s5 =	sshrl.u32 s22, $0x4  }
0x5f: {  	s5 =	smul.u32 $0x110, s5;
	v7 =	vmul.f32 v14, v12;
	v8 =	vmul.f32 v16, v15  }
0x60: {  	s6 =	sand.u32 $0xF, s22;
	v1 =	vadd.f32 v2, v1;
	v2 =	vadd.f32 v4, v3  }
0x61: {  	v3 =	vadd.f32 v6, v5;
	s5 =	sor.u32 s6, s5;
	v4 =	vadd.f32 v8, v7  }
0x62: {  	v5 =	vadd.s32 s5, v0  }
0x63: {  	v1 =	vadd.f32 v2, v1;
	v2 =	vadd.f32 v4, v3;
	_ =	sdelay $0x1  }
0x64: {  	v1 =	vadd.f32 v2, v1;
	_ =	sdelay $0x1  }
0x65: {  	s22 =	simm.s32 $0x10688;
	[tilespmem:v5+s0+$0x0] =	vst.idx.msk $0xffff, v1  }
0x66: {  	v1 =	vld [tilespmem:s22+$0xFFFFFF78]  }
0x67: {  	v2 =	vld [tilespmem:s22+$0xFFFFFF89]  }
0x68: {  	v3 =	vld [tilespmem:s22+$0xFFFFFF9A]  }
0x69: {  	v4 =	vld [tilespmem:s22+$0xFFFFFFAB]  }
0x6a: {  	v5 =	vld [tilespmem:s22+$0xFFFFFFBC]  }
0x6b: {  	v6 =	vld [tilespmem:s22+$0xFFFFFFCD]  }
0x6c: {  	v7 =	vld [tilespmem:s22+$0xFFFFFFDE]  }
0x6d: {  	v8 =	vld [tilespmem:s22+$0xFFFFFFEF]  }
0x6e: {  	v9 =	vld [tilespmem:s22+$0x0]  }
0x6f: {  	v10 =	vld [tilespmem:s22+$0x11]  }
0x70: {  	v11 =	vld [tilespmem:s22+$0x22]  }
0x71: {  	v12 =	vld [tilespmem:s22+$0x33]  }
0x72: {  	v13 =	vld [tilespmem:s22+$0x44]  }
0x73: {  	v14 =	vld [tilespmem:s22+$0x55]  }
0x74: {  	v15 =	vld [tilespmem:s22+$0x66]  }
0x75: {  	s23 =	simm.s32 $0x10798;
	v16 =	vld [tilespmem:s22+$0x77]  }
0x76: {  	v17 =	vld [tilespmem:s23+$0xFFFFFF78]  }
0x77: {  	v18 =	vld [tilespmem:s23+$0xFFFFFF89];
	v1 =	vadd.f32 v2, v1;
	v2 =	vadd.f32 v4, v3  }
0x78: {  	v19 =	vld [tilespmem:s23+$0xFFFFFF9A];
	v4 =	vadd.f32 v6, v5;
	v5 =	vadd.f32 v8, v7  }
0x79: {  	v20 =	vld [tilespmem:s23+$0xFFFFFFAB];
	v7 =	vadd.f32 v10, v9;
	v8 =	vadd.f32 v12, v11  }
0x7a: {  	v3 =	vld [tilespmem:s23+$0xFFFFFFBC];
	v10 =	vadd.f32 v14, v13;
	v11 =	vadd.f32 v16, v15  }
0x7b: {  	v6 =	vld [tilespmem:s23+$0xFFFFFFCD];
	v1 =	vadd.f32 v2, v1;
	v2 =	vadd.f32 v5, v4  }
0x7c: {  	v9 =	vld [tilespmem:s23+$0xFFFFFFDE];
	v5 =	vadd.f32 v8, v7;
	v7 =	vadd.f32 v11, v10  }
0x7d: {  	v12 =	vld [tilespmem:s23+$0xFFFFFFEF]  }
0x7e: {  	v13 =	vld [tilespmem:s23+$0x55];
	v1 =	vadd.f32 v2, v1;
	v2 =	vadd.f32 v7, v5  }
0x7f: {  	v14 =	vld [tilespmem:s23+$0x66]  }
0x80: {  	v15 =	vld [tilespmem:s23+$0x77];
	v1 =	vadd.f32 v2, v1  }
0x81: {  	v4 =	vld [tilespmem:s23+$0x0]  }
0x82: {  	v8 =	vld [tilespmem:s23+$0x11];
	v1 =	vsub.f32 $0.0e+00, v1  }
0x83: {  	v10 =	vld [tilespmem:s23+$0x22]  }
0x84: {  	v7 =	vld [tilespmem:s23+$0x33];
	v16 =	vmul.f32 $1.442695020e+00, v1  }
0x85: {  	s24 =	simm.s32 $0x108A8;
	v11 =	vld [tilespmem:s23+$0x44]  }
0x86: {  	v5 =	vld [tilespmem:s24+$0xFFFFFF78];
	(erf) = vpow2.f32 v16  }
0x87: {  	v17 =	vadd.f32 v18, v17;
	v18 =	vadd.f32 v20, v19;
	v2 =	vld [tilespmem:s24+$0xFFFFFF9A]  }
0x88: {  	v9 =	vadd.f32 v12, v9;
	v8 =	vadd.f32 v8, v4;
	v4 =	vld [tilespmem:s24+$0xFFFFFFBC]  }
0x89: {  	v12 =	vadd.f32 v15, v14;
	v10 =	vadd.f32 v7, v10;
	v7 =	vld [tilespmem:s24+$0xFFFFFFDE]  }
0x8a: {  	v11 =	vadd.f32 v13, v11;
	v1 =	vld [tilespmem:s24+$0xFFFFFF89];
	v16 =	vadd.f32 v6, v3  }
0x8b: {  	v13 =	vadd.f32 v18, v17;
	v10 =	vadd.f32 v10, v8;
	v8 =	vld [tilespmem:s24+$0x0]  }
0x8c: {  	v11 =	vadd.f32 v12, v11;
	v3 =	vld [tilespmem:s24+$0xFFFFFFAB];
	v14 =	vadd.f32 v9, v16  }
0x8d: {  	v6 =	vld [tilespmem:s24+$0xFFFFFFCD]  }
0x8e: {  	v9 =	vld [tilespmem:s24+$0xFFFFFFEF];
	v12 =	vadd.f32 v14, v13;
	v13 =	vadd.f32 v11, v10  }
0x8f: {  	v10 =	vld [tilespmem:s24+$0x11];
	v15 =	vpop (erf)  }
0x90: {  	v11 =	vld [tilespmem:s24+$0x22];
	v14 =	vadd.f32 v13, v12;
	v16 =	vadd.f32 $1.000000000e+00, v15  }
0x91: {  	v12 =	vld [tilespmem:s24+$0x33]  }
0x92: {  	v13 =	vld [tilespmem:s24+$0x44];
	v17 =	vsub.f32 $0.0e+00, v14;
	(erf) = vrcp.f32 v16  }
0x93: {  	v14 =	vld [tilespmem:s24+$0x55]  }
0x94: {  	s21 =	simm.s32 $0x40;
	s5 =	simm.s32 $0xC0;
	v15 =	vld [tilespmem:s24+$0x66];
	v17 =	vmul.f32 $1.442695020e+00, v17  }
0x95: {  	s22 =	simm.s32 $0x0;
	s23 =	simm.s32 $0x80;
	v16 =	vld [tilespmem:s24+$0x77];
	s24 =	simm.s32 $0x109B8  }
.LBB2_4:
0x96: {  	v18 =	vld [tilespmem:s24+$0xFFFFFF78];
	p0 =	sne.s32 s5, $0x1C0;
	(erf) = vpow2.f32 v17  }
0x97: {  	v5 =	vadd.f32 v1, v5;
	v17 =	vadd.f32 v3, v2;
	v1 =	vld [tilespmem:s24+$0xFFFFFF89]  }
0x98: {  	v19 =	vadd.f32 v6, v4;
	v7 =	vadd.f32 v9, v7;
	v2 =	vld [tilespmem:s24+$0xFFFFFF9A]  }
0x99: {  	v8 =	vadd.f32 v10, v8;
	v9 =	vadd.f32 v12, v11;
	v3 =	vld [tilespmem:s24+$0xFFFFFFAB]  }
0x9a: {  	v10 =	vadd.f32 v14, v13;
	v4 =	vld [tilespmem:s24+$0xFFFFFFBC];
	v11 =	vadd.f32 v16, v15  }
0x9b: {  	s6 =	sshra.s32 s22, $0x2;
	s22 =	smov.u32 s21;
	s21 =	smov.u32 s23;
	v12 =	vadd.f32 v17, v5;
	v13 =	vadd.f32 v7, v19;
	v6 =	vld [tilespmem:s24+$0xFFFFFFCD];
	v14 =	vpop (erf);
	v5 =	vmov v18  }
0x9c: {  	s23 =	smov.u32 s5;
	v15 =	vadd.f32 v9, v8;
	v7 =	vld [tilespmem:s24+$0xFFFFFFDE];
	v10 =	vadd.f32 v11, v10;
	[tilespmem:s6+$0x10400] =	vst v14  }
0x9d: {  	v9 =	vld [tilespmem:s24+$0xFFFFFFEF]  }
0x9e: {  	v12 =	vadd.f32 v13, v12;
	v8 =	vld [tilespmem:s24+$0x0];
	v13 =	vadd.f32 v10, v15  }
0x9f: {  	v10 =	vld [tilespmem:s24+$0x11];
	v14 =	vpop (erf)  }
0xa0: {  	v11 =	vld [tilespmem:s24+$0x22];
	v15 =	vadd.f32 v13, v12;
	v14 =	vadd.f32 $1.000000000e+00, v14  }
.Ltmp1:
0xa1: {  	v12 =	vld [tilespmem:s24+$0x33];
	(pc) =	sbr.rel @p0 .LBB2_4-.Ltmp1, $4  }
0xa2: {  	v13 =	vld [tilespmem:s24+$0x44];
	v16 =	vsub.f32 $0.0e+00, v15;
	(erf) = vrcp.f32 v14  }
0xa3: {  	v14 =	vld [tilespmem:s24+$0x55]  }
0xa4: {  	v15 =	vld [tilespmem:s24+$0x66];
	v17 =	vmul.f32 $1.442695020e+00, v16  }
0xa5: {  	s5 =	sadd.s32 $0x40, s5;
	v16 =	vld [tilespmem:s24+$0x77];
	s24 =	sadd.s32 $0x110, s24  }
0xa6: {  	_ = 	snop  }
0xa7: {  	v1 =	vadd.f32 v1, v5;
	v2 =	vadd.f32 v3, v2  }
0xa8: {  	v3 =	vadd.f32 v6, v4;
	v4 =	vadd.f32 v9, v7  }
0xa9: {  	v5 =	vadd.f32 v10, v8;
	v6 =	vadd.f32 v12, v11  }
0xaa: {  	(erf) = vpow2.f32 v17;
	v7 =	vadd.f32 v14, v13;
	v8 =	vadd.f32 v16, v15  }
0xab: {  	v1 =	vadd.f32 v2, v1;
	v2 =	vadd.f32 v4, v3  }
0xac: {  	v3 =	vadd.f32 v6, v5;
	v4 =	vadd.f32 v8, v7;
	_ =	sdelay $0x1  }
0xad: {  	v1 =	vadd.f32 v2, v1;
	v2 =	vadd.f32 v4, v3;
	_ =	sdelay $0x2  }
0xae: {  	v1 =	vadd.f32 v2, v1  }
0xaf: {  	v2 =	vpop (erf)  }
0xb0: {  	v1 =	vsub.f32 $0.0e+00, v1;
	v3 =	vpop (erf)  }
0xb1: {  	v3 =	vadd.f32 $1.000000000e+00, v3  }
0xb2: {  	v1 =	vmul.f32 $1.442695020e+00, v1  }
0xb3: {  	(erf) = vrcp.f32 v3  }
0xb4: {  	(erf) = vpow2.f32 v1;
	_ =	sdelay $0x7  }
0xb5: {  	v1 =	vpop (erf)  }
0xb6: {  	v3 =	vpop (erf)  }
0xb7: {  	v3 =	vadd.f32 $1.000000000e+00, v3;
	_ =	sdelay $0x1  }
0xb8: {  	(erf) = vrcp.f32 v3;
	_ =	sdelay $0x6  }
0xb9: {  	s5 =	sshra.s32 s22, $0x2  }
0xba: {  	s22 =	sshra.s32 s21, $0x2;
	[tilespmem:s5+$0x10400] =	vst v2  }
0xbb: {  	s24 =	sshra.s32 s23, $0x2;
	[tilespmem:s22+$0x10400] =	vst v1;
	v1 =	vpop (erf)  }
0xbc: {  	s21 =	simm.s32 $0x0;
	s6 =	simm.s32 $0x10400;
	[tilespmem:s24+$0x10400] =	vst v1  }
0xbd: {  	[hbm4b:s13+s21] =	stream.linear.scatter [tilespmem:s6], [sflag:$0x4], $0x80, $0x38;
	[tilespmem:$0x10E80] =	vst v63  }
0xbe: {  	_ =	swait.ge [sflag:s3], $0x4000  }
0xbf: {  	[sflag:s3] =	ssyncset.done $0x0  }
0xc0: {  	[sflag:s3] =	ssyncadd.s32 $0xFFFFC000  }
0xc1: {  	_ =	swait.ge [sflag:s3], $0x4000  }
0xc2: {  	[sflag:s3] =	ssyncset.done $0x0  }
0xc3: {  	[sflag:s3] =	ssyncadd.s32 $0xFFFFC000  }
0xc4: {  	_ =	swait.ge [sflag:s25], $0x80  }
0xc5: {  	[sflag:s25] =	ssyncset.done $0x0  }
0xc6: {  	[sflag:s25] =	ssyncadd.s32 $0xFFFFFF80  }
0xc7: {  	_ =	swait.ge [sflag:s25], $0x80  }
0xc8: {  	[sflag:s25] =	ssyncset.done $0x0  }
0xc9: {  	s22 =	simm.s32 $0x400;
	[sflag:s25] =	ssyncadd.s32 $0xFFFFFF80  }
0xca: {  	[tilespmem:s22], [sflag:$0x1] =	stream.indirect.gather [hbm4b:s1+s19], $0x80, s26, s19, $0xb8;
	[tilespmem:$0x10E80] =	vst v63  }
0xcb: {  	s23 =	simm.s32 $0x300;
	s24 =	simm.s32 $0x0  }
0xcc: {  	[tilespmem:s28], [sflag:$0x1] =	stream.indirect.gather [hbm4b:s2+s19], $0x80, s23, s19, $0xb8;
	[tilespmem:$0x10E80] =	vst v63  }
0xcd: {  	v3 =	vld [tilespmem:s24+$0x4400]  }
0xce: {  	v4 =	vld [tilespmem:s24+$0xC400]  }
0xcf: {  	v6 =	vld [tilespmem:s24+$0x4410]  }
0xd0: {  	v7 =	vld [tilespmem:s24+$0xC410]  }
0xd1: {  	v8 =	vld [tilespmem:s24+$0x4420]  }
0xd2: {  	v9 =	vld [tilespmem:s24+$0xC420]  }
0xd3: {  	v10 =	vld [tilespmem:s24+$0x4430]  }
0xd4: {  	v11 =	vld [tilespmem:s24+$0xC430]  }
0xd5: {  	v12 =	vld [tilespmem:s24+$0x4440]  }
0xd6: {  	v13 =	vld [tilespmem:s24+$0xC440]  }
0xd7: {  	v14 =	vld [tilespmem:s24+$0x4450]  }
0xd8: {  	v15 =	vld [tilespmem:s24+$0xC450]  }
0xd9: {  	v16 =	vld [tilespmem:s24+$0x4460]  }
0xda: {  	v17 =	vld [tilespmem:s24+$0xC460]  }
0xdb: {  	v18 =	vld [tilespmem:s24+$0x4470]  }
0xdc: {  	s22 =	simm.s32 $0x80;
	v19 =	vld [tilespmem:s24+$0xC470]  }
0xdd: {  	v5 =	vld [tilespmem:s22+$0x4400]  }
0xde: {  	v1 =	vld [tilespmem:s22+$0xC400]  }
0xdf: {  	v2 =	vld [tilespmem:s22+$0x4410]  }
0xe0: {  	v20 =	vmul.f32 v4, v3;
	v21 =	vmul.f32 v7, v6;
	v3 =	vld [tilespmem:s22+$0xC410]  }
0xe1: {  	v8 =	vmul.f32 v9, v8;
	v9 =	vmul.f32 v11, v10;
	v4 =	vld [tilespmem:s22+$0x4420]  }
0xe2: {  	s26 =	simm.s32 $0x0;
	v10 =	vmul.f32 v13, v12;
	v11 =	vmul.f32 v15, v14;
	v6 =	vld [tilespmem:s22+$0xC420]  }
0xe3: {  	s5 =	smul.u32 $0x110, s26;
	v12 =	vmul.f32 v17, v16;
	v13 =	vmul.f32 v19, v18;
	v7 =	vld [tilespmem:s22+$0x4430]  }
0xe4: {  	s6 =	sand.u32 $0xF, s21;
	v14 =	vadd.f32 v21, v20;
	v15 =	vadd.f32 v9, v8;
	v8 =	vld [tilespmem:s22+$0xC430]  }
0xe5: {  	s5 =	sor.u32 s6, s5;
	v11 =	vadd.f32 v11, v10;
	v12 =	vadd.f32 v13, v12;
	v9 =	vld [tilespmem:s22+$0x4440]  }
0xe6: {  	v16 =	vadd.s32 s5, v0;
	v10 =	vld [tilespmem:s22+$0xC440]  }
0xe7: {  	v13 =	vld [tilespmem:s22+$0xC450];
	v14 =	vadd.f32 v15, v14;
	v12 =	vadd.f32 v12, v11  }
0xe8: {  	v11 =	vld [tilespmem:s22+$0x4450]  }
0xe9: {  	v15 =	vadd.f32 v12, v14;
	v12 =	vld [tilespmem:s22+$0x4460]  }
0xea: {  	v14 =	vld [tilespmem:s22+$0xC460]  }
0xeb: {  	s23 =	simm.s32 $0x0;
	s5 =	simm.s32 $0x400;
	[tilespmem:v16+s0+$0x0] =	vst.idx.msk $0xffff, v15;
	v15 =	vld [tilespmem:s22+$0x4470]  }
.LBB2_6:
0xec: {  	p0 =	sne.s32 s5, $0xFE00;
	v16 =	vld [tilespmem:s22+$0xC470];
	s22 =	sshra.s32 s5, $0x2  }
0xed: {  	v17 =	vld [tilespmem:s22+$0x4400]  }
0xee: {  	v5 =	vmul.f32 v1, v5;
	v18 =	vmul.f32 v3, v2;
	v1 =	vld [tilespmem:s22+$0xC400]  }
0xef: {  	v19 =	vmul.f32 v6, v4;
	v7 =	vmul.f32 v8, v7;
	s23 =	sadd.s32 $0x1, s23;
	v2 =	vld [tilespmem:s22+$0x4410]  }
0xf0: {  	v8 =	vmul.f32 v10, v9;
	v9 =	vmul.f32 v13, v11;
	s6 =	sshrl.u32 s23, $0x4;
	v3 =	vld [tilespmem:s22+$0xC410]  }
0xf1: {  	s6 =	smul.u32 $0x110, s6;
	v10 =	vmul.f32 v14, v12;
	v4 =	vld [tilespmem:s22+$0x4420];
	v11 =	vmul.f32 v16, v15  }
0xf2: {  	s24 =	sand.u32 $0xF, s23;
	v13 =	vadd.f32 v7, v19;
	v12 =	vadd.f32 v18, v5;
	v6 =	vld [tilespmem:s22+$0xC420];
	v5 =	vmov v17  }
0xf3: {  	v14 =	vadd.f32 v9, v8;
	s6 =	sor.u32 s24, s6;
	v7 =	vld [tilespmem:s22+$0x4430];
	v10 =	vadd.f32 v11, v10  }
0xf4: {  	v15 =	vadd.s32 s6, v0;
	v8 =	vld [tilespmem:s22+$0xC430]  }
0xf5: {  	v12 =	vadd.f32 v13, v12;
	v9 =	vld [tilespmem:s22+$0x4440];
	v13 =	vadd.f32 v10, v14  }
0xf6: {  	v10 =	vld [tilespmem:s22+$0xC440]  }
.Ltmp2:
0xf7: {  	v11 =	vld [tilespmem:s22+$0x4450];
	v14 =	vadd.f32 v13, v12;
	(pc) =	sbr.rel @p0 .LBB2_6-.Ltmp2, $4  }
0xf8: {  	v13 =	vld [tilespmem:s22+$0xC450]  }
0xf9: {  	v12 =	vld [tilespmem:s22+$0x4460];
	[tilespmem:v15+s0+$0x0] =	vst.idx.msk $0xffff, v14  }
0xfa: {  	v14 =	vld [tilespmem:s22+$0xC460]  }
0xfb: {  	s5 =	sadd.s32 $0x200, s5;
	v15 =	vld [tilespmem:s22+$0x4470]  }
0xfc: {  	v16 =	vld [tilespmem:s22+$0xC470];
	_ =	sdelay $0x1  }
0xfd: {  	v1 =	vmul.f32 v1, v5;
	v2 =	vmul.f32 v3, v2  }
0xfe: {  	v3 =	vmul.f32 v6, v4;
	v4 =	vmul.f32 v8, v7;
	s5 =	sadd.s32 $0x1, s23  }
0xff: {  	v5 =	vmul.f32 v10, v9;
	v6 =	vmul.f32 v13, v11;
	s6 =	sshrl.u32 s5, $0x4  }
0x100: {  	s6 =	smul.u32 $0x110, s6;
	v7 =	vmul.f32 v14, v12;
	v8 =	vmul.f32 v16, v15  }
0x101: {  	s5 =	sand.u32 $0xF, s5;
	v1 =	vadd.f32 v2, v1;
	v2 =	vadd.f32 v4, v3  }
0x102: {  	v3 =	vadd.f32 v6, v5;
	s5 =	sor.u32 s5, s6;
	v4 =	vadd.f32 v8, v7  }
0x103: {  	v5 =	vadd.s32 s5, v0  }
0x104: {  	v1 =	vadd.f32 v2, v1;
	v2 =	vadd.f32 v4, v3;
	_ =	sdelay $0x1  }
0x105: {  	v1 =	vadd.f32 v2, v1;
	_ =	sdelay $0x1  }
0x106: {  	s23 =	simm.s32 $0x10688;
	[tilespmem:v5+s0+$0x0] =	vst.idx.msk $0xffff, v1  }
0x107: {  	v1 =	vld [tilespmem:s23+$0xFFFFFF78]  }
0x108: {  	v2 =	vld [tilespmem:s23+$0xFFFFFF89]  }
0x109: {  	v3 =	vld [tilespmem:s23+$0xFFFFFF9A]  }
0x10a: {  	v4 =	vld [tilespmem:s23+$0xFFFFFFAB]  }
0x10b: {  	v5 =	vld [tilespmem:s23+$0xFFFFFFBC]  }
0x10c: {  	v6 =	vld [tilespmem:s23+$0xFFFFFFCD]  }
0x10d: {  	v7 =	vld [tilespmem:s23+$0xFFFFFFDE]  }
0x10e: {  	v8 =	vld [tilespmem:s23+$0xFFFFFFEF]  }
0x10f: {  	v9 =	vld [tilespmem:s23+$0x0]  }
0x110: {  	v10 =	vld [tilespmem:s23+$0x11]  }
0x111: {  	v11 =	vld [tilespmem:s23+$0x22]  }
0x112: {  	v12 =	vld [tilespmem:s23+$0x33]  }
0x113: {  	v13 =	vld [tilespmem:s23+$0x44]  }
0x114: {  	v14 =	vld [tilespmem:s23+$0x55]  }
0x115: {  	v15 =	vld [tilespmem:s23+$0x66]  }
0x116: {  	s24 =	simm.s32 $0x10798;
	v16 =	vld [tilespmem:s23+$0x77]  }
0x117: {  	v17 =	vld [tilespmem:s24+$0xFFFFFF78]  }
0x118: {  	v18 =	vld [tilespmem:s24+$0xFFFFFF89];
	v1 =	vadd.f32 v2, v1;
	v2 =	vadd.f32 v4, v3  }
0x119: {  	v19 =	vld [tilespmem:s24+$0xFFFFFF9A];
	v4 =	vadd.f32 v6, v5;
	v5 =	vadd.f32 v8, v7  }
0x11a: {  	v20 =	vld [tilespmem:s24+$0xFFFFFFAB];
	v7 =	vadd.f32 v10, v9;
	v8 =	vadd.f32 v12, v11  }
0x11b: {  	v3 =	vld [tilespmem:s24+$0xFFFFFFBC];
	v10 =	vadd.f32 v14, v13;
	v11 =	vadd.f32 v16, v15  }
0x11c: {  	v6 =	vld [tilespmem:s24+$0xFFFFFFCD];
	v1 =	vadd.f32 v2, v1;
	v2 =	vadd.f32 v5, v4  }
0x11d: {  	v9 =	vld [tilespmem:s24+$0xFFFFFFDE];
	v5 =	vadd.f32 v8, v7;
	v7 =	vadd.f32 v11, v10  }
0x11e: {  	v12 =	vld [tilespmem:s24+$0xFFFFFFEF]  }
0x11f: {  	v13 =	vld [tilespmem:s24+$0x55];
	v1 =	vadd.f32 v2, v1;
	v2 =	vadd.f32 v7, v5  }
0x120: {  	v14 =	vld [tilespmem:s24+$0x66]  }
0x121: {  	v15 =	vld [tilespmem:s24+$0x77];
	v1 =	vadd.f32 v2, v1  }
0x122: {  	v4 =	vld [tilespmem:s24+$0x0]  }
0x123: {  	v8 =	vld [tilespmem:s24+$0x11];
	v1 =	vsub.f32 $0.0e+00, v1  }
0x124: {  	v10 =	vld [tilespmem:s24+$0x22]  }
0x125: {  	v7 =	vld [tilespmem:s24+$0x33];
	v16 =	vmul.f32 $1.442695020e+00, v1  }
0x126: {  	s26 =	simm.s32 $0x108A8;
	v11 =	vld [tilespmem:s24+$0x44]  }
0x127: {  	v5 =	vld [tilespmem:s26+$0xFFFFFF78];
	(erf) = vpow2.f32 v16  }
0x128: {  	v17 =	vadd.f32 v18, v17;
	v18 =	vadd.f32 v20, v19;
	v2 =	vld [tilespmem:s26+$0xFFFFFF9A]  }
0x129: {  	v9 =	vadd.f32 v12, v9;
	v8 =	vadd.f32 v8, v4;
	v4 =	vld [tilespmem:s26+$0xFFFFFFBC]  }
0x12a: {  	v12 =	vadd.f32 v15, v14;
	v10 =	vadd.f32 v7, v10;
	v7 =	vld [tilespmem:s26+$0xFFFFFFDE]  }
0x12b: {  	v11 =	vadd.f32 v13, v11;
	v1 =	vld [tilespmem:s26+$0xFFFFFF89];
	v16 =	vadd.f32 v6, v3  }
0x12c: {  	v13 =	vadd.f32 v18, v17;
	v10 =	vadd.f32 v10, v8;
	v8 =	vld [tilespmem:s26+$0x0]  }
0x12d: {  	v11 =	vadd.f32 v12, v11;
	v3 =	vld [tilespmem:s26+$0xFFFFFFAB];
	v14 =	vadd.f32 v9, v16  }
0x12e: {  	v6 =	vld [tilespmem:s26+$0xFFFFFFCD]  }
0x12f: {  	v9 =	vld [tilespmem:s26+$0xFFFFFFEF];
	v12 =	vadd.f32 v14, v13;
	v13 =	vadd.f32 v11, v10  }
0x130: {  	v10 =	vld [tilespmem:s26+$0x11];
	v15 =	vpop (erf)  }
0x131: {  	v11 =	vld [tilespmem:s26+$0x22];
	v14 =	vadd.f32 v13, v12;
	v16 =	vadd.f32 $1.000000000e+00, v15  }
0x132: {  	v12 =	vld [tilespmem:s26+$0x33]  }
0x133: {  	v13 =	vld [tilespmem:s26+$0x44];
	v17 =	vsub.f32 $0.0e+00, v14;
	(erf) = vrcp.f32 v16  }
0x134: {  	v14 =	vld [tilespmem:s26+$0x55]  }
0x135: {  	s22 =	simm.s32 $0x40;
	v15 =	vld [tilespmem:s26+$0x66];
	v17 =	vmul.f32 $1.442695020e+00, v17  }
0x136: {  	s5 =	simm.s32 $0xC0;
	s23 =	simm.s32 $0x80;
	s24 =	simm.s32 $0x109B8;
	v16 =	vld [tilespmem:s26+$0x77]  }
.LBB2_8:
0x137: {  	v18 =	vld [tilespmem:s24+$0xFFFFFF78];
	p0 =	sne.s32 s5, $0x1C0;
	(erf) = vpow2.f32 v17  }
0x138: {  	v5 =	vadd.f32 v1, v5;
	v17 =	vadd.f32 v3, v2;
	v1 =	vld [tilespmem:s24+$0xFFFFFF89]  }
0x139: {  	v19 =	vadd.f32 v6, v4;
	v7 =	vadd.f32 v9, v7;
	v2 =	vld [tilespmem:s24+$0xFFFFFF9A]  }
0x13a: {  	v8 =	vadd.f32 v10, v8;
	v9 =	vadd.f32 v12, v11;
	v3 =	vld [tilespmem:s24+$0xFFFFFFAB]  }
0x13b: {  	v10 =	vadd.f32 v14, v13;
	v4 =	vld [tilespmem:s24+$0xFFFFFFBC];
	v11 =	vadd.f32 v16, v15  }
0x13c: {  	s6 =	sshra.s32 s21, $0x2;
	s21 =	smov.u32 s22;
	s22 =	smov.u32 s23;
	v12 =	vadd.f32 v17, v5;
	v13 =	vadd.f32 v7, v19;
	v6 =	vld [tilespmem:s24+$0xFFFFFFCD];
	v14 =	vpop (erf);
	v5 =	vmov v18  }
0x13d: {  	s23 =	smov.u32 s5;
	v15 =	vadd.f32 v9, v8;
	v7 =	vld [tilespmem:s24+$0xFFFFFFDE];
	v10 =	vadd.f32 v11, v10;
	[tilespmem:s6+$0x10480] =	vst v14  }
0x13e: {  	v9 =	vld [tilespmem:s24+$0xFFFFFFEF]  }
0x13f: {  	v12 =	vadd.f32 v13, v12;
	v8 =	vld [tilespmem:s24+$0x0];
	v13 =	vadd.f32 v10, v15  }
0x140: {  	v10 =	vld [tilespmem:s24+$0x11];
	v14 =	vpop (erf)  }
0x141: {  	v11 =	vld [tilespmem:s24+$0x22];
	v15 =	vadd.f32 v13, v12;
	v14 =	vadd.f32 $1.000000000e+00, v14  }
.Ltmp3:
0x142: {  	v12 =	vld [tilespmem:s24+$0x33];
	(pc) =	sbr.rel @p0 .LBB2_8-.Ltmp3, $4  }
0x143: {  	v13 =	vld [tilespmem:s24+$0x44];
	v16 =	vsub.f32 $0.0e+00, v15;
	(erf) = vrcp.f32 v14  }
0x144: {  	v14 =	vld [tilespmem:s24+$0x55]  }
0x145: {  	v15 =	vld [tilespmem:s24+$0x66];
	v17 =	vmul.f32 $1.442695020e+00, v16  }
0x146: {  	s5 =	sadd.s32 $0x40, s5;
	v16 =	vld [tilespmem:s24+$0x77];
	s24 =	sadd.s32 $0x110, s24  }
0x147: {  	_ = 	snop  }
0x148: {  	v1 =	vadd.f32 v1, v5;
	v2 =	vadd.f32 v3, v2  }
0x149: {  	v3 =	vadd.f32 v6, v4;
	v4 =	vadd.f32 v9, v7  }
0x14a: {  	v5 =	vadd.f32 v10, v8;
	v6 =	vadd.f32 v12, v11  }
0x14b: {  	(erf) = vpow2.f32 v17;
	v7 =	vadd.f32 v14, v13;
	v8 =	vadd.f32 v16, v15  }
0x14c: {  	v1 =	vadd.f32 v2, v1;
	v2 =	vadd.f32 v4, v3  }
0x14d: {  	v3 =	vadd.f32 v6, v5;
	v4 =	vadd.f32 v8, v7;
	_ =	sdelay $0x1  }
0x14e: {  	v1 =	vadd.f32 v2, v1;
	v2 =	vadd.f32 v4, v3;
	_ =	sdelay $0x2  }
0x14f: {  	v1 =	vadd.f32 v2, v1  }
0x150: {  	v2 =	vpop (erf)  }
0x151: {  	v1 =	vsub.f32 $0.0e+00, v1;
	v3 =	vpop (erf)  }
0x152: {  	v3 =	vadd.f32 $1.000000000e+00, v3  }
0x153: {  	v1 =	vmul.f32 $1.442695020e+00, v1  }
0x154: {  	(erf) = vrcp.f32 v3  }
0x155: {  	(erf) = vpow2.f32 v1;
	_ =	sdelay $0x7  }
0x156: {  	v1 =	vpop (erf)  }
0x157: {  	v3 =	vpop (erf)  }
0x158: {  	v3 =	vadd.f32 $1.000000000e+00, v3;
	_ =	sdelay $0x1  }
0x159: {  	(erf) = vrcp.f32 v3;
	_ =	sdelay $0x6  }
0x15a: {  	s5 =	sshra.s32 s21, $0x2  }
0x15b: {  	s6 =	sshra.s32 s22, $0x2;
	[tilespmem:s5+$0x10480] =	vst v2  }
0x15c: {  	s21 =	sshra.s32 s23, $0x2;
	[tilespmem:s6+$0x10480] =	vst v1;
	v1 =	vpop (erf)  }
0x15d: {  	s22 =	simm.s32 $0x10480;
	[tilespmem:s21+$0x10480] =	vst v1;
	s21 =	simm.s32 $0x0  }
0x15e: {  	[hbm4b:s14+s21] =	stream.linear.scatter [tilespmem:s22], [sflag:$0x4], $0x80, $0x38;
	[tilespmem:$0x10E80] =	vst v63  }
0x15f: {  	_ =	swait.ge [sflag:s29], $0x4000  }
0x160: {  	[sflag:s29] =	ssyncset.done $0x0  }
0x161: {  	[sflag:s29] =	ssyncadd.s32 $0xFFFFC000  }
0x162: {  	_ =	swait.ge [sflag:s29], $0x4000  }
0x163: {  	[sflag:s29] =	ssyncset.done $0x0  }
0x164: {  	[sflag:s29] =	ssyncadd.s32 $0xFFFFC000  }
0x165: {  	_ =	swait.ge [sflag:s25], $0x80  }
0x166: {  	[sflag:s25] =	ssyncset.done $0x0  }
0x167: {  	[sflag:s25] =	ssyncadd.s32 $0xFFFFFF80  }
0x168: {  	_ =	swait.ge [sflag:s25], $0x80  }
0x169: {  	[sflag:s25] =	ssyncset.done $0x0  }
0x16a: {  	s23 =	simm.s32 $0x180;
	[sflag:s25] =	ssyncadd.s32 $0xFFFFFF80  }
0x16b: {  	[tilespmem:s30], [sflag:$0x2] =	stream.indirect.gather [hbm4b:s1+s19], $0x80, s23, s19, $0xb8;
	[tilespmem:$0x10E80] =	vst v63  }
0x16c: {  	s24 =	simm.s32 $0x380;
	s26 =	simm.s32 $0x440  }
0x16d: {  	[tilespmem:s31], [sflag:$0x2] =	stream.indirect.gather [hbm4b:s2+s19], $0x80, s24, s19, $0xb8;
	[tilespmem:$0x10E80] =	vst v63  }
0x16e: {  	s22 =	simm.s32 $0x8440;
	v6 =	vld [tilespmem:s26+$0xFFFFFFC0]  }
0x16f: {  	v1 =	vld [tilespmem:s22+$0xFFFFFFC0]  }
0x170: {  	v2 =	vld [tilespmem:s26+$0xFFFFFFD0]  }
0x171: {  	v3 =	vld [tilespmem:s22+$0xFFFFFFD0]  }
0x172: {  	v4 =	vld [tilespmem:s26+$0xFFFFFFE0]  }
0x173: {  	v5 =	vld [tilespmem:s22+$0xFFFFFFE0]  }
0x174: {  	v7 =	vld [tilespmem:s26+$0xFFFFFFF0]  }
0x175: {  	v8 =	vld [tilespmem:s22+$0xFFFFFFF0]  }
0x176: {  	v9 =	vld [tilespmem:s26+$0x0]  }
0x177: {  	v10 =	vld [tilespmem:s22+$0x0]  }
0x178: {  	v11 =	vld [tilespmem:s26+$0x10]  }
0x179: {  	v13 =	vld [tilespmem:s22+$0x10]  }
0x17a: {  	v12 =	vld [tilespmem:s26+$0x20]  }
0x17b: {  	v14 =	vld [tilespmem:s22+$0x20]  }
0x17c: {  	v15 =	vld [tilespmem:s26+$0x30]  }
0x17d: {  	s5 =	simm.s32 $0x4C0;
	s23 =	simm.s32 $0x0;
	s24 =	simm.s32 $0x1;
	v16 =	vld [tilespmem:s22+$0x30]  }
.LBB2_10:
0x17e: {  	v17 =	vld [tilespmem:s5+$0xFFFFFFC0];
	p0 =	sne.s32 s24, $0x7F;
	s22 =	sadd.s32 $0x80, s22  }
0x17f: {  	v6 =	vmul.f32 v1, v6;
	v18 =	vmul.f32 v3, v2;
	v1 =	vld [tilespmem:s22+$0xFFFFFFC0]  }
0x180: {  	v19 =	vmul.f32 v5, v4;
	v7 =	vmul.f32 v8, v7;
	v2 =	vld [tilespmem:s5+$0xFFFFFFD0]  }
0x181: {  	v8 =	vmul.f32 v10, v9;
	v9 =	vmul.f32 v13, v11;
	s6 =	sshrl.u32 s23, $0x4;
	v3 =	vld [tilespmem:s22+$0xFFFFFFD0]  }
0x182: {  	s6 =	smul.u32 $0x110, s6;
	v10 =	vmul.f32 v14, v12;
	v4 =	vld [tilespmem:s5+$0xFFFFFFE0];
	v11 =	vmul.f32 v16, v15  }
0x183: {  	s26 =	sand.u32 $0xF, s23;
	s23 =	smov.u32 s24;
	v12 =	vadd.f32 v18, v6;
	v13 =	vadd.f32 v7, v19;
	v5 =	vld [tilespmem:s22+$0xFFFFFFE0];
	v6 =	vmov v17  }
0x184: {  	v14 =	vadd.f32 v9, v8;
	s6 =	sor.u32 s26, s6;
	v7 =	vld [tilespmem:s5+$0xFFFFFFF0];
	v10 =	vadd.f32 v11, v10  }
0x185: {  	v15 =	vadd.s32 s6, v0;
	v8 =	vld [tilespmem:s22+$0xFFFFFFF0]  }
0x186: {  	v12 =	vadd.f32 v13, v12;
	v9 =	vld [tilespmem:s5+$0x0];
	v13 =	vadd.f32 v10, v14  }
0x187: {  	v10 =	vld [tilespmem:s22+$0x0]  }
0x188: {  	v11 =	vld [tilespmem:s5+$0x10];
	v14 =	vadd.f32 v13, v12  }
.Ltmp4:
0x189: {  	v13 =	vld [tilespmem:s22+$0x10];
	(pc) =	sbr.rel @p0 .LBB2_10-.Ltmp4, $4  }
0x18a: {  	v12 =	vld [tilespmem:s5+$0x20];
	[tilespmem:v15+s0+$0x0] =	vst.idx.msk $0xffff, v14  }
0x18b: {  	v14 =	vld [tilespmem:s22+$0x20]  }
0x18c: {  	v15 =	vld [tilespmem:s5+$0x30]  }
0x18d: {  	s24 =	sadd.s32 $0x1, s24;
	s5 =	sadd.s32 $0x80, s5;
	v16 =	vld [tilespmem:s22+$0x30]  }
0x18e: {  	_ = 	snop  }
0x18f: {  	v1 =	vmul.f32 v1, v6;
	v2 =	vmul.f32 v3, v2  }
0x190: {  	v3 =	vmul.f32 v5, v4;
	v4 =	vmul.f32 v8, v7  }
0x191: {  	v5 =	vmul.f32 v10, v9;
	v6 =	vmul.f32 v13, v11;
	s5 =	sshrl.u32 s23, $0x4  }
0x192: {  	s5 =	smul.u32 $0x110, s5;
	v7 =	vmul.f32 v14, v12;
	v8 =	vmul.f32 v16, v15  }
0x193: {  	s6 =	sand.u32 $0xF, s23;
	v1 =	vadd.f32 v2, v1;
	v2 =	vadd.f32 v4, v3  }
0x194: {  	v3 =	vadd.f32 v6, v5;
	s5 =	sor.u32 s6, s5;
	v4 =	vadd.f32 v8, v7  }
0x195: {  	v5 =	vadd.s32 s5, v0  }
0x196: {  	v1 =	vadd.f32 v2, v1;
	v2 =	vadd.f32 v4, v3;
	_ =	sdelay $0x1  }
0x197: {  	v1 =	vadd.f32 v2, v1;
	_ =	sdelay $0x1  }
0x198: {  	s23 =	simm.s32 $0x10688;
	[tilespmem:v5+s0+$0x0] =	vst.idx.msk $0xffff, v1  }
0x199: {  	v1 =	vld [tilespmem:s23+$0xFFFFFF78]  }
0x19a: {  	v2 =	vld [tilespmem:s23+$0xFFFFFF89]  }
0x19b: {  	v3 =	vld [tilespmem:s23+$0xFFFFFF9A]  }
0x19c: {  	v4 =	vld [tilespmem:s23+$0xFFFFFFAB]  }
0x19d: {  	v5 =	vld [tilespmem:s23+$0xFFFFFFBC]  }
0x19e: {  	v6 =	vld [tilespmem:s23+$0xFFFFFFCD]  }
0x19f: {  	v7 =	vld [tilespmem:s23+$0xFFFFFFDE]  }
0x1a0: {  	v8 =	vld [tilespmem:s23+$0xFFFFFFEF]  }
0x1a1: {  	v9 =	vld [tilespmem:s23+$0x0]  }
0x1a2: {  	v10 =	vld [tilespmem:s23+$0x11]  }
0x1a3: {  	v11 =	vld [tilespmem:s23+$0x22]  }
0x1a4: {  	v12 =	vld [tilespmem:s23+$0x33]  }
0x1a5: {  	v13 =	vld [tilespmem:s23+$0x44]  }
0x1a6: {  	v14 =	vld [tilespmem:s23+$0x55]  }
0x1a7: {  	v15 =	vld [tilespmem:s23+$0x66]  }
0x1a8: {  	s24 =	simm.s32 $0x10798;
	v16 =	vld [tilespmem:s23+$0x77]  }
0x1a9: {  	v17 =	vld [tilespmem:s24+$0xFFFFFF78]  }
0x1aa: {  	v18 =	vld [tilespmem:s24+$0xFFFFFF89];
	v1 =	vadd.f32 v2, v1;
	v2 =	vadd.f32 v4, v3  }
0x1ab: {  	v19 =	vld [tilespmem:s24+$0xFFFFFF9A];
	v4 =	vadd.f32 v6, v5;
	v5 =	vadd.f32 v8, v7  }
0x1ac: {  	v20 =	vld [tilespmem:s24+$0xFFFFFFAB];
	v7 =	vadd.f32 v10, v9;
	v8 =	vadd.f32 v12, v11  }
0x1ad: {  	v3 =	vld [tilespmem:s24+$0xFFFFFFBC];
	v10 =	vadd.f32 v14, v13;
	v11 =	vadd.f32 v16, v15  }
0x1ae: {  	v6 =	vld [tilespmem:s24+$0xFFFFFFCD];
	v1 =	vadd.f32 v2, v1;
	v2 =	vadd.f32 v5, v4  }
0x1af: {  	v9 =	vld [tilespmem:s24+$0xFFFFFFDE];
	v5 =	vadd.f32 v8, v7;
	v7 =	vadd.f32 v11, v10  }
0x1b0: {  	v12 =	vld [tilespmem:s24+$0xFFFFFFEF]  }
0x1b1: {  	v13 =	vld [tilespmem:s24+$0x55];
	v1 =	vadd.f32 v2, v1;
	v2 =	vadd.f32 v7, v5  }
0x1b2: {  	v14 =	vld [tilespmem:s24+$0x66]  }
0x1b3: {  	v15 =	vld [tilespmem:s24+$0x77];
	v1 =	vadd.f32 v2, v1  }
0x1b4: {  	v4 =	vld [tilespmem:s24+$0x0]  }
0x1b5: {  	v8 =	vld [tilespmem:s24+$0x11];
	v1 =	vsub.f32 $0.0e+00, v1  }
0x1b6: {  	v10 =	vld [tilespmem:s24+$0x22]  }
0x1b7: {  	v7 =	vld [tilespmem:s24+$0x33];
	v16 =	vmul.f32 $1.442695020e+00, v1  }
0x1b8: {  	s26 =	simm.s32 $0x108A8;
	v11 =	vld [tilespmem:s24+$0x44]  }
0x1b9: {  	v5 =	vld [tilespmem:s26+$0xFFFFFF78];
	(erf) = vpow2.f32 v16  }
0x1ba: {  	v17 =	vadd.f32 v18, v17;
	v18 =	vadd.f32 v20, v19;
	v2 =	vld [tilespmem:s26+$0xFFFFFF9A]  }
0x1bb: {  	v9 =	vadd.f32 v12, v9;
	v8 =	vadd.f32 v8, v4;
	v4 =	vld [tilespmem:s26+$0xFFFFFFBC]  }
0x1bc: {  	v12 =	vadd.f32 v15, v14;
	v10 =	vadd.f32 v7, v10;
	v7 =	vld [tilespmem:s26+$0xFFFFFFDE]  }
0x1bd: {  	v11 =	vadd.f32 v13, v11;
	v1 =	vld [tilespmem:s26+$0xFFFFFF89];
	v16 =	vadd.f32 v6, v3  }
0x1be: {  	v13 =	vadd.f32 v18, v17;
	v10 =	vadd.f32 v10, v8;
	v8 =	vld [tilespmem:s26+$0x0]  }
0x1bf: {  	v11 =	vadd.f32 v12, v11;
	v3 =	vld [tilespmem:s26+$0xFFFFFFAB];
	v14 =	vadd.f32 v9, v16  }
0x1c0: {  	v6 =	vld [tilespmem:s26+$0xFFFFFFCD]  }
0x1c1: {  	v9 =	vld [tilespmem:s26+$0xFFFFFFEF];
	v12 =	vadd.f32 v14, v13;
	v13 =	vadd.f32 v11, v10  }
0x1c2: {  	v10 =	vld [tilespmem:s26+$0x11];
	v15 =	vpop (erf)  }
0x1c3: {  	v11 =	vld [tilespmem:s26+$0x22];
	v14 =	vadd.f32 v13, v12;
	v16 =	vadd.f32 $1.000000000e+00, v15  }
0x1c4: {  	v12 =	vld [tilespmem:s26+$0x33]  }
0x1c5: {  	v13 =	vld [tilespmem:s26+$0x44];
	v17 =	vsub.f32 $0.0e+00, v14;
	(erf) = vrcp.f32 v16  }
0x1c6: {  	v14 =	vld [tilespmem:s26+$0x55]  }
0x1c7: {  	s22 =	simm.s32 $0x40;
	v15 =	vld [tilespmem:s26+$0x66];
	v17 =	vmul.f32 $1.442695020e+00, v17  }
0x1c8: {  	s5 =	simm.s32 $0xC0;
	s23 =	simm.s32 $0x80;
	s24 =	simm.s32 $0x109B8;
	v16 =	vld [tilespmem:s26+$0x77]  }
.LBB2_12:
0x1c9: {  	v18 =	vld [tilespmem:s24+$0xFFFFFF78];
	p0 =	sne.s32 s5, $0x1C0;
	(erf) = vpow2.f32 v17  }
0x1ca: {  	v5 =	vadd.f32 v1, v5;
	v17 =	vadd.f32 v3, v2;
	v1 =	vld [tilespmem:s24+$0xFFFFFF89]  }
0x1cb: {  	v19 =	vadd.f32 v6, v4;
	v7 =	vadd.f32 v9, v7;
	v2 =	vld [tilespmem:s24+$0xFFFFFF9A]  }
0x1cc: {  	v8 =	vadd.f32 v10, v8;
	v9 =	vadd.f32 v12, v11;
	v3 =	vld [tilespmem:s24+$0xFFFFFFAB]  }
0x1cd: {  	v10 =	vadd.f32 v14, v13;
	v4 =	vld [tilespmem:s24+$0xFFFFFFBC];
	v11 =	vadd.f32 v16, v15  }
0x1ce: {  	s6 =	sshra.s32 s21, $0x2;
	s21 =	smov.u32 s22;
	s22 =	smov.u32 s23;
	v12 =	vadd.f32 v17, v5;
	v13 =	vadd.f32 v7, v19;
	v6 =	vld [tilespmem:s24+$0xFFFFFFCD];
	v14 =	vpop (erf);
	v5 =	vmov v18  }
0x1cf: {  	s23 =	smov.u32 s5;
	v15 =	vadd.f32 v9, v8;
	v7 =	vld [tilespmem:s24+$0xFFFFFFDE];
	v10 =	vadd.f32 v11, v10;
	[tilespmem:s6+$0x10500] =	vst v14  }
0x1d0: {  	v9 =	vld [tilespmem:s24+$0xFFFFFFEF]  }
0x1d1: {  	v12 =	vadd.f32 v13, v12;
	v8 =	vld [tilespmem:s24+$0x0];
	v13 =	vadd.f32 v10, v15  }
0x1d2: {  	v10 =	vld [tilespmem:s24+$0x11];
	v14 =	vpop (erf)  }
0x1d3: {  	v11 =	vld [tilespmem:s24+$0x22];
	v15 =	vadd.f32 v13, v12;
	v14 =	vadd.f32 $1.000000000e+00, v14  }
.Ltmp5:
0x1d4: {  	v12 =	vld [tilespmem:s24+$0x33];
	(pc) =	sbr.rel @p0 .LBB2_12-.Ltmp5, $4  }
0x1d5: {  	v13 =	vld [tilespmem:s24+$0x44];
	v16 =	vsub.f32 $0.0e+00, v15;
	(erf) = vrcp.f32 v14  }
0x1d6: {  	v14 =	vld [tilespmem:s24+$0x55]  }
0x1d7: {  	v15 =	vld [tilespmem:s24+$0x66];
	v17 =	vmul.f32 $1.442695020e+00, v16  }
0x1d8: {  	s5 =	sadd.s32 $0x40, s5;
	v16 =	vld [tilespmem:s24+$0x77];
	s24 =	sadd.s32 $0x110, s24  }
0x1d9: {  	_ = 	snop  }
0x1da: {  	v1 =	vadd.f32 v1, v5;
	v2 =	vadd.f32 v3, v2  }
0x1db: {  	v3 =	vadd.f32 v6, v4;
	v4 =	vadd.f32 v9, v7  }
0x1dc: {  	v5 =	vadd.f32 v10, v8;
	v6 =	vadd.f32 v12, v11  }
0x1dd: {  	(erf) = vpow2.f32 v17;
	v7 =	vadd.f32 v14, v13;
	v8 =	vadd.f32 v16, v15  }
0x1de: {  	v1 =	vadd.f32 v2, v1;
	v2 =	vadd.f32 v4, v3  }
0x1df: {  	v3 =	vadd.f32 v6, v5;
	v4 =	vadd.f32 v8, v7;
	_ =	sdelay $0x1  }
0x1e0: {  	v1 =	vadd.f32 v2, v1;
	v2 =	vadd.f32 v4, v3;
	_ =	sdelay $0x2  }
0x1e1: {  	v1 =	vadd.f32 v2, v1  }
0x1e2: {  	v2 =	vpop (erf)  }
0x1e3: {  	v1 =	vsub.f32 $0.0e+00, v1;
	v3 =	vpop (erf)  }
0x1e4: {  	v3 =	vadd.f32 $1.000000000e+00, v3  }
0x1e5: {  	v1 =	vmul.f32 $1.442695020e+00, v1  }
0x1e6: {  	(erf) = vrcp.f32 v3  }
0x1e7: {  	(erf) = vpow2.f32 v1;
	_ =	sdelay $0x7  }
0x1e8: {  	v1 =	vpop (erf)  }
0x1e9: {  	v3 =	vpop (erf)  }
0x1ea: {  	v3 =	vadd.f32 $1.000000000e+00, v3;
	_ =	sdelay $0x1  }
0x1eb: {  	(erf) = vrcp.f32 v3;
	_ =	sdelay $0x6  }
0x1ec: {  	s5 =	sshra.s32 s21, $0x2  }
0x1ed: {  	s21 =	sshra.s32 s22, $0x2;
	[tilespmem:s5+$0x10500] =	vst v2  }
0x1ee: {  	s22 =	sshra.s32 s23, $0x2;
	[tilespmem:s21+$0x10500] =	vst v1;
	v1 =	vpop (erf)  }
0x1ef: {  	s23 =	simm.s32 $0x10500;
	s21 =	simm.s32 $0x0;
	[tilespmem:s22+$0x10500] =	vst v1  }
0x1f0: {  	[hbm4b:s15+s21] =	stream.linear.scatter [tilespmem:s23], [sflag:$0x4], $0x80, $0x38;
	[tilespmem:$0x10E80] =	vst v63  }
0x1f1: {  	_ =	swait.ge [sflag:s3], $0x4000  }
0x1f2: {  	[sflag:s3] =	ssyncset.done $0x0  }
0x1f3: {  	[sflag:s3] =	ssyncadd.s32 $0xFFFFC000  }
0x1f4: {  	_ =	swait.ge [sflag:s3], $0x4000  }
0x1f5: {  	[sflag:s3] =	ssyncset.done $0x0  }
0x1f6: {  	s24 =	simm.s32 $0x0;
	[sflag:s3] =	ssyncadd.s32 $0xFFFFC000  }
0x1f7: {  	v3 =	vld [tilespmem:s24+$0x4400]  }
0x1f8: {  	v4 =	vld [tilespmem:s24+$0xC400]  }
0x1f9: {  	v6 =	vld [tilespmem:s24+$0x4410]  }
0x1fa: {  	v7 =	vld [tilespmem:s24+$0xC410]  }
0x1fb: {  	v8 =	vld [tilespmem:s24+$0x4420]  }
0x1fc: {  	v9 =	vld [tilespmem:s24+$0xC420]  }
0x1fd: {  	v10 =	vld [tilespmem:s24+$0x4430]  }
0x1fe: {  	v11 =	vld [tilespmem:s24+$0xC430]  }
0x1ff: {  	v12 =	vld [tilespmem:s24+$0x4440]  }
0x200: {  	v13 =	vld [tilespmem:s24+$0xC440]  }
0x201: {  	v14 =	vld [tilespmem:s24+$0x4450]  }
0x202: {  	v15 =	vld [tilespmem:s24+$0xC450]  }
0x203: {  	v16 =	vld [tilespmem:s24+$0x4460]  }
0x204: {  	v17 =	vld [tilespmem:s24+$0xC460]  }
0x205: {  	v18 =	vld [tilespmem:s24+$0x4470]  }
0x206: {  	s22 =	simm.s32 $0x80;
	v19 =	vld [tilespmem:s24+$0xC470]  }
0x207: {  	v5 =	vld [tilespmem:s22+$0x4400]  }
0x208: {  	v1 =	vld [tilespmem:s22+$0xC400]  }
0x209: {  	v2 =	vld [tilespmem:s22+$0x4410]  }
0x20a: {  	v20 =	vmul.f32 v4, v3;
	v21 =	vmul.f32 v7, v6;
	v3 =	vld [tilespmem:s22+$0xC410]  }
0x20b: {  	v8 =	vmul.f32 v9, v8;
	v9 =	vmul.f32 v11, v10;
	v4 =	vld [tilespmem:s22+$0x4420]  }
0x20c: {  	s26 =	simm.s32 $0x0;
	v10 =	vmul.f32 v13, v12;
	v11 =	vmul.f32 v15, v14;
	v6 =	vld [tilespmem:s22+$0xC420]  }
0x20d: {  	s5 =	smul.u32 $0x110, s26;
	v12 =	vmul.f32 v17, v16;
	v13 =	vmul.f32 v19, v18;
	v7 =	vld [tilespmem:s22+$0x4430]  }
0x20e: {  	s6 =	sand.u32 $0xF, s21;
	v14 =	vadd.f32 v21, v20;
	v15 =	vadd.f32 v9, v8;
	v8 =	vld [tilespmem:s22+$0xC430]  }
0x20f: {  	s5 =	sor.u32 s6, s5;
	v11 =	vadd.f32 v11, v10;
	v12 =	vadd.f32 v13, v12;
	v9 =	vld [tilespmem:s22+$0x4440]  }
0x210: {  	v16 =	vadd.s32 s5, v0;
	v10 =	vld [tilespmem:s22+$0xC440]  }
0x211: {  	v13 =	vld [tilespmem:s22+$0xC450];
	v14 =	vadd.f32 v15, v14;
	v12 =	vadd.f32 v12, v11  }
0x212: {  	v11 =	vld [tilespmem:s22+$0x4450]  }
0x213: {  	v15 =	vadd.f32 v12, v14;
	v12 =	vld [tilespmem:s22+$0x4460]  }
0x214: {  	v14 =	vld [tilespmem:s22+$0xC460]  }
0x215: {  	s26 =	simm.s32 $0x100;
	s23 =	simm.s32 $0x0;
	s5 =	simm.s32 $0x400;
	[tilespmem:v16+s0+$0x0] =	vst.idx.msk $0xffff, v15;
	v15 =	vld [tilespmem:s22+$0x4470]  }
.LBB2_14:
0x216: {  	p0 =	sne.s32 s5, $0xFE00;
	v16 =	vld [tilespmem:s22+$0xC470];
	s22 =	sshra.s32 s5, $0x2  }
0x217: {  	v17 =	vld [tilespmem:s22+$0x4400]  }
0x218: {  	v5 =	vmul.f32 v1, v5;
	v18 =	vmul.f32 v3, v2;
	v1 =	vld [tilespmem:s22+$0xC400]  }
0x219: {  	v19 =	vmul.f32 v6, v4;
	v7 =	vmul.f32 v8, v7;
	s23 =	sadd.s32 $0x1, s23;
	v2 =	vld [tilespmem:s22+$0x4410]  }
0x21a: {  	v8 =	vmul.f32 v10, v9;
	v9 =	vmul.f32 v13, v11;
	s6 =	sshrl.u32 s23, $0x4;
	v3 =	vld [tilespmem:s22+$0xC410]  }
0x21b: {  	s6 =	smul.u32 $0x110, s6;
	v10 =	vmul.f32 v14, v12;
	v4 =	vld [tilespmem:s22+$0x4420];
	v11 =	vmul.f32 v16, v15  }
0x21c: {  	s24 =	sand.u32 $0xF, s23;
	v13 =	vadd.f32 v7, v19;
	v12 =	vadd.f32 v18, v5;
	v6 =	vld [tilespmem:s22+$0xC420];
	v5 =	vmov v17  }
0x21d: {  	v14 =	vadd.f32 v9, v8;
	s6 =	sor.u32 s24, s6;
	v7 =	vld [tilespmem:s22+$0x4430];
	v10 =	vadd.f32 v11, v10  }
0x21e: {  	v15 =	vadd.s32 s6, v0;
	v8 =	vld [tilespmem:s22+$0xC430]  }
0x21f: {  	v12 =	vadd.f32 v13, v12;
	v9 =	vld [tilespmem:s22+$0x4440];
	v13 =	vadd.f32 v10, v14  }
0x220: {  	v10 =	vld [tilespmem:s22+$0xC440]  }
.Ltmp6:
0x221: {  	v11 =	vld [tilespmem:s22+$0x4450];
	v14 =	vadd.f32 v13, v12;
	(pc) =	sbr.rel @p0 .LBB2_14-.Ltmp6, $4  }
0x222: {  	v13 =	vld [tilespmem:s22+$0xC450]  }
0x223: {  	v12 =	vld [tilespmem:s22+$0x4460];
	[tilespmem:v15+s0+$0x0] =	vst.idx.msk $0xffff, v14  }
0x224: {  	v14 =	vld [tilespmem:s22+$0xC460]  }
0x225: {  	s5 =	sadd.s32 $0x200, s5;
	v15 =	vld [tilespmem:s22+$0x4470]  }
0x226: {  	v16 =	vld [tilespmem:s22+$0xC470];
	_ =	sdelay $0x1  }
0x227: {  	v1 =	vmul.f32 v1, v5;
	v2 =	vmul.f32 v3, v2  }
0x228: {  	v3 =	vmul.f32 v6, v4;
	v4 =	vmul.f32 v8, v7;
	s5 =	sadd.s32 $0x1, s23  }
0x229: {  	v5 =	vmul.f32 v10, v9;
	v6 =	vmul.f32 v13, v11;
	s6 =	sshrl.u32 s5, $0x4  }
0x22a: {  	s6 =	smul.u32 $0x110, s6;
	v7 =	vmul.f32 v14, v12;
	v8 =	vmul.f32 v16, v15  }
0x22b: {  	s5 =	sand.u32 $0xF, s5;
	v1 =	vadd.f32 v2, v1;
	v2 =	vadd.f32 v4, v3  }
0x22c: {  	v3 =	vadd.f32 v6, v5;
	s5 =	sor.u32 s5, s6;
	v4 =	vadd.f32 v8, v7  }
0x22d: {  	v5 =	vadd.s32 s5, v0  }
0x22e: {  	v1 =	vadd.f32 v2, v1;
	v2 =	vadd.f32 v4, v3;
	_ =	sdelay $0x1  }
0x22f: {  	v1 =	vadd.f32 v2, v1;
	_ =	sdelay $0x1  }
0x230: {  	s22 =	simm.s32 $0x10688;
	[tilespmem:v5+s0+$0x0] =	vst.idx.msk $0xffff, v1  }
0x231: {  	v1 =	vld [tilespmem:s22+$0xFFFFFF78]  }
0x232: {  	v2 =	vld [tilespmem:s22+$0xFFFFFF89]  }
0x233: {  	v3 =	vld [tilespmem:s22+$0xFFFFFF9A]  }
0x234: {  	v4 =	vld [tilespmem:s22+$0xFFFFFFAB]  }
0x235: {  	v5 =	vld [tilespmem:s22+$0xFFFFFFBC]  }
0x236: {  	v6 =	vld [tilespmem:s22+$0xFFFFFFCD]  }
0x237: {  	v7 =	vld [tilespmem:s22+$0xFFFFFFDE]  }
0x238: {  	v8 =	vld [tilespmem:s22+$0xFFFFFFEF]  }
0x239: {  	v9 =	vld [tilespmem:s22+$0x0]  }
0x23a: {  	v10 =	vld [tilespmem:s22+$0x11]  }
0x23b: {  	v11 =	vld [tilespmem:s22+$0x22]  }
0x23c: {  	v12 =	vld [tilespmem:s22+$0x33]  }
0x23d: {  	v13 =	vld [tilespmem:s22+$0x44]  }
0x23e: {  	v14 =	vld [tilespmem:s22+$0x55]  }
0x23f: {  	v15 =	vld [tilespmem:s22+$0x66]  }
0x240: {  	s23 =	simm.s32 $0x10798;
	v16 =	vld [tilespmem:s22+$0x77]  }
0x241: {  	v17 =	vld [tilespmem:s23+$0xFFFFFF78]  }
0x242: {  	v18 =	vld [tilespmem:s23+$0xFFFFFF89];
	v1 =	vadd.f32 v2, v1;
	v2 =	vadd.f32 v4, v3  }
0x243: {  	v19 =	vld [tilespmem:s23+$0xFFFFFF9A];
	v4 =	vadd.f32 v6, v5;
	v5 =	vadd.f32 v8, v7  }
0x244: {  	v20 =	vld [tilespmem:s23+$0xFFFFFFAB];
	v7 =	vadd.f32 v10, v9;
	v8 =	vadd.f32 v12, v11  }
0x245: {  	v3 =	vld [tilespmem:s23+$0xFFFFFFBC];
	v10 =	vadd.f32 v14, v13;
	v11 =	vadd.f32 v16, v15  }
0x246: {  	v6 =	vld [tilespmem:s23+$0xFFFFFFCD];
	v1 =	vadd.f32 v2, v1;
	v2 =	vadd.f32 v5, v4  }
0x247: {  	v9 =	vld [tilespmem:s23+$0xFFFFFFDE];
	v5 =	vadd.f32 v8, v7;
	v7 =	vadd.f32 v11, v10  }
0x248: {  	v12 =	vld [tilespmem:s23+$0xFFFFFFEF]  }
0x249: {  	v13 =	vld [tilespmem:s23+$0x55];
	v1 =	vadd.f32 v2, v1;
	v2 =	vadd.f32 v7, v5  }
0x24a: {  	v14 =	vld [tilespmem:s23+$0x66]  }
0x24b: {  	v15 =	vld [tilespmem:s23+$0x77];
	v1 =	vadd.f32 v2, v1  }
0x24c: {  	v4 =	vld [tilespmem:s23+$0x0]  }
0x24d: {  	v8 =	vld [tilespmem:s23+$0x11];
	v1 =	vsub.f32 $0.0e+00, v1  }
0x24e: {  	v10 =	vld [tilespmem:s23+$0x22]  }
0x24f: {  	v7 =	vld [tilespmem:s23+$0x33];
	v16 =	vmul.f32 $1.442695020e+00, v1  }
0x250: {  	s24 =	simm.s32 $0x108A8;
	v11 =	vld [tilespmem:s23+$0x44]  }
0x251: {  	v5 =	vld [tilespmem:s24+$0xFFFFFF78];
	(erf) = vpow2.f32 v16  }
0x252: {  	v17 =	vadd.f32 v18, v17;
	v18 =	vadd.f32 v20, v19;
	v2 =	vld [tilespmem:s24+$0xFFFFFF9A]  }
0x253: {  	v9 =	vadd.f32 v12, v9;
	v8 =	vadd.f32 v8, v4;
	v4 =	vld [tilespmem:s24+$0xFFFFFFBC]  }
0x254: {  	v12 =	vadd.f32 v15, v14;
	v10 =	vadd.f32 v7, v10;
	v7 =	vld [tilespmem:s24+$0xFFFFFFDE]  }
0x255: {  	v11 =	vadd.f32 v13, v11;
	v1 =	vld [tilespmem:s24+$0xFFFFFF89];
	v16 =	vadd.f32 v6, v3  }
0x256: {  	v13 =	vadd.f32 v18, v17;
	v10 =	vadd.f32 v10, v8;
	v8 =	vld [tilespmem:s24+$0x0]  }
0x257: {  	v11 =	vadd.f32 v12, v11;
	v3 =	vld [tilespmem:s24+$0xFFFFFFAB];
	v14 =	vadd.f32 v9, v16  }
0x258: {  	v6 =	vld [tilespmem:s24+$0xFFFFFFCD]  }
0x259: {  	v9 =	vld [tilespmem:s24+$0xFFFFFFEF];
	v12 =	vadd.f32 v14, v13;
	v13 =	vadd.f32 v11, v10  }
0x25a: {  	v10 =	vld [tilespmem:s24+$0x11];
	v15 =	vpop (erf)  }
0x25b: {  	v11 =	vld [tilespmem:s24+$0x22];
	v14 =	vadd.f32 v13, v12;
	v16 =	vadd.f32 $1.000000000e+00, v15  }
0x25c: {  	v12 =	vld [tilespmem:s24+$0x33]  }
0x25d: {  	v13 =	vld [tilespmem:s24+$0x44];
	v17 =	vsub.f32 $0.0e+00, v14;
	(erf) = vrcp.f32 v16  }
0x25e: {  	v14 =	vld [tilespmem:s24+$0x55]  }
0x25f: {  	s5 =	simm.s32 $0xC0;
	v15 =	vld [tilespmem:s24+$0x66];
	v17 =	vmul.f32 $1.442695020e+00, v17  }
0x260: {  	s22 =	simm.s32 $0x40;
	s23 =	simm.s32 $0x80;
	v16 =	vld [tilespmem:s24+$0x77];
	s24 =	simm.s32 $0x109B8  }
.LBB2_16:
0x261: {  	v18 =	vld [tilespmem:s24+$0xFFFFFF78];
	p0 =	sne.s32 s5, $0x1C0;
	(erf) = vpow2.f32 v17  }
0x262: {  	v5 =	vadd.f32 v1, v5;
	v17 =	vadd.f32 v3, v2;
	v1 =	vld [tilespmem:s24+$0xFFFFFF89]  }
0x263: {  	v19 =	vadd.f32 v6, v4;
	v7 =	vadd.f32 v9, v7;
	v2 =	vld [tilespmem:s24+$0xFFFFFF9A]  }
0x264: {  	v8 =	vadd.f32 v10, v8;
	v9 =	vadd.f32 v12, v11;
	v3 =	vld [tilespmem:s24+$0xFFFFFFAB]  }
0x265: {  	v10 =	vadd.f32 v14, v13;
	v4 =	vld [tilespmem:s24+$0xFFFFFFBC];
	v11 =	vadd.f32 v16, v15  }
0x266: {  	s6 =	sshra.s32 s21, $0x2;
	s21 =	smov.u32 s22;
	s22 =	smov.u32 s23;
	v12 =	vadd.f32 v17, v5;
	v13 =	vadd.f32 v7, v19;
	v6 =	vld [tilespmem:s24+$0xFFFFFFCD];
	v14 =	vpop (erf);
	v5 =	vmov v18  }
0x267: {  	s23 =	smov.u32 s5;
	v15 =	vadd.f32 v9, v8;
	v7 =	vld [tilespmem:s24+$0xFFFFFFDE];
	v10 =	vadd.f32 v11, v10;
	[tilespmem:s6+$0x10580] =	vst v14  }
0x268: {  	v9 =	vld [tilespmem:s24+$0xFFFFFFEF]  }
0x269: {  	v12 =	vadd.f32 v13, v12;
	v8 =	vld [tilespmem:s24+$0x0];
	v13 =	vadd.f32 v10, v15  }
0x26a: {  	v10 =	vld [tilespmem:s24+$0x11];
	v14 =	vpop (erf)  }
0x26b: {  	v11 =	vld [tilespmem:s24+$0x22];
	v15 =	vadd.f32 v13, v12;
	v14 =	vadd.f32 $1.000000000e+00, v14  }
.Ltmp7:
0x26c: {  	v12 =	vld [tilespmem:s24+$0x33];
	(pc) =	sbr.rel @p0 .LBB2_16-.Ltmp7, $4  }
0x26d: {  	v13 =	vld [tilespmem:s24+$0x44];
	v16 =	vsub.f32 $0.0e+00, v15;
	(erf) = vrcp.f32 v14  }
0x26e: {  	v14 =	vld [tilespmem:s24+$0x55]  }
0x26f: {  	v15 =	vld [tilespmem:s24+$0x66];
	v17 =	vmul.f32 $1.442695020e+00, v16  }
0x270: {  	s5 =	sadd.s32 $0x40, s5;
	v16 =	vld [tilespmem:s24+$0x77];
	s24 =	sadd.s32 $0x110, s24  }
0x271: {  	_ = 	snop  }
0x272: {  	v1 =	vadd.f32 v1, v5;
	v2 =	vadd.f32 v3, v2  }
0x273: {  	v3 =	vadd.f32 v6, v4;
	v58 =	vadd.f32 v9, v7  }
0x274: {  	v59 =	vadd.f32 v10, v8;
	v60 =	vadd.f32 v12, v11  }
0x275: {  	(erf) = vpow2.f32 v17;
	v61 =	vadd.f32 v14, v13;
	v62 =	vadd.f32 v16, v15  }
0x276: {  	v1 =	vadd.f32 v2, v1;
	v2 =	vadd.f32 v58, v3  }
0x277: {  	v3 =	vadd.f32 v60, v59;
	v63 =	vadd.f32 v62, v61;
	_ =	sdelay $0x1  }
0x278: {  	v1 =	vadd.f32 v2, v1;
	v2 =	vadd.f32 v63, v3;
	_ =	sdelay $0x2  }
0x279: {  	v1 =	vadd.f32 v2, v1  }
0x27a: {  	v2 =	vpop (erf)  }
0x27b: {  	v1 =	vsub.f32 $0.0e+00, v1;
	v3 =	vpop (erf)  }
0x27c: {  	v3 =	vadd.f32 $1.000000000e+00, v3  }
0x27d: {  	v1 =	vmul.f32 $1.442695020e+00, v1  }
0x27e: {  	(erf) = vrcp.f32 v3  }
0x27f: {  	(erf) = vpow2.f32 v1;
	_ =	sdelay $0x7  }
0x280: {  	v1 =	vpop (erf)  }
0x281: {  	v3 =	vpop (erf)  }
0x282: {  	v3 =	vadd.f32 $1.000000000e+00, v3;
	_ =	sdelay $0x1  }
0x283: {  	(erf) = vrcp.f32 v3;
	_ =	sdelay $0x6  }
0x284: {  	s5 =	sshra.s32 s21, $0x2  }
0x285: {  	s22 =	sshra.s32 s22, $0x2;
	[tilespmem:s5+$0x10580] =	vst v2  }
0x286: {  	s23 =	sshra.s32 s23, $0x2;
	[tilespmem:s22+$0x10580] =	vst v1;
	v1 =	vpop (erf)  }
0x287: {  	s24 =	simm.s32 $0x10580;
	[tilespmem:s23+$0x10580] =	vst v1  }
0x288: {  	[hbm4b:s16+s4] =	stream.linear.scatter [tilespmem:s24], [sflag:$0x4], $0x80, $0x38;
	[tilespmem:$0x10E80] =	vst v63  }
0x289: {  	_ =	swait.ge [sflag:s18], $0x80  }
0x28a: {  	[sflag:s18] =	ssyncset.done $0x0  }
0x28b: {  	[sflag:s18] =	ssyncadd.s32 $0xFFFFFF80  }
0x28c: {  	_ =	swait.ge [sflag:s18], $0x80  }
0x28d: {  	[sflag:s18] =	ssyncset.done $0x0  }
0x28e: {  	s20 =	sadd.s32 $0x1, s20;
	[sflag:s18] =	ssyncadd.s32 $0xFFFFFF80  }
0x28f: {  	p0 =	sne.s32 s20, s17;
	_ =	swait.ge [sflag:s18], $0x80  }
.Ltmp8:
0x290: {  	[sflag:s18] =	ssyncset.done $0x0;
	(pc) =	sbr.rel @p0 .LBB2_1-.Ltmp8, $4  }
0x291: {  	[sflag:s18] =	ssyncadd.s32 $0xFFFFFF80  }
0x292: {  	_ =	swait.ge [sflag:s18], $0x80  }
0x293: {  	[sflag:s18] =	ssyncset.done $0x0  }
0x294: {  	[sflag:s18] =	ssyncadd.s32 $0xFFFFFF80  }
0x295: {  	_ =	sfence.sel $0x180000  }
0x296: {  	[bflag:$0x0] =	sbarrier.arrive $0xFFFF  }
0x297: {  	_ =	strace $0x90000047  }
0x298: {  	s0 =	stileid.u32;
	[bflag:$0x2] =	sbarrier.arrive $0xFFFF  }
0x299: {  	p0 =	sne.s32 s0, $0x0;
	s0 =	rddreg [dreg:$0x5]  }
0x29a: {  	s0 =	sadd.s32 @!p0 $0x100000, s0  }
0x29b: {  	[sflag:s0] =	ssyncadd.tile.s32 @!p0 $0x1;
	_ =	shalt  }
.Lfunc_end2:
_tile_overlayer_lowered:
.L_overlay_start_2:
0x29c: {  	(tag) =	ssettag $0x2  }
0x29d: {  	s0 =	rddreg [dreg:$0x0];
	s2 =	stileid.u32  }
0x29e: {  	s1 =	rddreg [dreg:$0x1];
	p0 =	sne.s32 s2, $0x0  }
0x29f: {  	s3 =	rddreg [dreg:$0x2];
	[bflag:$0x3] =	sbarrier.arrive $0xFFFF;
	s2 =	simm.s32 @!p0 $0x1C05  }
0x2a0: {  	[timem:s3], [sflag:s2] =	dma.local @!p0 [hbm:s0], s1  }
0x2a1: {  	s0 =	simm.s32 @!p0 $0x5  }
0x2a2: {  	_ =	swait.ge @!p0 [sflag:s0], s1  }
0x2a3: {  	s1 =	ssub.s32 @!p0 $0x0, s1;
	[sflag:s0] =	ssyncset.done @!p0 $0x0  }
0x2a4: {  	[sflag:s0] =	ssyncadd.s32 @!p0 s1  }
0x2a5: {  	[bflag:$0x3] =	sbarrier.arrive $0xFFFF  }
0x2a6: {  	_ =	shalt  }

</sc_bundles>
